<compile_context>
chip_gen: v7x
topology: tpu7x:2x2x1
jax: 0.10.2.dev20260603
libtpu: 0.0.44.dev20260713+nightly
codegen_flags: <defaults>
</compile_context>

<pallas_src>
import functools

import jax
import jax.numpy as jnp
from jax import lax
from jax.experimental import pallas as pl
from jax.experimental.pallas import tpu as pltpu
from jax.experimental.pallas import tpu_sc as plsc

NC = 2
NS = 16
LANES = 16
NW = NC * NS


def _make_deg_mask_kernel(N, E, NLABP):
    EPW = E // NW
    HC = 128
    HR = (N + HC - 1) // HC
    HR = ((HR + NS - 1) // NS) * NS
    RPT = HR // NS
    mesh = plsc.VectorSubcoreMesh(
        core_axis_name="c", subcore_axis_name="s",
        num_cores=NC, num_subcores=NS)

    @functools.partial(
        pl.kernel,
        out_type=(
            jax.ShapeDtypeStruct((NC, HR, HC), jnp.float32),
            jax.ShapeDtypeStruct((N,), jnp.float32),
        ),
        mesh=mesh,
        scratch_types=[
            pltpu.VMEM((EPW,), jnp.int32),
            pltpu.VMEM((HR, HC), jnp.float32),
            pltpu.VMEM((HR,), jnp.int32),
            pltpu.VMEM((NLABP,), jnp.int32),
            pltpu.VMEM((N,), jnp.float32),
            pltpu.VMEM_SHARED((HR, HC), jnp.float32),
        ],
        compiler_params=pltpu.CompilerParams(
            needs_layout_passes=False, use_tc_tiling_on_sc=False),
    )
    def deg_mask(dst_hbm, idxlab_hbm, deg_out, mask_out,
                 dstbuf, hist, rowids, labbuf, maskbuf, dacc):
        cid = lax.axis_index("c")
        sid = lax.axis_index("s")
        wid = cid * NS + sid
        ones = jnp.ones((LANES,), jnp.float32)
        zeros = jnp.zeros((LANES,), jnp.float32)
        iota = lax.iota(jnp.int32, LANES)

        pltpu.sync_copy(dst_hbm.at[pl.ds(wid * EPW, EPW)], dstbuf)

        @pl.loop(0, HR)
        def _(r):
            @pl.loop(0, HC // LANES)
            def _(i):
                hist[r, pl.ds(i * LANES, LANES)] = zeros

        @pl.loop(0, HR // LANES)
        def _(i):
            rowids[pl.ds(i * LANES, LANES)] = iota + i * LANES

        pltpu.sync_copy(hist.at[pl.ds(sid * RPT, RPT)],
                        dacc.at[pl.ds(sid * RPT, RPT)])

        @pl.loop(0, EPW // LANES)
        def _(i):
            idx = dstbuf[pl.ds(i * LANES, LANES)]
            plsc.addupdate_scatter(
                hist, [lax.shift_right_logical(idx, 7),
                       lax.bitwise_and(idx, HC - 1)], ones)

        plsc.subcore_barrier()
        pltpu.sync_copy(hist, dacc.at[rowids], add=True)
        plsc.subcore_barrier()
        pltpu.sync_copy(dacc.at[pl.ds(sid * RPT, RPT)],
                        deg_out.at[cid, pl.ds(sid * RPT, RPT)])

        @pl.when(wid == 0)
        def _():
            pltpu.sync_copy(idxlab_hbm, labbuf)

            @pl.loop(0, N // LANES)
            def _(i):
                maskbuf[pl.ds(i * LANES, LANES)] = zeros

            @pl.loop(0, NLABP // LANES)
            def _(i):
                idx = labbuf[pl.ds(i * LANES, LANES)]
                plsc.store_scatter(maskbuf, [idx], ones)

            pltpu.sync_copy(maskbuf, mask_out)

    return deg_mask


def _make_spmm_kernel(N, E, W, K):
    EPW = E // NS
    CHUNKS = EPW // K
    assert CHUNKS * K == EPW and CHUNKS >= 7 and (CHUNKS - 4) % 3 == 0
    RPT = N // NS
    mesh = plsc.VectorSubcoreMesh(
        core_axis_name="c", subcore_axis_name="s",
        num_cores=NC, num_subcores=NS)

    @functools.partial(
        pl.kernel,
        out_type=jax.ShapeDtypeStruct((NC, N, W), jnp.float32),
        mesh=mesh,
        scratch_types=[
            pltpu.VMEM((EPW,), jnp.int32),
            pltpu.VMEM((CHUNKS, K), jnp.int32),
            pltpu.VMEM((K, W), jnp.float32),
            pltpu.VMEM((K, W), jnp.float32),
            pltpu.VMEM((K, W), jnp.float32),
            pltpu.SemaphoreType.DMA,
            pltpu.SemaphoreType.DMA,
            pltpu.SemaphoreType.DMA,
            pltpu.SemaphoreType.DMA,
            pltpu.SemaphoreType.DMA,
            pltpu.SemaphoreType.DMA,
            pltpu.VMEM_SHARED((N, W), jnp.float32),
        ],
        compiler_params=pltpu.CompilerParams(
            needs_layout_passes=False, use_tc_tiling_on_sc=False),
    )
    def spmm(xs2_hbm, src_hbm, dst_hbm, out_hbm,
             srcbuf, dstbuf, rows0, rows1, rows2,
             gsem0, gsem1, gsem2, ssem0, ssem1, ssem2, acc):
        cid = lax.axis_index("c")
        sid = lax.axis_index("s")
        r0 = sid * RPT
        rows = (rows0, rows1, rows2)
        gsem = (gsem0, gsem1, gsem2)
        ssem = (ssem0, ssem1, ssem2)

        zeros = jnp.zeros((LANES,), jnp.float32)

        @pl.loop(0, K)
        def _(r):
            @pl.loop(0, W // LANES)
            def _(i):
                rows0[r, pl.ds(i * LANES, LANES)] = zeros

        for kblk in range(RPT // K):
            pltpu.sync_copy(rows0, acc.at[pl.ds(r0 + kblk * K, K)])
        _rem = RPT - (RPT // K) * K
        if _rem:
            pltpu.sync_copy(rows0.at[pl.ds(0, _rem)],
                            acc.at[pl.ds(r0 + (RPT // K) * K, _rem)])

        pltpu.sync_copy(src_hbm.at[pl.ds(sid * EPW, EPW)], srcbuf)
        pltpu.sync_copy(dst_hbm.at[pl.ds(sid * CHUNKS, CHUNKS)], dstbuf)

        @pl.loop(0, EPW // LANES)
        def _(i):
            v = srcbuf[pl.ds(i * LANES, LANES)]
            srcbuf[pl.ds(i * LANES, LANES)] = v * 2 + cid

        plsc.subcore_barrier()

        def fire_g(c, j):
            pltpu.async_copy(
                xs2_hbm.at[srcbuf.at[pl.ds(c * K, K)]], rows[j], gsem[j])

        def wait_g(c, j):
            pltpu.make_async_copy(
                xs2_hbm.at[srcbuf.at[pl.ds(c * K, K)]], rows[j], gsem[j]).wait()

        def fire_s(c, j):
            pltpu.async_copy(rows[j], acc.at[dstbuf.at[c]], ssem[j], add=True)

        def wait_s(c, j):
            pltpu.make_async_copy(
                rows[j], acc.at[dstbuf.at[c]], ssem[j]).wait()

        fire_g(0, 0)
        fire_g(1, 1)
        wait_g(0, 0)
        fire_s(0, 0)
        fire_g(2, 2)
        wait_g(1, 1)
        fire_s(1, 1)
        wait_s(0, 0)
        fire_g(3, 0)

        @pl.loop(0, (CHUNKS - 4) // 3)
        def _(t):
            base = 3 * t + 2
            for k in range(3):
                c = base + k
                j = (2 + k) % 3
                jp = (j + 2) % 3
                wait_g(c, j)
                fire_s(c, j)
                wait_s(c - 1, jp)
                fire_g(c + 2, jp)

        for c in (CHUNKS - 2, CHUNKS - 1):
            j = c % 3
            wait_g(c, j)
            fire_s(c, j)
            wait_s(c - 1, (c - 1) % 3)
        wait_s(CHUNKS - 1, (CHUNKS - 1) % 3)

        plsc.subcore_barrier()
        pltpu.sync_copy(acc.at[pl.ds(r0, RPT)], out_hbm.at[cid, pl.ds(r0, RPT)])

    return spmm


def _scale_build_xs(deg2, mask2, lab2, x, C, FP1, BN):
    N, F0 = x.shape
    PAD1 = FP1 - F0 - C

    def body(deg_ref, mask_ref, lab_ref, x_ref, xs_ref, rd_ref):
        rd = lax.rsqrt(deg_ref[...] + 1.0)
        iota = lax.broadcasted_iota(jnp.int32, (BN, C), 1)
        oh = (lab_ref[...] == iota).astype(jnp.float32) * mask_ref[...] * rd
        xs_ref[...] = jnp.concatenate(
            [x_ref[...] * rd, oh, jnp.zeros((BN, PAD1), jnp.float32)], axis=1)
        rd_ref[...] = rd

    return pl.pallas_call(
        body,
        grid=(N // BN,),
        in_specs=[
            pl.BlockSpec((BN, 1), lambda i: (i, 0)),
            pl.BlockSpec((BN, 1), lambda i: (i, 0)),
            pl.BlockSpec((BN, 1), lambda i: (i, 0)),
            pl.BlockSpec((BN, F0), lambda i: (i, 0)),
        ],
        out_specs=[
            pl.BlockSpec((BN, FP1), lambda i: (i, 0)),
            pl.BlockSpec((BN, 1), lambda i: (i, 0)),
        ],
        out_shape=[
            jax.ShapeDtypeStruct((N, FP1), jnp.float32),
            jax.ShapeDtypeStruct((N, 1), jnp.float32),
        ],
    )(deg2, mask2, lab2, x)


def _mlp_mid(lo, hi, rd, W1p, b1r, W2, FP2, BN):
    N, W = lo.shape
    H = W1p.shape[1]
    C = W2.shape[1]
    PAD2 = FP2 - C

    def body(lo_ref, hi_ref, rd_ref, w1_ref, b1_ref, w2_ref, out_ref):
        rdv = rd_ref[...]
        p = jnp.concatenate([lo_ref[...], hi_ref[...]], axis=1) * rdv
        h = jnp.maximum(
            jnp.dot(p, w1_ref[...], preferred_element_type=jnp.float32)
            + b1_ref[...], 0.0)
        g = jnp.dot(h, w2_ref[...], preferred_element_type=jnp.float32)
        g = g * rdv
        out_ref[...] = jnp.concatenate(
            [g, jnp.zeros((BN, PAD2), jnp.float32)], axis=1)

    return pl.pallas_call(
        body,
        grid=(N // BN,),
        in_specs=[
            pl.BlockSpec((BN, W), lambda i: (i, 0)),
            pl.BlockSpec((BN, W), lambda i: (i, 0)),
            pl.BlockSpec((BN, 1), lambda i: (i, 0)),
            pl.BlockSpec((2 * W, H), lambda i: (0, 0)),
            pl.BlockSpec((1, H), lambda i: (0, 0)),
            pl.BlockSpec((H, C), lambda i: (0, 0)),
        ],
        out_specs=pl.BlockSpec((BN, FP2), lambda i: (i, 0)),
        out_shape=jax.ShapeDtypeStruct((N, FP2), jnp.float32),
    )(lo, hi, rd, W1p, b1r, W2)


def _final_logsoftmax(lo, hi, rd, b2r, C, BN):
    N, W = lo.shape

    def body(lo_ref, hi_ref, rd_ref, b2_ref, out_ref):
        s = jnp.concatenate([lo_ref[...], hi_ref[...]], axis=1) * rd_ref[...]
        o = s[:, :C] + b2_ref[...]
        m = jnp.max(o, axis=1, keepdims=True)
        e = jnp.exp(o - m)
        lse = jnp.log(jnp.sum(e, axis=1, keepdims=True))
        out_ref[...] = o - m - lse

    return pl.pallas_call(
        body,
        grid=(N // BN,),
        in_specs=[
            pl.BlockSpec((BN, W), lambda i: (i, 0)),
            pl.BlockSpec((BN, W), lambda i: (i, 0)),
            pl.BlockSpec((BN, 1), lambda i: (i, 0)),
            pl.BlockSpec((1, C), lambda i: (0, 0)),
        ],
        out_specs=pl.BlockSpec((BN, C), lambda i: (i, 0)),
        out_shape=jax.ShapeDtypeStruct((N, C), jnp.float32),
    )(lo, hi, rd, b2r)


def kernel(x, idx_labeled, labels, edge_index, W1, b1, W2, b2):
    N, F0 = x.shape
    C = W2.shape[1]
    H = W1.shape[1]
    E = edge_index.shape[1]
    NLAB = idx_labeled.shape[0]

    F1 = F0 + C
    FP1 = 192
    FP2 = 64
    K = 80
    BN = 1000
    NLABP = ((NLAB + LANES - 1) // LANES) * LANES

    src = edge_index[0]
    dst = edge_index[1]
    dst2d = dst.reshape(E // K, K)
    idxlab_p = jnp.concatenate(
        [idx_labeled, jnp.broadcast_to(idx_labeled[:1], (NLABP - NLAB,))])

    deg_mask = _make_deg_mask_kernel(N, E, NLABP)
    degp, mask = deg_mask(dst, idxlab_p)
    deg2 = (degp[0] + degp[1]).reshape(-1)[:N].reshape(N, 1)

    xs, rd = _scale_build_xs(
        deg2, mask.reshape(N, 1), labels.reshape(N, 1), x, C, FP1, BN)

    spmm1 = _make_spmm_kernel(N, E, FP1 // 2, K)
    acc1 = spmm1(xs.reshape(2 * N, FP1 // 2), src, dst2d)

    W1p = jnp.pad(W1, ((0, FP1 - F1), (0, 0)))
    gs = _mlp_mid(acc1[0], acc1[1], rd, W1p, b1.reshape(1, H), W2, FP2, BN)

    spmm2 = _make_spmm_kernel(N, E, FP2 // 2, K)
    acc2 = spmm2(gs.reshape(2 * N, FP2 // 2), src, dst2d)

    return _final_logsoftmax(acc2[0], acc2[1], rd, b2.reshape(1, C), C, BN)

# --- scband reference (transcript-rebuilt; emitter-appended) ---
"""Pipeline reference for scband-gcn-rand-labeled-49022756716615 (READ-ONLY COPY).

The authoritative reference and input builder live on the scoring server;
editing this copy changes nothing except your own understanding.
"""

import jax, jax.numpy as jnp
import numpy as np

N, F0, H, C, E, NLAB = 10000, 128, 256, 40, 320000, 500

def setup_inputs(seed: int = 0) -> dict:
    key = jax.random.key(seed)
    ks = jax.random.split(key, 8)
    x = jax.random.normal(ks[0], (N, F0), dtype=jnp.float32)
    idx_labeled = jax.random.randint(ks[1], (NLAB,), 0, N, dtype=jnp.int32)
    labels = jax.random.randint(ks[2], (N,), 0, C, dtype=jnp.int32)
    edge_index = jax.random.randint(ks[3], (2, E), 0, N, dtype=jnp.int32)
    fan1 = F0 + C
    W1 = jax.random.normal(ks[4], (fan1, H), dtype=jnp.float32) / np.sqrt(fan1)
    b1 = jnp.zeros((H,), dtype=jnp.float32)
    W2 = jax.random.normal(ks[5], (H, C), dtype=jnp.float32) / np.sqrt(H)
    b2 = jnp.zeros((C,), dtype=jnp.float32)
    return {"x": x, "idx_labeled": idx_labeled, "labels": labels,
            "edge_index": edge_index, "W1": W1, "b1": b1, "W2": W2, "b2": b2}

def _spmm(edge_index, h):
    # normalized-adjacency @ h, done edge-wise (gather -> scale -> scatter-add)
    src = edge_index[0]
    dst = edge_index[1]
    n = h.shape[0]
    ones = jnp.ones((edge_index.shape[1],), dtype=jnp.float32)
    deg = jnp.zeros((n,), dtype=jnp.float32).at[dst].add(ones) + 1.0
    norm = jax.lax.rsqrt(deg[src] * deg[dst])
    msg = h[src] * norm[:, None]
    return jax.ops.segment_sum(msg, dst, num_segments=n)

def reference(x, idx_labeled, labels, edge_index, W1, b1, W2, b2):
    # pre_train=True branch of GCN_RAND_LABELED.forward (eval mode: dropout = identity)
    nclass = W2.shape[1]
    feats = jnp.full((x.shape[0],), nclass + 2, dtype=jnp.int32)
    feats = feats.at[idx_labeled].set(labels[idx_labeled].astype(jnp.int32))
    onehot = jax.nn.one_hot(feats, nclass + 3, dtype=jnp.float32)[:, :nclass]
    xin = jnp.concatenate([x, onehot], axis=1)
    # gc1: adj @ (xin @ W1) + b1
    h = _spmm(edge_index, xin @ W1) + b1
    h = jax.nn.relu(h)
    # dropout with training=False -> identity
    # gc2: adj @ (h @ W2) + b2
    out = _spmm(edge_index, h @ W2) + b2
    # rand_nums == 1 -> mean over list of one element is identity
    return jax.nn.log_softmax(out, axis=1)

if __name__ == "__main__":
    import jax
    _d = setup_inputs()
    print(jax.jit(kernel)(*tuple(_d.values())))

</pallas_src>

<mosaic_0001>
#map = affine_map<(d0, d1) -> (0)>
#map1 = affine_map<(d0, d1) -> (0, 0, 0)>
module attributes {stable_mosaic.version = 14 : i64} {
  func.func @deg_mask(%arg0: i32, %arg1: i32, %arg2: memref<320000xi32, #tpu.memory_space<hbm>>, %arg3: memref<512xi32, #tpu.memory_space<hbm>>, %arg4: memref<2x80x128xf32, #tpu.memory_space<hbm>>, %arg5: memref<10000xf32, #tpu.memory_space<hbm>>, %arg6: memref<10000xi32, #tpu.memory_space<vmem>>, %arg7: memref<80x128xf32, #tpu.memory_space<vmem>>, %arg8: memref<80xi32, #tpu.memory_space<vmem>>, %arg9: memref<512xi32, #tpu.memory_space<vmem>>, %arg10: memref<10000xf32, #tpu.memory_space<vmem>>, %arg11: memref<80x128xf32, #tpu.memory_space<vmem_shared>>) attributes {dimension_semantics = [#tpu.dimension_semantics<core_parallel>, #tpu.dimension_semantics<subcore_parallel>], iteration_bounds = array<i64: 2, 16>, scalar_prefetch = 0 : i64, scratch_operands = 6 : i64, tpu.core_type = #tpu.core_type<sc_vector_subcore>, window_params = [{transform_indices = #map}, {transform_indices = #map}, {transform_indices = #map1}, {transform_indices = #map}]} {
    %mul3A = arith.constant 16 : i32
    %mul3A_0 = arith.muli %arg0, %mul3A : i32
    %add3A = arith.addi %mul3A_0, %arg1 : i32
    %broadcast_in_dim3A = arith.constant 1.000000e+00 : f32
    %broadcast_in_dim3A_1 = vector.broadcast %broadcast_in_dim3A : f32 to vector<16xf32>
    %broadcast_in_dim3A_2 = arith.constant 0.000000e+00 : f32
    %broadcast_in_dim3A_3 = vector.broadcast %broadcast_in_dim3A_2 : f32 to vector<16xf32>
    %iota3A = tpu.iota {dimensions = array<i32: 0>} : vector<16xi32>
    %mul3A_4 = arith.constant 10000 : i32
    %mul3A_5 = arith.muli %add3A, %mul3A_4 : i32
    "tpu.region"() ({
      %run_scoped3A = tpu.sem_alloc : memref<!tpu.dma_semaphore, #tpu.memory_space<semaphore_mem>>
      %dma_start3A = tpu.memref_slice %arg2[%mul3A_5] : memref<320000xi32, #tpu.memory_space<hbm>> -> memref<10000xi32, #tpu.memory_space<hbm>>
      %dma_start3A_31 = tpu.memref_slice %arg2[%mul3A_5] : memref<320000xi32, #tpu.memory_space<hbm>> -> memref<10000xi32, #tpu.memory_space<hbm>>
      tpu.enqueue_dma source(%dma_start3A_31 : memref<10000xi32, #tpu.memory_space<hbm>>) target(%arg6 : memref<10000xi32, #tpu.memory_space<vmem>>) target_semaphore(%run_scoped3A : memref<!tpu.dma_semaphore, #tpu.memory_space<semaphore_mem>>)
      %dma_wait3A = tpu.memref_slice %arg2[%mul3A_5] : memref<320000xi32, #tpu.memory_space<hbm>> -> memref<10000xi32, #tpu.memory_space<hbm>>
      %dma_wait3A_32 = tpu.memref_slice %arg2[%mul3A_5] : memref<320000xi32, #tpu.memory_space<hbm>> -> memref<10000xi32, #tpu.memory_space<hbm>>
      tpu.wait_dma2 semaphore(%run_scoped3A : memref<!tpu.dma_semaphore, #tpu.memory_space<semaphore_mem>>) src(%dma_wait3A_32 : memref<10000xi32, #tpu.memory_space<hbm>>) dst(%arg6 : memref<10000xi32, #tpu.memory_space<vmem>>)
      tpu.yield
    }) : () -> ()
    %scan3A = arith.constant 0 : i32
    %scan3A_6 = arith.constant 80 : i32
    %scan3A_7 = arith.addi %scan3A, %scan3A_6 : i32
    %scan3A_8 = arith.constant 1 : i32
    scf.for %scan3A_31 = %scan3A to %scan3A_7 step %scan3A_8  : i32 {
      %mul3A_32 = arith.constant 1 : i32
      %mul3A_33 = arith.muli %scan3A_31, %mul3A_32 : i32
      %add3A_34 = arith.constant 0 : i32
      %add3A_35 = arith.addi %add3A_34, %mul3A_33 : i32
      %scan3A_36 = arith.constant 0 : i32
      %scan3A_37 = arith.constant 8 : i32
      %scan3A_38 = arith.addi %scan3A_36, %scan3A_37 : i32
      %scan3A_39 = arith.constant 1 : i32
      scf.for %scan3A_41 = %scan3A_36 to %scan3A_38 step %scan3A_39  : i32 {
        %mul3A_42 = arith.constant 1 : i32
        %mul3A_43 = arith.muli %scan3A_41, %mul3A_42 : i32
        %add3A_44 = arith.constant 0 : i32
        %add3A_45 = arith.addi %add3A_44, %mul3A_43 : i32
        %mul3A_46 = arith.constant 16 : i32
        %mul3A_47 = arith.muli %add3A_45, %mul3A_46 : i32
        %swap3A = arith.index_cast %add3A_35 : i32 to index
        %swap3A_48 = arith.index_cast %mul3A_47 : i32 to index
        %swap3A_49 = tpu.vector_load %arg7[%swap3A, %swap3A_48] {strides = array<i32>} : memref<80x128xf32, #tpu.memory_space<vmem>>, vector<16xf32>,
        tpu.vector_store %arg7[%swap3A, %swap3A_48], %broadcast_in_dim3A_3 {strides = array<i32>} : memref<80x128xf32, #tpu.memory_space<vmem>>, vector<16xf32>,
      }
      %scan3A_40 = arith.constant 8 : i32
    }
    %scan3A_9 = arith.constant 80 : i32
    %scan3A_10 = arith.constant 0 : i32
    %scan3A_11 = arith.constant 5 : i32
    %scan3A_12 = arith.addi %scan3A_10, %scan3A_11 : i32
    %scan3A_13 = arith.constant 1 : i32
    scf.for %scan3A_31 = %scan3A_10 to %scan3A_12 step %scan3A_13  : i32 {
      %mul3A_32 = arith.constant 1 : i32
      %mul3A_33 = arith.muli %scan3A_31, %mul3A_32 : i32
      %add3A_34 = arith.constant 0 : i32
      %add3A_35 = arith.addi %add3A_34, %mul3A_33 : i32
      %mul3A_36 = arith.constant 16 : i32
      %mul3A_37 = arith.muli %add3A_35, %mul3A_36 : i32
      %add3A_38 = vector.broadcast %mul3A_37 : i32 to vector<16xi32>
      %add3A_39 = arith.addi %iota3A, %add3A_38 : vector<16xi32>
      %mul3A_40 = arith.constant 16 : i32
      %mul3A_41 = arith.muli %add3A_35, %mul3A_40 : i32
      %swap3A = arith.index_cast %mul3A_41 : i32 to index
      %swap3A_42 = tpu.vector_load %arg8[%swap3A] {strides = array<i32>} : memref<80xi32, #tpu.memory_space<vmem>>, vector<16xi32>,
      tpu.vector_store %arg8[%swap3A], %add3A_39 {strides = array<i32>} : memref<80xi32, #tpu.memory_space<vmem>>, vector<16xi32>,
    }
    %scan3A_14 = arith.constant 5 : i32
    %mul3A_15 = arith.constant 5 : i32
    %mul3A_16 = arith.muli %arg1, %mul3A_15 : i32
    %mul3A_17 = arith.constant 5 : i32
    %mul3A_18 = arith.muli %arg1, %mul3A_17 : i32
    "tpu.region"() ({
      %run_scoped3A = tpu.sem_alloc : memref<!tpu.dma_semaphore, #tpu.memory_space<semaphore_mem>>
      %dma_start3A = arith.constant 0 : i32
      %dma_start3A_31 = tpu.memref_slice %arg7[%mul3A_16, %dma_start3A] : memref<80x128xf32, #tpu.memory_space<vmem>> -> memref<5x128xf32, #tpu.memory_space<vmem>>
      %dma_start3A_32 = arith.constant 0 : i32
      %dma_start3A_33 = tpu.memref_slice %arg11[%mul3A_18, %dma_start3A_32] : memref<80x128xf32, #tpu.memory_space<vmem_shared>> -> memref<5x128xf32, #tpu.memory_space<vmem_shared>>
      %dma_start3A_34 = arith.constant 0 : i32
      %dma_start3A_35 = tpu.memref_slice %arg11[%mul3A_18, %dma_start3A_34] : memref<80x128xf32, #tpu.memory_space<vmem_shared>> -> memref<5x128xf32, #tpu.memory_space<vmem_shared>>
      %dma_start3A_36 = arith.constant 0 : i32
      %dma_start3A_37 = tpu.memref_slice %arg7[%mul3A_16, %dma_start3A_36] : memref<80x128xf32, #tpu.memory_space<vmem>> -> memref<5x128xf32, #tpu.memory_space<vmem>>
      tpu.enqueue_dma source(%dma_start3A_37 : memref<5x128xf32, #tpu.memory_space<vmem>>) target(%dma_start3A_35 : memref<5x128xf32, #tpu.memory_space<vmem_shared>>) target_semaphore(%run_scoped3A : memref<!tpu.dma_semaphore, #tpu.memory_space<semaphore_mem>>)
      %dma_wait3A = arith.constant 0 : i32
      %dma_wait3A_38 = tpu.memref_slice %arg7[%mul3A_16, %dma_wait3A] : memref<80x128xf32, #tpu.memory_space<vmem>> -> memref<5x128xf32, #tpu.memory_space<vmem>>
      %dma_wait3A_39 = arith.constant 0 : i32
      %dma_wait3A_40 = tpu.memref_slice %arg11[%mul3A_18, %dma_wait3A_39] : memref<80x128xf32, #tpu.memory_space<vmem_shared>> -> memref<5x128xf32, #tpu.memory_space<vmem_shared>>
      %dma_wait3A_41 = arith.constant 0 : i32
      %dma_wait3A_42 = tpu.memref_slice %arg11[%mul3A_18, %dma_wait3A_41] : memref<80x128xf32, #tpu.memory_space<vmem_shared>> -> memref<5x128xf32, #tpu.memory_space<vmem_shared>>
      %dma_wait3A_43 = arith.constant 0 : i32
      %dma_wait3A_44 = tpu.memref_slice %arg7[%mul3A_16, %dma_wait3A_43] : memref<80x128xf32, #tpu.memory_space<vmem>> -> memref<5x128xf32, #tpu.memory_space<vmem>>
      tpu.wait_dma2 semaphore(%run_scoped3A : memref<!tpu.dma_semaphore, #tpu.memory_space<semaphore_mem>>) src(%dma_wait3A_44 : memref<5x128xf32, #tpu.memory_space<vmem>>) dst(%dma_wait3A_42 : memref<5x128xf32, #tpu.memory_space<vmem_shared>>)
      tpu.yield
    }) : () -> ()
    %scan3A_19 = arith.constant 0 : i32
    %scan3A_20 = arith.constant 625 : i32
    %scan3A_21 = arith.addi %scan3A_19, %scan3A_20 : i32
    %scan3A_22 = arith.constant 1 : i32
    scf.for %scan3A_31 = %scan3A_19 to %scan3A_21 step %scan3A_22  : i32 {
      %mul3A_32 = arith.constant 1 : i32
      %mul3A_33 = arith.muli %scan3A_31, %mul3A_32 : i32
      %add3A_34 = arith.constant 0 : i32
      %add3A_35 = arith.addi %add3A_34, %mul3A_33 : i32
      %mul3A_36 = arith.constant 16 : i32
      %mul3A_37 = arith.muli %add3A_35, %mul3A_36 : i32
      %get3A = arith.index_cast %mul3A_37 : i32 to index
      %get3A_38 = tpu.vector_load %arg6[%get3A] {strides = array<i32>} : memref<10000xi32, #tpu.memory_space<vmem>>, vector<16xi32>,
      %shift_right_logical3A = arith.constant 7 : i32
      %shift_right_logical3A_39 = vector.broadcast %shift_right_logical3A : i32 to vector<16xi32>
      %shift_right_logical3A_40 = arith.shrui %get3A_38, %shift_right_logical3A_39 : vector<16xi32>
      %and3A = arith.constant 127 : i32
      %and3A_41 = vector.broadcast %and3A : i32 to vector<16xi32>
      %and3A_42 = arith.andi %get3A_38, %and3A_41 : vector<16xi32>
      tpu.vector_store_idx %arg7[%shift_right_logical3A_40, %and3A_42], %broadcast_in_dim3A_1 {add = true} : memref<80x128xf32, #tpu.memory_space<vmem>>[vector<16xi32>, vector<16xi32>], vector<16xf32>,
    }
    %scan3A_23 = arith.constant 625 : i32
    %barrier3A = arith.constant 0 : index
    tpu.barrier barrier_id(%barrier3A)
    "tpu.region"() ({
      %run_scoped3A = tpu.sem_alloc : memref<!tpu.dma_semaphore, #tpu.memory_space<semaphore_mem>>
      %dma_start3A = arith.constant 0 : i32
      %dma_start3A_31 = arith.constant 0 : i32
      %dma_start3A_32 = tpu.memref_slice %arg11[%dma_start3A, %dma_start3A_31] : memref<80x128xf32, #tpu.memory_space<vmem_shared>> -> memref<80x128xf32, #tpu.memory_space<vmem_shared>>
      tpu.enqueue_indirect_dma source(%arg7 : memref<80x128xf32, #tpu.memory_space<vmem>>) target(%dma_start3A_32 : memref<80x128xf32, #tpu.memory_space<vmem_shared>>) offsets(%arg8 : memref<80xi32, #tpu.memory_space<vmem>>) semaphore(%run_scoped3A : memref<!tpu.dma_semaphore, #tpu.memory_space<semaphore_mem>>) {add = true}
      %dma_wait3A = arith.constant 0 : i32
      %dma_wait3A_33 = arith.constant 0 : i32
      %dma_wait3A_34 = tpu.memref_slice %arg11[%dma_wait3A, %dma_wait3A_33] : memref<80x128xf32, #tpu.memory_space<vmem_shared>> -> memref<80x128xf32, #tpu.memory_space<vmem_shared>>
      tpu.wait_indirect_dma semaphore(%run_scoped3A : memref<!tpu.dma_semaphore, #tpu.memory_space<semaphore_mem>>) src(%arg7 : memref<80x128xf32, #tpu.memory_space<vmem>>) dst(%dma_wait3A_34 : memref<80x128xf32, #tpu.memory_space<vmem_shared>>)
      tpu.yield
    }) : () -> ()
    %barrier3A_24 = arith.constant 0 : index
    tpu.barrier barrier_id(%barrier3A_24)
    %mul3A_25 = arith.constant 5 : i32
    %mul3A_26 = arith.muli %arg1, %mul3A_25 : i32
    %mul3A_27 = arith.constant 5 : i32
    %mul3A_28 = arith.muli %arg1, %mul3A_27 : i32
    "tpu.region"() ({
      %run_scoped3A = tpu.sem_alloc : memref<!tpu.dma_semaphore, #tpu.memory_space<semaphore_mem>>
      %dma_start3A = arith.constant 0 : i32
      %dma_start3A_31 = tpu.memref_slice %arg4[%arg0, %mul3A_28, %dma_start3A] : memref<2x80x128xf32, #tpu.memory_space<hbm>> -> memref<1x5x128xf32, #tpu.memory_space<hbm>>
      %dma_start3A_32 = tpu.memref_squeeze %dma_start3A_31 : memref<1x5x128xf32, #tpu.memory_space<hbm>> -> memref<5x128xf32, #tpu.memory_space<hbm>>
      %dma_start3A_33 = arith.constant 0 : i32
      %dma_start3A_34 = tpu.memref_slice %arg11[%mul3A_26, %dma_start3A_33] : memref<80x128xf32, #tpu.memory_space<vmem_shared>> -> memref<5x128xf32, #tpu.memory_space<vmem_shared>>
      tpu.enqueue_dma source(%dma_start3A_34 : memref<5x128xf32, #tpu.memory_space<vmem_shared>>) target(%dma_start3A_32 : memref<5x128xf32, #tpu.memory_space<hbm>>) target_semaphore(%run_scoped3A : memref<!tpu.dma_semaphore, #tpu.memory_space<semaphore_mem>>)
      %dma_wait3A = arith.constant 0 : i32
      %dma_wait3A_35 = tpu.memref_slice %arg4[%arg0, %mul3A_28, %dma_wait3A] : memref<2x80x128xf32, #tpu.memory_space<hbm>> -> memref<1x5x128xf32, #tpu.memory_space<hbm>>
      %dma_wait3A_36 = tpu.memref_squeeze %dma_wait3A_35 : memref<1x5x128xf32, #tpu.memory_space<hbm>> -> memref<5x128xf32, #tpu.memory_space<hbm>>
      %dma_wait3A_37 = arith.constant 0 : i32
      %dma_wait3A_38 = tpu.memref_slice %arg11[%mul3A_26, %dma_wait3A_37] : memref<80x128xf32, #tpu.memory_space<vmem_shared>> -> memref<5x128xf32, #tpu.memory_space<vmem_shared>>
      tpu.wait_dma2 semaphore(%run_scoped3A : memref<!tpu.dma_semaphore, #tpu.memory_space<semaphore_mem>>) src(%dma_wait3A_38 : memref<5x128xf32, #tpu.memory_space<vmem_shared>>) dst(%dma_wait3A_36 : memref<5x128xf32, #tpu.memory_space<hbm>>)
      tpu.yield
    }) : () -> ()
    %eq3A = arith.constant 0 : i32
    %eq3A_29 = arith.cmpi eq, %add3A, %eq3A : i32
    %convert_element_type3A = arith.extui %eq3A_29 : i1 to i32
    %cond3A = arith.constant 0 : i32
    %cond3A_30 = arith.cmpi ne, %convert_element_type3A, %cond3A : i32
    scf.if %cond3A_30 {
      "tpu.region"() ({
        %run_scoped3A = tpu.sem_alloc : memref<!tpu.dma_semaphore, #tpu.memory_space<semaphore_mem>>
        tpu.enqueue_dma source(%arg3 : memref<512xi32, #tpu.memory_space<hbm>>) target(%arg9 : memref<512xi32, #tpu.memory_space<vmem>>) target_semaphore(%run_scoped3A : memref<!tpu.dma_semaphore, #tpu.memory_space<semaphore_mem>>)
        tpu.wait_dma2 semaphore(%run_scoped3A : memref<!tpu.dma_semaphore, #tpu.memory_space<semaphore_mem>>) src(%arg3 : memref<512xi32, #tpu.memory_space<hbm>>) dst(%arg9 : memref<512xi32, #tpu.memory_space<vmem>>)
        tpu.yield
      }) : () -> ()
      %scan3A_31 = arith.constant 0 : i32
      %scan3A_32 = arith.constant 625 : i32
      %scan3A_33 = arith.addi %scan3A_31, %scan3A_32 : i32
      %scan3A_34 = arith.constant 1 : i32
      scf.for %scan3A_41 = %scan3A_31 to %scan3A_33 step %scan3A_34  : i32 {
        %mul3A_42 = arith.constant 1 : i32
        %mul3A_43 = arith.muli %scan3A_41, %mul3A_42 : i32
        %add3A_44 = arith.constant 0 : i32
        %add3A_45 = arith.addi %add3A_44, %mul3A_43 : i32
        %mul3A_46 = arith.constant 16 : i32
        %mul3A_47 = arith.muli %add3A_45, %mul3A_46 : i32
        %swap3A = arith.index_cast %mul3A_47 : i32 to index
        %swap3A_48 = tpu.vector_load %arg10[%swap3A] {strides = array<i32>} : memref<10000xf32, #tpu.memory_space<vmem>>, vector<16xf32>,
        tpu.vector_store %arg10[%swap3A], %broadcast_in_dim3A_3 {strides = array<i32>} : memref<10000xf32, #tpu.memory_space<vmem>>, vector<16xf32>,
      }
      %scan3A_35 = arith.constant 625 : i32
      %scan3A_36 = arith.constant 0 : i32
      %scan3A_37 = arith.constant 32 : i32
      %scan3A_38 = arith.addi %scan3A_36, %scan3A_37 : i32
      %scan3A_39 = arith.constant 1 : i32
      scf.for %scan3A_41 = %scan3A_36 to %scan3A_38 step %scan3A_39  : i32 {
        %mul3A_42 = arith.constant 1 : i32
        %mul3A_43 = arith.muli %scan3A_41, %mul3A_42 : i32
        %add3A_44 = arith.constant 0 : i32
        %add3A_45 = arith.addi %add3A_44, %mul3A_43 : i32
        %mul3A_46 = arith.constant 16 : i32
        %mul3A_47 = arith.muli %add3A_45, %mul3A_46 : i32
        %get3A = arith.index_cast %mul3A_47 : i32 to index
        %get3A_48 = tpu.vector_load %arg9[%get3A] {strides = array<i32>} : memref<512xi32, #tpu.memory_space<vmem>>, vector<16xi32>,
        tpu.vector_store_idx %arg10[%get3A_48], %broadcast_in_dim3A_1 : memref<10000xf32, #tpu.memory_space<vmem>>[vector<16xi32>], vector<16xf32>,
      }
      %scan3A_40 = arith.constant 32 : i32
      "tpu.region"() ({
        %run_scoped3A = tpu.sem_alloc : memref<!tpu.dma_semaphore, #tpu.memory_space<semaphore_mem>>
        tpu.enqueue_dma source(%arg10 : memref<10000xf32, #tpu.memory_space<vmem>>) target(%arg5 : memref<10000xf32, #tpu.memory_space<hbm>>) target_semaphore(%run_scoped3A : memref<!tpu.dma_semaphore, #tpu.memory_space<semaphore_mem>>)
        tpu.wait_dma2 semaphore(%run_scoped3A : memref<!tpu.dma_semaphore, #tpu.memory_space<semaphore_mem>>) src(%arg10 : memref<10000xf32, #tpu.memory_space<vmem>>) dst(%arg5 : memref<10000xf32, #tpu.memory_space<hbm>>)
        tpu.yield
      }) : () -> ()
    } else {
    }
    return
  }
}

#map = affine_map<(d0, d1) -> (0, 0)>
#map1 = affine_map<(d0, d1) -> (0)>
#map2 = affine_map<(d0, d1) -> (0, 0, 0)>
module attributes {stable_mosaic.version = 14 : i64} {
  func.func @spmm(%arg0: i32, %arg1: i32, %arg2: memref<20000x96xf32, #tpu.memory_space<hbm>>, %arg3: memref<320000xi32, #tpu.memory_space<hbm>>, %arg4: memref<4000x80xi32, #tpu.memory_space<hbm>>, %arg5: memref<2x10000x96xf32, #tpu.memory_space<hbm>>, %arg6: memref<20000xi32, #tpu.memory_space<vmem>>, %arg7: memref<250x80xi32, #tpu.memory_space<vmem>>, %arg8: memref<80x96xf32, #tpu.memory_space<vmem>>, %arg9: memref<80x96xf32, #tpu.memory_space<vmem>>, %arg10: memref<80x96xf32, #tpu.memory_space<vmem>>, %arg11: memref<!tpu.dma_semaphore, #tpu.memory_space<semaphore_mem>>, %arg12: memref<!tpu.dma_semaphore, #tpu.memory_space<semaphore_mem>>, %arg13: memref<!tpu.dma_semaphore, #tpu.memory_space<semaphore_mem>>, %arg14: memref<!tpu.dma_semaphore, #tpu.memory_space<semaphore_mem>>, %arg15: memref<!tpu.dma_semaphore, #tpu.memory_space<semaphore_mem>>, %arg16: memref<!tpu.dma_semaphore, #tpu.memory_space<semaphore_mem>>, %arg17: memref<10000x96xf32, #tpu.memory_space<vmem_shared>>) attributes {dimension_semantics = [#tpu.dimension_semantics<core_parallel>, #tpu.dimension_semantics<subcore_parallel>], iteration_bounds = array<i64: 2, 16>, scalar_prefetch = 0 : i64, scratch_operands = 12 : i64, tpu.core_type = #tpu.core_type<sc_vector_subcore>, window_params = [{transform_indices = #map}, {transform_indices = #map1}, {transform_indices = #map}, {transform_indices = #map2}]} {
    %mul3A = arith.constant 625 : i32
    %mul3A_0 = arith.muli %arg1, %mul3A : i32
    %broadcast_in_dim3A = arith.constant 0.000000e+00 : f32
    %broadcast_in_dim3A_1 = vector.broadcast %broadcast_in_dim3A : f32 to vector<16xf32>
    %scan3A = arith.constant 0 : i32
    %scan3A_2 = arith.constant 80 : i32
    %scan3A_3 = arith.addi %scan3A, %scan3A_2 : i32
    %scan3A_4 = arith.constant 1 : i32
    scf.for %scan3A_130 = %scan3A to %scan3A_3 step %scan3A_4  : i32 {
      %mul3A_131 = arith.constant 1 : i32
      %mul3A_132 = arith.muli %scan3A_130, %mul3A_131 : i32
      %add3A_133 = arith.constant 0 : i32
      %add3A_134 = arith.addi %add3A_133, %mul3A_132 : i32
      %scan3A_135 = arith.constant 0 : i32
      %scan3A_136 = arith.constant 6 : i32
      %scan3A_137 = arith.addi %scan3A_135, %scan3A_136 : i32
      %scan3A_138 = arith.constant 1 : i32
      scf.for %scan3A_140 = %scan3A_135 to %scan3A_137 step %scan3A_138  : i32 {
        %mul3A_141 = arith.constant 1 : i32
        %mul3A_142 = arith.muli %scan3A_140, %mul3A_141 : i32
        %add3A_143 = arith.constant 0 : i32
        %add3A_144 = arith.addi %add3A_143, %mul3A_142 : i32
        %mul3A_145 = arith.constant 16 : i32
        %mul3A_146 = arith.muli %add3A_144, %mul3A_145 : i32
        %swap3A = arith.index_cast %add3A_134 : i32 to index
        %swap3A_147 = arith.index_cast %mul3A_146 : i32 to index
        %swap3A_148 = tpu.vector_load %arg8[%swap3A, %swap3A_147] {strides = array<i32>} : memref<80x96xf32, #tpu.memory_space<vmem>>, vector<16xf32>,
        tpu.vector_store %arg8[%swap3A, %swap3A_147], %broadcast_in_dim3A_1 {strides = array<i32>} : memref<80x96xf32, #tpu.memory_space<vmem>>, vector<16xf32>,
      }
      %scan3A_139 = arith.constant 6 : i32
    }
    %scan3A_5 = arith.constant 80 : i32
    %add3A = arith.constant 0 : i32
    %add3A_6 = arith.addi %mul3A_0, %add3A : i32
    "tpu.region"() ({
      %run_scoped3A = tpu.sem_alloc : memref<!tpu.dma_semaphore, #tpu.memory_space<semaphore_mem>>
      %dma_start3A_130 = arith.constant 0 : i32
      %dma_start3A_131 = tpu.memref_slice %arg17[%add3A_6, %dma_start3A_130] : memref<10000x96xf32, #tpu.memory_space<vmem_shared>> -> memref<80x96xf32, #tpu.memory_space<vmem_shared>>
      %dma_start3A_132 = arith.constant 0 : i32
      %dma_start3A_133 = tpu.memref_slice %arg17[%add3A_6, %dma_start3A_132] : memref<10000x96xf32, #tpu.memory_space<vmem_shared>> -> memref<80x96xf32, #tpu.memory_space<vmem_shared>>
      tpu.enqueue_dma source(%arg8 : memref<80x96xf32, #tpu.memory_space<vmem>>) target(%dma_start3A_133 : memref<80x96xf32, #tpu.memory_space<vmem_shared>>) target_semaphore(%run_scoped3A : memref<!tpu.dma_semaphore, #tpu.memory_space<semaphore_mem>>)
      %dma_wait3A_134 = arith.constant 0 : i32
      %dma_wait3A_135 = tpu.memref_slice %arg17[%add3A_6, %dma_wait3A_134] : memref<10000x96xf32, #tpu.memory_space<vmem_shared>> -> memref<80x96xf32, #tpu.memory_space<vmem_shared>>
      %dma_wait3A_136 = arith.constant 0 : i32
      %dma_wait3A_137 = tpu.memref_slice %arg17[%add3A_6, %dma_wait3A_136] : memref<10000x96xf32, #tpu.memory_space<vmem_shared>> -> memref<80x96xf32, #tpu.memory_space<vmem_shared>>
      tpu.wait_dma2 semaphore(%run_scoped3A : memref<!tpu.dma_semaphore, #tpu.memory_space<semaphore_mem>>) src(%arg8 : memref<80x96xf32, #tpu.memory_space<vmem>>) dst(%dma_wait3A_137 : memref<80x96xf32, #tpu.memory_space<vmem_shared>>)
      tpu.yield
    }) : () -> ()
    %add3A_7 = arith.constant 80 : i32
    %add3A_8 = arith.addi %mul3A_0, %add3A_7 : i32
    "tpu.region"() ({
      %run_scoped3A = tpu.sem_alloc : memref<!tpu.dma_semaphore, #tpu.memory_space<semaphore_mem>>
      %dma_start3A_130 = arith.constant 0 : i32
      %dma_start3A_131 = tpu.memref_slice %arg17[%add3A_8, %dma_start3A_130] : memref<10000x96xf32, #tpu.memory_space<vmem_shared>> -> memref<80x96xf32, #tpu.memory_space<vmem_shared>>
      %dma_start3A_132 = arith.constant 0 : i32
      %dma_start3A_133 = tpu.memref_slice %arg17[%add3A_8, %dma_start3A_132] : memref<10000x96xf32, #tpu.memory_space<vmem_shared>> -> memref<80x96xf32, #tpu.memory_space<vmem_shared>>
      tpu.enqueue_dma source(%arg8 : memref<80x96xf32, #tpu.memory_space<vmem>>) target(%dma_start3A_133 : memref<80x96xf32, #tpu.memory_space<vmem_shared>>) target_semaphore(%run_scoped3A : memref<!tpu.dma_semaphore, #tpu.memory_space<semaphore_mem>>)
      %dma_wait3A_134 = arith.constant 0 : i32
      %dma_wait3A_135 = tpu.memref_slice %arg17[%add3A_8, %dma_wait3A_134] : memref<10000x96xf32, #tpu.memory_space<vmem_shared>> -> memref<80x96xf32, #tpu.memory_space<vmem_shared>>
      %dma_wait3A_136 = arith.constant 0 : i32
      %dma_wait3A_137 = tpu.memref_slice %arg17[%add3A_8, %dma_wait3A_136] : memref<10000x96xf32, #tpu.memory_space<vmem_shared>> -> memref<80x96xf32, #tpu.memory_space<vmem_shared>>
      tpu.wait_dma2 semaphore(%run_scoped3A : memref<!tpu.dma_semaphore, #tpu.memory_space<semaphore_mem>>) src(%arg8 : memref<80x96xf32, #tpu.memory_space<vmem>>) dst(%dma_wait3A_137 : memref<80x96xf32, #tpu.memory_space<vmem_shared>>)
      tpu.yield
    }) : () -> ()
    %add3A_9 = arith.constant 160 : i32
    %add3A_10 = arith.addi %mul3A_0, %add3A_9 : i32
    "tpu.region"() ({
      %run_scoped3A = tpu.sem_alloc : memref<!tpu.dma_semaphore, #tpu.memory_space<semaphore_mem>>
      %dma_start3A_130 = arith.constant 0 : i32
      %dma_start3A_131 = tpu.memref_slice %arg17[%add3A_10, %dma_start3A_130] : memref<10000x96xf32, #tpu.memory_space<vmem_shared>> -> memref<80x96xf32, #tpu.memory_space<vmem_shared>>
      %dma_start3A_132 = arith.constant 0 : i32
      %dma_start3A_133 = tpu.memref_slice %arg17[%add3A_10, %dma_start3A_132] : memref<10000x96xf32, #tpu.memory_space<vmem_shared>> -> memref<80x96xf32, #tpu.memory_space<vmem_shared>>
      tpu.enqueue_dma source(%arg8 : memref<80x96xf32, #tpu.memory_space<vmem>>) target(%dma_start3A_133 : memref<80x96xf32, #tpu.memory_space<vmem_shared>>) target_semaphore(%run_scoped3A : memref<!tpu.dma_semaphore, #tpu.memory_space<semaphore_mem>>)
      %dma_wait3A_134 = arith.constant 0 : i32
      %dma_wait3A_135 = tpu.memref_slice %arg17[%add3A_10, %dma_wait3A_134] : memref<10000x96xf32, #tpu.memory_space<vmem_shared>> -> memref<80x96xf32, #tpu.memory_space<vmem_shared>>
      %dma_wait3A_136 = arith.constant 0 : i32
      %dma_wait3A_137 = tpu.memref_slice %arg17[%add3A_10, %dma_wait3A_136] : memref<10000x96xf32, #tpu.memory_space<vmem_shared>> -> memref<80x96xf32, #tpu.memory_space<vmem_shared>>
      tpu.wait_dma2 semaphore(%run_scoped3A : memref<!tpu.dma_semaphore, #tpu.memory_space<semaphore_mem>>) src(%arg8 : memref<80x96xf32, #tpu.memory_space<vmem>>) dst(%dma_wait3A_137 : memref<80x96xf32, #tpu.memory_space<vmem_shared>>)
      tpu.yield
    }) : () -> ()
    %add3A_11 = arith.constant 240 : i32
    %add3A_12 = arith.addi %mul3A_0, %add3A_11 : i32
    "tpu.region"() ({
      %run_scoped3A = tpu.sem_alloc : memref<!tpu.dma_semaphore, #tpu.memory_space<semaphore_mem>>
      %dma_start3A_130 = arith.constant 0 : i32
      %dma_start3A_131 = tpu.memref_slice %arg17[%add3A_12, %dma_start3A_130] : memref<10000x96xf32, #tpu.memory_space<vmem_shared>> -> memref<80x96xf32, #tpu.memory_space<vmem_shared>>
      %dma_start3A_132 = arith.constant 0 : i32
      %dma_start3A_133 = tpu.memref_slice %arg17[%add3A_12, %dma_start3A_132] : memref<10000x96xf32, #tpu.memory_space<vmem_shared>> -> memref<80x96xf32, #tpu.memory_space<vmem_shared>>
      tpu.enqueue_dma source(%arg8 : memref<80x96xf32, #tpu.memory_space<vmem>>) target(%dma_start3A_133 : memref<80x96xf32, #tpu.memory_space<vmem_shared>>) target_semaphore(%run_scoped3A : memref<!tpu.dma_semaphore, #tpu.memory_space<semaphore_mem>>)
      %dma_wait3A_134 = arith.constant 0 : i32
      %dma_wait3A_135 = tpu.memref_slice %arg17[%add3A_12, %dma_wait3A_134] : memref<10000x96xf32, #tpu.memory_space<vmem_shared>> -> memref<80x96xf32, #tpu.memory_space<vmem_shared>>
      %dma_wait3A_136 = arith.constant 0 : i32
      %dma_wait3A_137 = tpu.memref_slice %arg17[%add3A_12, %dma_wait3A_136] : memref<10000x96xf32, #tpu.memory_space<vmem_shared>> -> memref<80x96xf32, #tpu.memory_space<vmem_shared>>
      tpu.wait_dma2 semaphore(%run_scoped3A : memref<!tpu.dma_semaphore, #tpu.memory_space<semaphore_mem>>) src(%arg8 : memref<80x96xf32, #tpu.memory_space<vmem>>) dst(%dma_wait3A_137 : memref<80x96xf32, #tpu.memory_space<vmem_shared>>)
      tpu.yield
    }) : () -> ()
    %add3A_13 = arith.constant 320 : i32
    %add3A_14 = arith.addi %mul3A_0, %add3A_13 : i32
    "tpu.region"() ({
      %run_scoped3A = tpu.sem_alloc : memref<!tpu.dma_semaphore, #tpu.memory_space<semaphore_mem>>
      %dma_start3A_130 = arith.constant 0 : i32
      %dma_start3A_131 = tpu.memref_slice %arg17[%add3A_14, %dma_start3A_130] : memref<10000x96xf32, #tpu.memory_space<vmem_shared>> -> memref<80x96xf32, #tpu.memory_space<vmem_shared>>
      %dma_start3A_132 = arith.constant 0 : i32
      %dma_start3A_133 = tpu.memref_slice %arg17[%add3A_14, %dma_start3A_132] : memref<10000x96xf32, #tpu.memory_space<vmem_shared>> -> memref<80x96xf32, #tpu.memory_space<vmem_shared>>
      tpu.enqueue_dma source(%arg8 : memref<80x96xf32, #tpu.memory_space<vmem>>) target(%dma_start3A_133 : memref<80x96xf32, #tpu.memory_space<vmem_shared>>) target_semaphore(%run_scoped3A : memref<!tpu.dma_semaphore, #tpu.memory_space<semaphore_mem>>)
      %dma_wait3A_134 = arith.constant 0 : i32
      %dma_wait3A_135 = tpu.memref_slice %arg17[%add3A_14, %dma_wait3A_134] : memref<10000x96xf32, #tpu.memory_space<vmem_shared>> -> memref<80x96xf32, #tpu.memory_space<vmem_shared>>
      %dma_wait3A_136 = arith.constant 0 : i32
      %dma_wait3A_137 = tpu.memref_slice %arg17[%add3A_14, %dma_wait3A_136] : memref<10000x96xf32, #tpu.memory_space<vmem_shared>> -> memref<80x96xf32, #tpu.memory_space<vmem_shared>>
      tpu.wait_dma2 semaphore(%run_scoped3A : memref<!tpu.dma_semaphore, #tpu.memory_space<semaphore_mem>>) src(%arg8 : memref<80x96xf32, #tpu.memory_space<vmem>>) dst(%dma_wait3A_137 : memref<80x96xf32, #tpu.memory_space<vmem_shared>>)
      tpu.yield
    }) : () -> ()
    %add3A_15 = arith.constant 400 : i32
    %add3A_16 = arith.addi %mul3A_0, %add3A_15 : i32
    "tpu.region"() ({
      %run_scoped3A = tpu.sem_alloc : memref<!tpu.dma_semaphore, #tpu.memory_space<semaphore_mem>>
      %dma_start3A_130 = arith.constant 0 : i32
      %dma_start3A_131 = tpu.memref_slice %arg17[%add3A_16, %dma_start3A_130] : memref<10000x96xf32, #tpu.memory_space<vmem_shared>> -> memref<80x96xf32, #tpu.memory_space<vmem_shared>>
      %dma_start3A_132 = arith.constant 0 : i32
      %dma_start3A_133 = tpu.memref_slice %arg17[%add3A_16, %dma_start3A_132] : memref<10000x96xf32, #tpu.memory_space<vmem_shared>> -> memref<80x96xf32, #tpu.memory_space<vmem_shared>>
      tpu.enqueue_dma source(%arg8 : memref<80x96xf32, #tpu.memory_space<vmem>>) target(%dma_start3A_133 : memref<80x96xf32, #tpu.memory_space<vmem_shared>>) target_semaphore(%run_scoped3A : memref<!tpu.dma_semaphore, #tpu.memory_space<semaphore_mem>>)
      %dma_wait3A_134 = arith.constant 0 : i32
      %dma_wait3A_135 = tpu.memref_slice %arg17[%add3A_16, %dma_wait3A_134] : memref<10000x96xf32, #tpu.memory_space<vmem_shared>> -> memref<80x96xf32, #tpu.memory_space<vmem_shared>>
      %dma_wait3A_136 = arith.constant 0 : i32
      %dma_wait3A_137 = tpu.memref_slice %arg17[%add3A_16, %dma_wait3A_136] : memref<10000x96xf32, #tpu.memory_space<vmem_shared>> -> memref<80x96xf32, #tpu.memory_space<vmem_shared>>
      tpu.wait_dma2 semaphore(%run_scoped3A : memref<!tpu.dma_semaphore, #tpu.memory_space<semaphore_mem>>) src(%arg8 : memref<80x96xf32, #tpu.memory_space<vmem>>) dst(%dma_wait3A_137 : memref<80x96xf32, #tpu.memory_space<vmem_shared>>)
      tpu.yield
    }) : () -> ()
    %add3A_17 = arith.constant 480 : i32
    %add3A_18 = arith.addi %mul3A_0, %add3A_17 : i32
    "tpu.region"() ({
      %run_scoped3A = tpu.sem_alloc : memref<!tpu.dma_semaphore, #tpu.memory_space<semaphore_mem>>
      %dma_start3A_130 = arith.constant 0 : i32
      %dma_start3A_131 = tpu.memref_slice %arg17[%add3A_18, %dma_start3A_130] : memref<10000x96xf32, #tpu.memory_space<vmem_shared>> -> memref<80x96xf32, #tpu.memory_space<vmem_shared>>
      %dma_start3A_132 = arith.constant 0 : i32
      %dma_start3A_133 = tpu.memref_slice %arg17[%add3A_18, %dma_start3A_132] : memref<10000x96xf32, #tpu.memory_space<vmem_shared>> -> memref<80x96xf32, #tpu.memory_space<vmem_shared>>
      tpu.enqueue_dma source(%arg8 : memref<80x96xf32, #tpu.memory_space<vmem>>) target(%dma_start3A_133 : memref<80x96xf32, #tpu.memory_space<vmem_shared>>) target_semaphore(%run_scoped3A : memref<!tpu.dma_semaphore, #tpu.memory_space<semaphore_mem>>)
      %dma_wait3A_134 = arith.constant 0 : i32
      %dma_wait3A_135 = tpu.memref_slice %arg17[%add3A_18, %dma_wait3A_134] : memref<10000x96xf32, #tpu.memory_space<vmem_shared>> -> memref<80x96xf32, #tpu.memory_space<vmem_shared>>
      %dma_wait3A_136 = arith.constant 0 : i32
      %dma_wait3A_137 = tpu.memref_slice %arg17[%add3A_18, %dma_wait3A_136] : memref<10000x96xf32, #tpu.memory_space<vmem_shared>> -> memref<80x96xf32, #tpu.memory_space<vmem_shared>>
      tpu.wait_dma2 semaphore(%run_scoped3A : memref<!tpu.dma_semaphore, #tpu.memory_space<semaphore_mem>>) src(%arg8 : memref<80x96xf32, #tpu.memory_space<vmem>>) dst(%dma_wait3A_137 : memref<80x96xf32, #tpu.memory_space<vmem_shared>>)
      tpu.yield
    }) : () -> ()
    %add3A_19 = arith.constant 560 : i32
    %add3A_20 = arith.addi %mul3A_0, %add3A_19 : i32
    "tpu.region"() ({
      %run_scoped3A = tpu.sem_alloc : memref<!tpu.dma_semaphore, #tpu.memory_space<semaphore_mem>>
      %dma_start3A_130 = arith.constant 0 : i32
      %dma_start3A_131 = arith.constant 0 : i32
      %dma_start3A_132 = tpu.memref_slice %arg8[%dma_start3A_130, %dma_start3A_131] : memref<80x96xf32, #tpu.memory_space<vmem>> -> memref<65x96xf32, #tpu.memory_space<vmem>>
      %dma_start3A_133 = arith.constant 0 : i32
      %dma_start3A_134 = tpu.memref_slice %arg17[%add3A_20, %dma_start3A_133] : memref<10000x96xf32, #tpu.memory_space<vmem_shared>> -> memref<65x96xf32, #tpu.memory_space<vmem_shared>>
      %dma_start3A_135 = arith.constant 0 : i32
      %dma_start3A_136 = tpu.memref_slice %arg17[%add3A_20, %dma_start3A_135] : memref<10000x96xf32, #tpu.memory_space<vmem_shared>> -> memref<65x96xf32, #tpu.memory_space<vmem_shared>>
      %dma_start3A_137 = arith.constant 0 : i32
      %dma_start3A_138 = arith.constant 0 : i32
      %dma_start3A_139 = tpu.memref_slice %arg8[%dma_start3A_137, %dma_start3A_138] : memref<80x96xf32, #tpu.memory_space<vmem>> -> memref<65x96xf32, #tpu.memory_space<vmem>>
      tpu.enqueue_dma source(%dma_start3A_139 : memref<65x96xf32, #tpu.memory_space<vmem>>) target(%dma_start3A_136 : memref<65x96xf32, #tpu.memory_space<vmem_shared>>) target_semaphore(%run_scoped3A : memref<!tpu.dma_semaphore, #tpu.memory_space<semaphore_mem>>)
      %dma_wait3A_140 = arith.constant 0 : i32
      %dma_wait3A_141 = arith.constant 0 : i32
      %dma_wait3A_142 = tpu.memref_slice %arg8[%dma_wait3A_140, %dma_wait3A_141] : memref<80x96xf32, #tpu.memory_space<vmem>> -> memref<65x96xf32, #tpu.memory_space<vmem>>
      %dma_wait3A_143 = arith.constant 0 : i32
      %dma_wait3A_144 = tpu.memref_slice %arg17[%add3A_20, %dma_wait3A_143] : memref<10000x96xf32, #tpu.memory_space<vmem_shared>> -> memref<65x96xf32, #tpu.memory_space<vmem_shared>>
      %dma_wait3A_145 = arith.constant 0 : i32
      %dma_wait3A_146 = tpu.memref_slice %arg17[%add3A_20, %dma_wait3A_145] : memref<10000x96xf32, #tpu.memory_space<vmem_shared>> -> memref<65x96xf32, #tpu.memory_space<vmem_shared>>
      %dma_wait3A_147 = arith.constant 0 : i32
      %dma_wait3A_148 = arith.constant 0 : i32
      %dma_wait3A_149 = tpu.memref_slice %arg8[%dma_wait3A_147, %dma_wait3A_148] : memref<80x96xf32, #tpu.memory_space<vmem>> -> memref<65x96xf32, #tpu.memory_space<vmem>>
      tpu.wait_dma2 semaphore(%run_scoped3A : memref<!tpu.dma_semaphore, #tpu.memory_space<semaphore_mem>>) src(%dma_wait3A_149 : memref<65x96xf32, #tpu.memory_space<vmem>>) dst(%dma_wait3A_146 : memref<65x96xf32, #tpu.memory_space<vmem_shared>>)
      tpu.yield
    }) : () -> ()
    %mul3A_21 = arith.constant 20000 : i32
    %mul3A_22 = arith.muli %arg1, %mul3A_21 : i32
    "tpu.region"() ({
      %run_scoped3A = tpu.sem_alloc : memref<!tpu.dma_semaphore, #tpu.memory_space<semaphore_mem>>
      %dma_start3A_130 = tpu.memref_slice %arg3[%mul3A_22] : memref<320000xi32, #tpu.memory_space<hbm>> -> memref<20000xi32, #tpu.memory_space<hbm>>
      %dma_start3A_131 = tpu.memref_slice %arg3[%mul3A_22] : memref<320000xi32, #tpu.memory_space<hbm>> -> memref<20000xi32, #tpu.memory_space<hbm>>
      tpu.enqueue_dma source(%dma_start3A_131 : memref<20000xi32, #tpu.memory_space<hbm>>) target(%arg6 : memref<20000xi32, #tpu.memory_space<vmem>>) target_semaphore(%run_scoped3A : memref<!tpu.dma_semaphore, #tpu.memory_space<semaphore_mem>>)
      %dma_wait3A_132 = tpu.memref_slice %arg3[%mul3A_22] : memref<320000xi32, #tpu.memory_space<hbm>> -> memref<20000xi32, #tpu.memory_space<hbm>>
      %dma_wait3A_133 = tpu.memref_slice %arg3[%mul3A_22] : memref<320000xi32, #tpu.memory_space<hbm>> -> memref<20000xi32, #tpu.memory_space<hbm>>
      tpu.wait_dma2 semaphore(%run_scoped3A : memref<!tpu.dma_semaphore, #tpu.memory_space<semaphore_mem>>) src(%dma_wait3A_133 : memref<20000xi32, #tpu.memory_space<hbm>>) dst(%arg6 : memref<20000xi32, #tpu.memory_space<vmem>>)
      tpu.yield
    }) : () -> ()
    %mul3A_23 = arith.constant 250 : i32
    %mul3A_24 = arith.muli %arg1, %mul3A_23 : i32
    "tpu.region"() ({
      %run_scoped3A = tpu.sem_alloc : memref<!tpu.dma_semaphore, #tpu.memory_space<semaphore_mem>>
      %dma_start3A_130 = arith.constant 0 : i32
      %dma_start3A_131 = tpu.memref_slice %arg4[%mul3A_24, %dma_start3A_130] : memref<4000x80xi32, #tpu.memory_space<hbm>> -> memref<250x80xi32, #tpu.memory_space<hbm>>
      %dma_start3A_132 = arith.constant 0 : i32
      %dma_start3A_133 = tpu.memref_slice %arg4[%mul3A_24, %dma_start3A_132] : memref<4000x80xi32, #tpu.memory_space<hbm>> -> memref<250x80xi32, #tpu.memory_space<hbm>>
      tpu.enqueue_dma source(%dma_start3A_133 : memref<250x80xi32, #tpu.memory_space<hbm>>) target(%arg7 : memref<250x80xi32, #tpu.memory_space<vmem>>) target_semaphore(%run_scoped3A : memref<!tpu.dma_semaphore, #tpu.memory_space<semaphore_mem>>)
      %dma_wait3A_134 = arith.constant 0 : i32
      %dma_wait3A_135 = tpu.memref_slice %arg4[%mul3A_24, %dma_wait3A_134] : memref<4000x80xi32, #tpu.memory_space<hbm>> -> memref<250x80xi32, #tpu.memory_space<hbm>>
      %dma_wait3A_136 = arith.constant 0 : i32
      %dma_wait3A_137 = tpu.memref_slice %arg4[%mul3A_24, %dma_wait3A_136] : memref<4000x80xi32, #tpu.memory_space<hbm>> -> memref<250x80xi32, #tpu.memory_space<hbm>>
      tpu.wait_dma2 semaphore(%run_scoped3A : memref<!tpu.dma_semaphore, #tpu.memory_space<semaphore_mem>>) src(%dma_wait3A_137 : memref<250x80xi32, #tpu.memory_space<hbm>>) dst(%arg7 : memref<250x80xi32, #tpu.memory_space<vmem>>)
      tpu.yield
    }) : () -> ()
    %scan3A_25 = arith.constant 0 : i32
    %scan3A_26 = arith.constant 1250 : i32
    %scan3A_27 = arith.addi %scan3A_25, %scan3A_26 : i32
    %scan3A_28 = arith.constant 1 : i32
    scf.for %scan3A_130 = %scan3A_25 to %scan3A_27 step %scan3A_28  : i32 {
      %mul3A_131 = arith.constant 1 : i32
      %mul3A_132 = arith.muli %scan3A_130, %mul3A_131 : i32
      %add3A_133 = arith.constant 0 : i32
      %add3A_134 = arith.addi %add3A_133, %mul3A_132 : i32
      %mul3A_135 = arith.constant 16 : i32
      %mul3A_136 = arith.muli %add3A_134, %mul3A_135 : i32
      %get3A = arith.index_cast %mul3A_136 : i32 to index
      %get3A_137 = tpu.vector_load %arg6[%get3A] {strides = array<i32>} : memref<20000xi32, #tpu.memory_space<vmem>>, vector<16xi32>,
      %mul3A_138 = arith.constant 2 : i32
      %mul3A_139 = vector.broadcast %mul3A_138 : i32 to vector<16xi32>
      %mul3A_140 = arith.muli %get3A_137, %mul3A_139 : vector<16xi32>
      %add3A_141 = vector.broadcast %arg0 : i32 to vector<16xi32>
      %add3A_142 = arith.addi %mul3A_140, %add3A_141 : vector<16xi32>
      %mul3A_143 = arith.constant 16 : i32
      %mul3A_144 = arith.muli %add3A_134, %mul3A_143 : i32
      %swap3A = arith.index_cast %mul3A_144 : i32 to index
      %swap3A_145 = tpu.vector_load %arg6[%swap3A] {strides = array<i32>} : memref<20000xi32, #tpu.memory_space<vmem>>, vector<16xi32>,
      tpu.vector_store %arg6[%swap3A], %add3A_142 {strides = array<i32>} : memref<20000xi32, #tpu.memory_space<vmem>>, vector<16xi32>,
    }
    %scan3A_29 = arith.constant 1250 : i32
    %barrier3A = arith.constant 0 : index
    tpu.barrier barrier_id(%barrier3A)
    %dma_start3A = arith.constant 0 : i32
    %dma_start3A_30 = tpu.memref_slice %arg6[%dma_start3A] : memref<20000xi32, #tpu.memory_space<vmem>> -> memref<80xi32, #tpu.memory_space<vmem>>
    %dma_start3A_31 = arith.constant 0 : i32
    %dma_start3A_32 = arith.constant 0 : i32
    %dma_start3A_33 = tpu.memref_slice %arg2[%dma_start3A_31, %dma_start3A_32] : memref<20000x96xf32, #tpu.memory_space<hbm>> -> memref<20000x96xf32, #tpu.memory_space<hbm>>
    tpu.enqueue_indirect_dma source(%dma_start3A_33 : memref<20000x96xf32, #tpu.memory_space<hbm>>) target(%arg8 : memref<80x96xf32, #tpu.memory_space<vmem>>) offsets(%dma_start3A_30 : memref<80xi32, #tpu.memory_space<vmem>>) semaphore(%arg11 : memref<!tpu.dma_semaphore, #tpu.memory_space<semaphore_mem>>)
    %dma_start3A_34 = arith.constant 80 : i32
    %dma_start3A_35 = tpu.memref_slice %arg6[%dma_start3A_34] : memref<20000xi32, #tpu.memory_space<vmem>> -> memref<80xi32, #tpu.memory_space<vmem>>
    %dma_start3A_36 = arith.constant 0 : i32
    %dma_start3A_37 = arith.constant 0 : i32
    %dma_start3A_38 = tpu.memref_slice %arg2[%dma_start3A_36, %dma_start3A_37] : memref<20000x96xf32, #tpu.memory_space<hbm>> -> memref<20000x96xf32, #tpu.memory_space<hbm>>
    tpu.enqueue_indirect_dma source(%dma_start3A_38 : memref<20000x96xf32, #tpu.memory_space<hbm>>) target(%arg9 : memref<80x96xf32, #tpu.memory_space<vmem>>) offsets(%dma_start3A_35 : memref<80xi32, #tpu.memory_space<vmem>>) semaphore(%arg12 : memref<!tpu.dma_semaphore, #tpu.memory_space<semaphore_mem>>)
    %dma_wait3A = arith.constant 0 : i32
    %dma_wait3A_39 = tpu.memref_slice %arg6[%dma_wait3A] : memref<20000xi32, #tpu.memory_space<vmem>> -> memref<80xi32, #tpu.memory_space<vmem>>
    %dma_wait3A_40 = arith.constant 0 : i32
    %dma_wait3A_41 = arith.constant 0 : i32
    %dma_wait3A_42 = tpu.memref_slice %arg2[%dma_wait3A_40, %dma_wait3A_41] : memref<20000x96xf32, #tpu.memory_space<hbm>> -> memref<20000x96xf32, #tpu.memory_space<hbm>>
    tpu.wait_indirect_dma semaphore(%arg11 : memref<!tpu.dma_semaphore, #tpu.memory_space<semaphore_mem>>) src(%dma_wait3A_42 : memref<20000x96xf32, #tpu.memory_space<hbm>>) dst(%arg8 : memref<80x96xf32, #tpu.memory_space<vmem>>)
    %dma_start3A_43 = arith.constant 0 : i32
    %dma_start3A_44 = arith.constant 0 : i32
    %dma_start3A_45 = tpu.memref_slice %arg7[%dma_start3A_43, %dma_start3A_44] : memref<250x80xi32, #tpu.memory_space<vmem>> -> memref<1x80xi32, #tpu.memory_space<vmem>>
    %dma_start3A_46 = tpu.memref_squeeze %dma_start3A_45 : memref<1x80xi32, #tpu.memory_space<vmem>> -> memref<80xi32, #tpu.memory_space<vmem>>
    %dma_start3A_47 = arith.constant 0 : i32
    %dma_start3A_48 = arith.constant 0 : i32
    %dma_start3A_49 = tpu.memref_slice %arg17[%dma_start3A_47, %dma_start3A_48] : memref<10000x96xf32, #tpu.memory_space<vmem_shared>> -> memref<10000x96xf32, #tpu.memory_space<vmem_shared>>
    tpu.enqueue_indirect_dma source(%arg8 : memref<80x96xf32, #tpu.memory_space<vmem>>) target(%dma_start3A_49 : memref<10000x96xf32, #tpu.memory_space<vmem_shared>>) offsets(%dma_start3A_46 : memref<80xi32, #tpu.memory_space<vmem>>) semaphore(%arg14 : memref<!tpu.dma_semaphore, #tpu.memory_space<semaphore_mem>>) {add = true}
    %dma_start3A_50 = arith.constant 160 : i32
    %dma_start3A_51 = tpu.memref_slice %arg6[%dma_start3A_50] : memref<20000xi32, #tpu.memory_space<vmem>> -> memref<80xi32, #tpu.memory_space<vmem>>
    %dma_start3A_52 = arith.constant 0 : i32
    %dma_start3A_53 = arith.constant 0 : i32
    %dma_start3A_54 = tpu.memref_slice %arg2[%dma_start3A_52, %dma_start3A_53] : memref<20000x96xf32, #tpu.memory_space<hbm>> -> memref<20000x96xf32, #tpu.memory_space<hbm>>
    tpu.enqueue_indirect_dma source(%dma_start3A_54 : memref<20000x96xf32, #tpu.memory_space<hbm>>) target(%arg10 : memref<80x96xf32, #tpu.memory_space<vmem>>) offsets(%dma_start3A_51 : memref<80xi32, #tpu.memory_space<vmem>>) semaphore(%arg13 : memref<!tpu.dma_semaphore, #tpu.memory_space<semaphore_mem>>)
    %dma_wait3A_55 = arith.constant 80 : i32
    %dma_wait3A_56 = tpu.memref_slice %arg6[%dma_wait3A_55] : memref<20000xi32, #tpu.memory_space<vmem>> -> memref<80xi32, #tpu.memory_space<vmem>>
    %dma_wait3A_57 = arith.constant 0 : i32
    %dma_wait3A_58 = arith.constant 0 : i32
    %dma_wait3A_59 = tpu.memref_slice %arg2[%dma_wait3A_57, %dma_wait3A_58] : memref<20000x96xf32, #tpu.memory_space<hbm>> -> memref<20000x96xf32, #tpu.memory_space<hbm>>
    tpu.wait_indirect_dma semaphore(%arg12 : memref<!tpu.dma_semaphore, #tpu.memory_space<semaphore_mem>>) src(%dma_wait3A_59 : memref<20000x96xf32, #tpu.memory_space<hbm>>) dst(%arg9 : memref<80x96xf32, #tpu.memory_space<vmem>>)
    %dma_start3A_60 = arith.constant 1 : i32
    %dma_start3A_61 = arith.constant 0 : i32
    %dma_start3A_62 = tpu.memref_slice %arg7[%dma_start3A_60, %dma_start3A_61] : memref<250x80xi32, #tpu.memory_space<vmem>> -> memref<1x80xi32, #tpu.memory_space<vmem>>
    %dma_start3A_63 = tpu.memref_squeeze %dma_start3A_62 : memref<1x80xi32, #tpu.memory_space<vmem>> -> memref<80xi32, #tpu.memory_space<vmem>>
    %dma_start3A_64 = arith.constant 0 : i32
    %dma_start3A_65 = arith.constant 0 : i32
    %dma_start3A_66 = tpu.memref_slice %arg17[%dma_start3A_64, %dma_start3A_65] : memref<10000x96xf32, #tpu.memory_space<vmem_shared>> -> memref<10000x96xf32, #tpu.memory_space<vmem_shared>>
    tpu.enqueue_indirect_dma source(%arg9 : memref<80x96xf32, #tpu.memory_space<vmem>>) target(%dma_start3A_66 : memref<10000x96xf32, #tpu.memory_space<vmem_shared>>) offsets(%dma_start3A_63 : memref<80xi32, #tpu.memory_space<vmem>>) semaphore(%arg15 : memref<!tpu.dma_semaphore, #tpu.memory_space<semaphore_mem>>) {add = true}
    %dma_wait3A_67 = arith.constant 0 : i32
    %dma_wait3A_68 = arith.constant 0 : i32
    %dma_wait3A_69 = tpu.memref_slice %arg7[%dma_wait3A_67, %dma_wait3A_68] : memref<250x80xi32, #tpu.memory_space<vmem>> -> memref<1x80xi32, #tpu.memory_space<vmem>>
    %dma_wait3A_70 = tpu.memref_squeeze %dma_wait3A_69 : memref<1x80xi32, #tpu.memory_space<vmem>> -> memref<80xi32, #tpu.memory_space<vmem>>
    %dma_wait3A_71 = arith.constant 0 : i32
    %dma_wait3A_72 = arith.constant 0 : i32
    %dma_wait3A_73 = tpu.memref_slice %arg17[%dma_wait3A_71, %dma_wait3A_72] : memref<10000x96xf32, #tpu.memory_space<vmem_shared>> -> memref<10000x96xf32, #tpu.memory_space<vmem_shared>>
    tpu.wait_indirect_dma semaphore(%arg14 : memref<!tpu.dma_semaphore, #tpu.memory_space<semaphore_mem>>) src(%arg8 : memref<80x96xf32, #tpu.memory_space<vmem>>) dst(%dma_wait3A_73 : memref<10000x96xf32, #tpu.memory_space<vmem_shared>>)
    %dma_start3A_74 = arith.constant 240 : i32
    %dma_start3A_75 = tpu.memref_slice %arg6[%dma_start3A_74] : memref<20000xi32, #tpu.memory_space<vmem>> -> memref<80xi32, #tpu.memory_space<vmem>>
    %dma_start3A_76 = arith.constant 0 : i32
    %dma_start3A_77 = arith.constant 0 : i32
    %dma_start3A_78 = tpu.memref_slice %arg2[%dma_start3A_76, %dma_start3A_77] : memref<20000x96xf32, #tpu.memory_space<hbm>> -> memref<20000x96xf32, #tpu.memory_space<hbm>>
    tpu.enqueue_indirect_dma source(%dma_start3A_78 : memref<20000x96xf32, #tpu.memory_space<hbm>>) target(%arg8 : memref<80x96xf32, #tpu.memory_space<vmem>>) offsets(%dma_start3A_75 : memref<80xi32, #tpu.memory_space<vmem>>) semaphore(%arg11 : memref<!tpu.dma_semaphore, #tpu.memory_space<semaphore_mem>>)
    %scan3A_79 = arith.constant 0 : i32
    %scan3A_80 = arith.constant 82 : i32
    %scan3A_81 = arith.addi %scan3A_79, %scan3A_80 : i32
    %scan3A_82 = arith.constant 1 : i32
    scf.for %scan3A_130 = %scan3A_79 to %scan3A_81 step %scan3A_82  : i32 {
      %mul3A_131 = arith.constant 1 : i32
      %mul3A_132 = arith.muli %scan3A_130, %mul3A_131 : i32
      %add3A_133 = arith.constant 0 : i32
      %add3A_134 = arith.addi %add3A_133, %mul3A_132 : i32
      %mul3A_135 = arith.constant 3 : i32
      %mul3A_136 = arith.muli %mul3A_135, %add3A_134 : i32
      %add3A_137 = arith.constant 2 : i32
      %add3A_138 = arith.addi %mul3A_136, %add3A_137 : i32
      %add3A_139 = arith.constant 0 : i32
      %add3A_140 = arith.addi %add3A_138, %add3A_139 : i32
      %mul3A_141 = arith.constant 80 : i32
      %mul3A_142 = arith.muli %add3A_140, %mul3A_141 : i32
      %dma_wait3A_143 = tpu.memref_slice %arg6[%mul3A_142] : memref<20000xi32, #tpu.memory_space<vmem>> -> memref<80xi32, #tpu.memory_space<vmem>>
      %dma_wait3A_144 = arith.constant 0 : i32
      %dma_wait3A_145 = arith.constant 0 : i32
      %dma_wait3A_146 = tpu.memref_slice %arg2[%dma_wait3A_144, %dma_wait3A_145] : memref<20000x96xf32, #tpu.memory_space<hbm>> -> memref<20000x96xf32, #tpu.memory_space<hbm>>
      tpu.wait_indirect_dma semaphore(%arg13 : memref<!tpu.dma_semaphore, #tpu.memory_space<semaphore_mem>>) src(%dma_wait3A_146 : memref<20000x96xf32, #tpu.memory_space<hbm>>) dst(%arg10 : memref<80x96xf32, #tpu.memory_space<vmem>>)
      %dma_start3A_147 = arith.constant 0 : i32
      %dma_start3A_148 = tpu.memref_slice %arg7[%add3A_140, %dma_start3A_147] : memref<250x80xi32, #tpu.memory_space<vmem>> -> memref<1x80xi32, #tpu.memory_space<vmem>>
      %dma_start3A_149 = tpu.memref_squeeze %dma_start3A_148 : memref<1x80xi32, #tpu.memory_space<vmem>> -> memref<80xi32, #tpu.memory_space<vmem>>
      %dma_start3A_150 = arith.constant 0 : i32
      %dma_start3A_151 = arith.constant 0 : i32
      %dma_start3A_152 = tpu.memref_slice %arg17[%dma_start3A_150, %dma_start3A_151] : memref<10000x96xf32, #tpu.memory_space<vmem_shared>> -> memref<10000x96xf32, #tpu.memory_space<vmem_shared>>
      tpu.enqueue_indirect_dma source(%arg10 : memref<80x96xf32, #tpu.memory_space<vmem>>) target(%dma_start3A_152 : memref<10000x96xf32, #tpu.memory_space<vmem_shared>>) offsets(%dma_start3A_149 : memref<80xi32, #tpu.memory_space<vmem>>) semaphore(%arg16 : memref<!tpu.dma_semaphore, #tpu.memory_space<semaphore_mem>>) {add = true}
      %sub3A = arith.constant 1 : i32
      %sub3A_153 = arith.subi %add3A_140, %sub3A : i32
      %dma_wait3A_154 = arith.constant 0 : i32
      %dma_wait3A_155 = tpu.memref_slice %arg7[%sub3A_153, %dma_wait3A_154] : memref<250x80xi32, #tpu.memory_space<vmem>> -> memref<1x80xi32, #tpu.memory_space<vmem>>
      %dma_wait3A_156 = tpu.memref_squeeze %dma_wait3A_155 : memref<1x80xi32, #tpu.memory_space<vmem>> -> memref<80xi32, #tpu.memory_space<vmem>>
      %dma_wait3A_157 = arith.constant 0 : i32
      %dma_wait3A_158 = arith.constant 0 : i32
      %dma_wait3A_159 = tpu.memref_slice %arg17[%dma_wait3A_157, %dma_wait3A_158] : memref<10000x96xf32, #tpu.memory_space<vmem_shared>> -> memref<10000x96xf32, #tpu.memory_space<vmem_shared>>
      tpu.wait_indirect_dma semaphore(%arg15 : memref<!tpu.dma_semaphore, #tpu.memory_space<semaphore_mem>>) src(%arg9 : memref<80x96xf32, #tpu.memory_space<vmem>>) dst(%dma_wait3A_159 : memref<10000x96xf32, #tpu.memory_space<vmem_shared>>)
      %add3A_160 = arith.constant 2 : i32
      %add3A_161 = arith.addi %add3A_140, %add3A_160 : i32
      %mul3A_162 = arith.constant 80 : i32
      %mul3A_163 = arith.muli %add3A_161, %mul3A_162 : i32
      %dma_start3A_164 = tpu.memref_slice %arg6[%mul3A_163] : memref<20000xi32, #tpu.memory_space<vmem>> -> memref<80xi32, #tpu.memory_space<vmem>>
      %dma_start3A_165 = arith.constant 0 : i32
      %dma_start3A_166 = arith.constant 0 : i32
      %dma_start3A_167 = tpu.memref_slice %arg2[%dma_start3A_165, %dma_start3A_166] : memref<20000x96xf32, #tpu.memory_space<hbm>> -> memref<20000x96xf32, #tpu.memory_space<hbm>>
      tpu.enqueue_indirect_dma source(%dma_start3A_167 : memref<20000x96xf32, #tpu.memory_space<hbm>>) target(%arg9 : memref<80x96xf32, #tpu.memory_space<vmem>>) offsets(%dma_start3A_164 : memref<80xi32, #tpu.memory_space<vmem>>) semaphore(%arg12 : memref<!tpu.dma_semaphore, #tpu.memory_space<semaphore_mem>>)
      %add3A_168 = arith.constant 1 : i32
      %add3A_169 = arith.addi %add3A_138, %add3A_168 : i32
      %mul3A_170 = arith.constant 80 : i32
      %mul3A_171 = arith.muli %add3A_169, %mul3A_170 : i32
      %dma_wait3A_172 = tpu.memref_slice %arg6[%mul3A_171] : memref<20000xi32, #tpu.memory_space<vmem>> -> memref<80xi32, #tpu.memory_space<vmem>>
      %dma_wait3A_173 = arith.constant 0 : i32
      %dma_wait3A_174 = arith.constant 0 : i32
      %dma_wait3A_175 = tpu.memref_slice %arg2[%dma_wait3A_173, %dma_wait3A_174] : memref<20000x96xf32, #tpu.memory_space<hbm>> -> memref<20000x96xf32, #tpu.memory_space<hbm>>
      tpu.wait_indirect_dma semaphore(%arg11 : memref<!tpu.dma_semaphore, #tpu.memory_space<semaphore_mem>>) src(%dma_wait3A_175 : memref<20000x96xf32, #tpu.memory_space<hbm>>) dst(%arg8 : memref<80x96xf32, #tpu.memory_space<vmem>>)
      %dma_start3A_176 = arith.constant 0 : i32
      %dma_start3A_177 = tpu.memref_slice %arg7[%add3A_169, %dma_start3A_176] : memref<250x80xi32, #tpu.memory_space<vmem>> -> memref<1x80xi32, #tpu.memory_space<vmem>>
      %dma_start3A_178 = tpu.memref_squeeze %dma_start3A_177 : memref<1x80xi32, #tpu.memory_space<vmem>> -> memref<80xi32, #tpu.memory_space<vmem>>
      %dma_start3A_179 = arith.constant 0 : i32
      %dma_start3A_180 = arith.constant 0 : i32
      %dma_start3A_181 = tpu.memref_slice %arg17[%dma_start3A_179, %dma_start3A_180] : memref<10000x96xf32, #tpu.memory_space<vmem_shared>> -> memref<10000x96xf32, #tpu.memory_space<vmem_shared>>
      tpu.enqueue_indirect_dma source(%arg8 : memref<80x96xf32, #tpu.memory_space<vmem>>) target(%dma_start3A_181 : memref<10000x96xf32, #tpu.memory_space<vmem_shared>>) offsets(%dma_start3A_178 : memref<80xi32, #tpu.memory_space<vmem>>) semaphore(%arg14 : memref<!tpu.dma_semaphore, #tpu.memory_space<semaphore_mem>>) {add = true}
      %sub3A_182 = arith.constant 1 : i32
      %sub3A_183 = arith.subi %add3A_169, %sub3A_182 : i32
      %dma_wait3A_184 = arith.constant 0 : i32
      %dma_wait3A_185 = tpu.memref_slice %arg7[%sub3A_183, %dma_wait3A_184] : memref<250x80xi32, #tpu.memory_space<vmem>> -> memref<1x80xi32, #tpu.memory_space<vmem>>
      %dma_wait3A_186 = tpu.memref_squeeze %dma_wait3A_185 : memref<1x80xi32, #tpu.memory_space<vmem>> -> memref<80xi32, #tpu.memory_space<vmem>>
      %dma_wait3A_187 = arith.constant 0 : i32
      %dma_wait3A_188 = arith.constant 0 : i32
      %dma_wait3A_189 = tpu.memref_slice %arg17[%dma_wait3A_187, %dma_wait3A_188] : memref<10000x96xf32, #tpu.memory_space<vmem_shared>> -> memref<10000x96xf32, #tpu.memory_space<vmem_shared>>
      tpu.wait_indirect_dma semaphore(%arg16 : memref<!tpu.dma_semaphore, #tpu.memory_space<semaphore_mem>>) src(%arg10 : memref<80x96xf32, #tpu.memory_space<vmem>>) dst(%dma_wait3A_189 : memref<10000x96xf32, #tpu.memory_space<vmem_shared>>)
      %add3A_190 = arith.constant 2 : i32
      %add3A_191 = arith.addi %add3A_169, %add3A_190 : i32
      %mul3A_192 = arith.constant 80 : i32
      %mul3A_193 = arith.muli %add3A_191, %mul3A_192 : i32
      %dma_start3A_194 = tpu.memref_slice %arg6[%mul3A_193] : memref<20000xi32, #tpu.memory_space<vmem>> -> memref<80xi32, #tpu.memory_space<vmem>>
      %dma_start3A_195 = arith.constant 0 : i32
      %dma_start3A_196 = arith.constant 0 : i32
      %dma_start3A_197 = tpu.memref_slice %arg2[%dma_start3A_195, %dma_start3A_196] : memref<20000x96xf32, #tpu.memory_space<hbm>> -> memref<20000x96xf32, #tpu.memory_space<hbm>>
      tpu.enqueue_indirect_dma source(%dma_start3A_197 : memref<20000x96xf32, #tpu.memory_space<hbm>>) target(%arg10 : memref<80x96xf32, #tpu.memory_space<vmem>>) offsets(%dma_start3A_194 : memref<80xi32, #tpu.memory_space<vmem>>) semaphore(%arg13 : memref<!tpu.dma_semaphore, #tpu.memory_space<semaphore_mem>>)
      %add3A_198 = arith.constant 2 : i32
      %add3A_199 = arith.addi %add3A_138, %add3A_198 : i32
      %mul3A_200 = arith.constant 80 : i32
      %mul3A_201 = arith.muli %add3A_199, %mul3A_200 : i32
      %dma_wait3A_202 = tpu.memref_slice %arg6[%mul3A_201] : memref<20000xi32, #tpu.memory_space<vmem>> -> memref<80xi32, #tpu.memory_space<vmem>>
      %dma_wait3A_203 = arith.constant 0 : i32
      %dma_wait3A_204 = arith.constant 0 : i32
      %dma_wait3A_205 = tpu.memref_slice %arg2[%dma_wait3A_203, %dma_wait3A_204] : memref<20000x96xf32, #tpu.memory_space<hbm>> -> memref<20000x96xf32, #tpu.memory_space<hbm>>
      tpu.wait_indirect_dma semaphore(%arg12 : memref<!tpu.dma_semaphore, #tpu.memory_space<semaphore_mem>>) src(%dma_wait3A_205 : memref<20000x96xf32, #tpu.memory_space<hbm>>) dst(%arg9 : memref<80x96xf32, #tpu.memory_space<vmem>>)
      %dma_start3A_206 = arith.constant 0 : i32
      %dma_start3A_207 = tpu.memref_slice %arg7[%add3A_199, %dma_start3A_206] : memref<250x80xi32, #tpu.memory_space<vmem>> -> memref<1x80xi32, #tpu.memory_space<vmem>>
      %dma_start3A_208 = tpu.memref_squeeze %dma_start3A_207 : memref<1x80xi32, #tpu.memory_space<vmem>> -> memref<80xi32, #tpu.memory_space<vmem>>
      %dma_start3A_209 = arith.constant 0 : i32
      %dma_start3A_210 = arith.constant 0 : i32
      %dma_start3A_211 = tpu.memref_slice %arg17[%dma_start3A_209, %dma_start3A_210] : memref<10000x96xf32, #tpu.memory_space<vmem_shared>> -> memref<10000x96xf32, #tpu.memory_space<vmem_shared>>
      tpu.enqueue_indirect_dma source(%arg9 : memref<80x96xf32, #tpu.memory_space<vmem>>) target(%dma_start3A_211 : memref<10000x96xf32, #tpu.memory_space<vmem_shared>>) offsets(%dma_start3A_208 : memref<80xi32, #tpu.memory_space<vmem>>) semaphore(%arg15 : memref<!tpu.dma_semaphore, #tpu.memory_space<semaphore_mem>>) {add = true}
      %sub3A_212 = arith.constant 1 : i32
      %sub3A_213 = arith.subi %add3A_199, %sub3A_212 : i32
      %dma_wait3A_214 = arith.constant 0 : i32
      %dma_wait3A_215 = tpu.memref_slice %arg7[%sub3A_213, %dma_wait3A_214] : memref<250x80xi32, #tpu.memory_space<vmem>> -> memref<1x80xi32, #tpu.memory_space<vmem>>
      %dma_wait3A_216 = tpu.memref_squeeze %dma_wait3A_215 : memref<1x80xi32, #tpu.memory_space<vmem>> -> memref<80xi32, #tpu.memory_space<vmem>>
      %dma_wait3A_217 = arith.constant 0 : i32
      %dma_wait3A_218 = arith.constant 0 : i32
      %dma_wait3A_219 = tpu.memref_slice %arg17[%dma_wait3A_217, %dma_wait3A_218] : memref<10000x96xf32, #tpu.memory_space<vmem_shared>> -> memref<10000x96xf32, #tpu.memory_space<vmem_shared>>
      tpu.wait_indirect_dma semaphore(%arg14 : memref<!tpu.dma_semaphore, #tpu.memory_space<semaphore_mem>>) src(%arg8 : memref<80x96xf32, #tpu.memory_space<vmem>>) dst(%dma_wait3A_219 : memref<10000x96xf32, #tpu.memory_space<vmem_shared>>)
      %add3A_220 = arith.constant 2 : i32
      %add3A_221 = arith.addi %add3A_199, %add3A_220 : i32
      %mul3A_222 = arith.constant 80 : i32
      %mul3A_223 = arith.muli %add3A_221, %mul3A_222 : i32
      %dma_start3A_224 = tpu.memref_slice %arg6[%mul3A_223] : memref<20000xi32, #tpu.memory_space<vmem>> -> memref<80xi32, #tpu.memory_space<vmem>>
      %dma_start3A_225 = arith.constant 0 : i32
      %dma_start3A_226 = arith.constant 0 : i32
      %dma_start3A_227 = tpu.memref_slice %arg2[%dma_start3A_225, %dma_start3A_226] : memref<20000x96xf32, #tpu.memory_space<hbm>> -> memref<20000x96xf32, #tpu.memory_space<hbm>>
      tpu.enqueue_indirect_dma source(%dma_start3A_227 : memref<20000x96xf32, #tpu.memory_space<hbm>>) target(%arg8 : memref<80x96xf32, #tpu.memory_space<vmem>>) offsets(%dma_start3A_224 : memref<80xi32, #tpu.memory_space<vmem>>) semaphore(%arg11 : memref<!tpu.dma_semaphore, #tpu.memory_space<semaphore_mem>>)
    }
    %scan3A_83 = arith.constant 82 : i32
    %dma_wait3A_84 = arith.constant 19840 : i32
    %dma_wait3A_85 = tpu.memref_slice %arg6[%dma_wait3A_84] : memref<20000xi32, #tpu.memory_space<vmem>> -> memref<80xi32, #tpu.memory_space<vmem>>
    %dma_wait3A_86 = arith.constant 0 : i32
    %dma_wait3A_87 = arith.constant 0 : i32
    %dma_wait3A_88 = tpu.memref_slice %arg2[%dma_wait3A_86, %dma_wait3A_87] : memref<20000x96xf32, #tpu.memory_space<hbm>> -> memref<20000x96xf32, #tpu.memory_space<hbm>>
    tpu.wait_indirect_dma semaphore(%arg13 : memref<!tpu.dma_semaphore, #tpu.memory_space<semaphore_mem>>) src(%dma_wait3A_88 : memref<20000x96xf32, #tpu.memory_space<hbm>>) dst(%arg10 : memref<80x96xf32, #tpu.memory_space<vmem>>)
    %dma_start3A_89 = arith.constant 248 : i32
    %dma_start3A_90 = arith.constant 0 : i32
    %dma_start3A_91 = tpu.memref_slice %arg7[%dma_start3A_89, %dma_start3A_90] : memref<250x80xi32, #tpu.memory_space<vmem>> -> memref<1x80xi32, #tpu.memory_space<vmem>>
    %dma_start3A_92 = tpu.memref_squeeze %dma_start3A_91 : memref<1x80xi32, #tpu.memory_space<vmem>> -> memref<80xi32, #tpu.memory_space<vmem>>
    %dma_start3A_93 = arith.constant 0 : i32
    %dma_start3A_94 = arith.constant 0 : i32
    %dma_start3A_95 = tpu.memref_slice %arg17[%dma_start3A_93, %dma_start3A_94] : memref<10000x96xf32, #tpu.memory_space<vmem_shared>> -> memref<10000x96xf32, #tpu.memory_space<vmem_shared>>
    tpu.enqueue_indirect_dma source(%arg10 : memref<80x96xf32, #tpu.memory_space<vmem>>) target(%dma_start3A_95 : memref<10000x96xf32, #tpu.memory_space<vmem_shared>>) offsets(%dma_start3A_92 : memref<80xi32, #tpu.memory_space<vmem>>) semaphore(%arg16 : memref<!tpu.dma_semaphore, #tpu.memory_space<semaphore_mem>>) {add = true}
    %dma_wait3A_96 = arith.constant 247 : i32
    %dma_wait3A_97 = arith.constant 0 : i32
    %dma_wait3A_98 = tpu.memref_slice %arg7[%dma_wait3A_96, %dma_wait3A_97] : memref<250x80xi32, #tpu.memory_space<vmem>> -> memref<1x80xi32, #tpu.memory_space<vmem>>
    %dma_wait3A_99 = tpu.memref_squeeze %dma_wait3A_98 : memref<1x80xi32, #tpu.memory_space<vmem>> -> memref<80xi32, #tpu.memory_space<vmem>>
    %dma_wait3A_100 = arith.constant 0 : i32
    %dma_wait3A_101 = arith.constant 0 : i32
    %dma_wait3A_102 = tpu.memref_slice %arg17[%dma_wait3A_100, %dma_wait3A_101] : memref<10000x96xf32, #tpu.memory_space<vmem_shared>> -> memref<10000x96xf32, #tpu.memory_space<vmem_shared>>
    tpu.wait_indirect_dma semaphore(%arg15 : memref<!tpu.dma_semaphore, #tpu.memory_space<semaphore_mem>>) src(%arg9 : memref<80x96xf32, #tpu.memory_space<vmem>>) dst(%dma_wait3A_102 : memref<10000x96xf32, #tpu.memory_space<vmem_shared>>)
    %dma_wait3A_103 = arith.constant 19920 : i32
    %dma_wait3A_104 = tpu.memref_slice %arg6[%dma_wait3A_103] : memref<20000xi32, #tpu.memory_space<vmem>> -> memref<80xi32, #tpu.memory_space<vmem>>
    %dma_wait3A_105 = arith.constant 0 : i32
    %dma_wait3A_106 = arith.constant 0 : i32
    %dma_wait3A_107 = tpu.memref_slice %arg2[%dma_wait3A_105, %dma_wait3A_106] : memref<20000x96xf32, #tpu.memory_space<hbm>> -> memref<20000x96xf32, #tpu.memory_space<hbm>>
    tpu.wait_indirect_dma semaphore(%arg11 : memref<!tpu.dma_semaphore, #tpu.memory_space<semaphore_mem>>) src(%dma_wait3A_107 : memref<20000x96xf32, #tpu.memory_space<hbm>>) dst(%arg8 : memref<80x96xf32, #tpu.memory_space<vmem>>)
    %dma_start3A_108 = arith.constant 249 : i32
    %dma_start3A_109 = arith.constant 0 : i32
    %dma_start3A_110 = tpu.memref_slice %arg7[%dma_start3A_108, %dma_start3A_109] : memref<250x80xi32, #tpu.memory_space<vmem>> -> memref<1x80xi32, #tpu.memory_space<vmem>>
    %dma_start3A_111 = tpu.memref_squeeze %dma_start3A_110 : memref<1x80xi32, #tpu.memory_space<vmem>> -> memref<80xi32, #tpu.memory_space<vmem>>
    %dma_start3A_112 = arith.constant 0 : i32
    %dma_start3A_113 = arith.constant 0 : i32
    %dma_start3A_114 = tpu.memref_slice %arg17[%dma_start3A_112, %dma_start3A_113] : memref<10000x96xf32, #tpu.memory_space<vmem_shared>> -> memref<10000x96xf32, #tpu.memory_space<vmem_shared>>
    tpu.enqueue_indirect_dma source(%arg8 : memref<80x96xf32, #tpu.memory_space<vmem>>) target(%dma_start3A_114 : memref<10000x96xf32, #tpu.memory_space<vmem_shared>>) offsets(%dma_start3A_111 : memref<80xi32, #tpu.memory_space<vmem>>) semaphore(%arg14 : memref<!tpu.dma_semaphore, #tpu.memory_space<semaphore_mem>>) {add = true}
    %dma_wait3A_115 = arith.constant 248 : i32
    %dma_wait3A_116 = arith.constant 0 : i32
    %dma_wait3A_117 = tpu.memref_slice %arg7[%dma_wait3A_115, %dma_wait3A_116] : memref<250x80xi32, #tpu.memory_space<vmem>> -> memref<1x80xi32, #tpu.memory_space<vmem>>
    %dma_wait3A_118 = tpu.memref_squeeze %dma_wait3A_117 : memref<1x80xi32, #tpu.memory_space<vmem>> -> memref<80xi32, #tpu.memory_space<vmem>>
    %dma_wait3A_119 = arith.constant 0 : i32
    %dma_wait3A_120 = arith.constant 0 : i32
    %dma_wait3A_121 = tpu.memref_slice %arg17[%dma_wait3A_119, %dma_wait3A_120] : memref<10000x96xf32, #tpu.memory_space<vmem_shared>> -> memref<10000x96xf32, #tpu.memory_space<vmem_shared>>
    tpu.wait_indirect_dma semaphore(%arg16 : memref<!tpu.dma_semaphore, #tpu.memory_space<semaphore_mem>>) src(%arg10 : memref<80x96xf32, #tpu.memory_space<vmem>>) dst(%dma_wait3A_121 : memref<10000x96xf32, #tpu.memory_space<vmem_shared>>)
    %dma_wait3A_122 = arith.constant 249 : i32
    %dma_wait3A_123 = arith.constant 0 : i32
    %dma_wait3A_124 = tpu.memref_slice %arg7[%dma_wait3A_122, %dma_wait3A_123] : memref<250x80xi32, #tpu.memory_space<vmem>> -> memref<1x80xi32, #tpu.memory_space<vmem>>
    %dma_wait3A_125 = tpu.memref_squeeze %dma_wait3A_124 : memref<1x80xi32, #tpu.memory_space<vmem>> -> memref<80xi32, #tpu.memory_space<vmem>>
    %dma_wait3A_126 = arith.constant 0 : i32
    %dma_wait3A_127 = arith.constant 0 : i32
    %dma_wait3A_128 = tpu.memref_slice %arg17[%dma_wait3A_126, %dma_wait3A_127] : memref<10000x96xf32, #tpu.memory_space<vmem_shared>> -> memref<10000x96xf32, #tpu.memory_space<vmem_shared>>
    tpu.wait_indirect_dma semaphore(%arg14 : memref<!tpu.dma_semaphore, #tpu.memory_space<semaphore_mem>>) src(%arg8 : memref<80x96xf32, #tpu.memory_space<vmem>>) dst(%dma_wait3A_128 : memref<10000x96xf32, #tpu.memory_space<vmem_shared>>)
    %barrier3A_129 = arith.constant 0 : index
    tpu.barrier barrier_id(%barrier3A_129)
    "tpu.region"() ({
      %run_scoped3A = tpu.sem_alloc : memref<!tpu.dma_semaphore, #tpu.memory_space<semaphore_mem>>
      %dma_start3A_130 = arith.constant 0 : i32
      %dma_start3A_131 = tpu.memref_slice %arg5[%arg0, %mul3A_0, %dma_start3A_130] : memref<2x10000x96xf32, #tpu.memory_space<hbm>> -> memref<1x625x96xf32, #tpu.memory_space<hbm>>
      %dma_start3A_132 = tpu.memref_squeeze %dma_start3A_131 : memref<1x625x96xf32, #tpu.memory_space<hbm>> -> memref<625x96xf32, #tpu.memory_space<hbm>>
      %dma_start3A_133 = arith.constant 0 : i32
      %dma_start3A_134 = tpu.memref_slice %arg17[%mul3A_0, %dma_start3A_133] : memref<10000x96xf32, #tpu.memory_space<vmem_shared>> -> memref<625x96xf32, #tpu.memory_space<vmem_shared>>
      tpu.enqueue_dma source(%dma_start3A_134 : memref<625x96xf32, #tpu.memory_space<vmem_shared>>) target(%dma_start3A_132 : memref<625x96xf32, #tpu.memory_space<hbm>>) target_semaphore(%run_scoped3A : memref<!tpu.dma_semaphore, #tpu.memory_space<semaphore_mem>>)
      %dma_wait3A_135 = arith.constant 0 : i32
      %dma_wait3A_136 = tpu.memref_slice %arg5[%arg0, %mul3A_0, %dma_wait3A_135] : memref<2x10000x96xf32, #tpu.memory_space<hbm>> -> memref<1x625x96xf32, #tpu.memory_space<hbm>>
      %dma_wait3A_137 = tpu.memref_squeeze %dma_wait3A_136 : memref<1x625x96xf32, #tpu.memory_space<hbm>> -> memref<625x96xf32, #tpu.memory_space<hbm>>
      %dma_wait3A_138 = arith.constant 0 : i32
      %dma_wait3A_139 = tpu.memref_slice %arg17[%mul3A_0, %dma_wait3A_138] : memref<10000x96xf32, #tpu.memory_space<vmem_shared>> -> memref<625x96xf32, #tpu.memory_space<vmem_shared>>
      tpu.wait_dma2 semaphore(%run_scoped3A : memref<!tpu.dma_semaphore, #tpu.memory_space<semaphore_mem>>) src(%dma_wait3A_139 : memref<625x96xf32, #tpu.memory_space<vmem_shared>>) dst(%dma_wait3A_137 : memref<625x96xf32, #tpu.memory_space<hbm>>)
      tpu.yield
    }) : () -> ()
    return
  }
}

#map = affine_map<(d0, d1) -> (0, 0)>
#map1 = affine_map<(d0, d1) -> (0)>
#map2 = affine_map<(d0, d1) -> (0, 0, 0)>
module attributes {stable_mosaic.version = 14 : i64} {
  func.func @spmm(%arg0: i32, %arg1: i32, %arg2: memref<20000x32xf32, #tpu.memory_space<hbm>>, %arg3: memref<320000xi32, #tpu.memory_space<hbm>>, %arg4: memref<4000x80xi32, #tpu.memory_space<hbm>>, %arg5: memref<2x10000x32xf32, #tpu.memory_space<hbm>>, %arg6: memref<20000xi32, #tpu.memory_space<vmem>>, %arg7: memref<250x80xi32, #tpu.memory_space<vmem>>, %arg8: memref<80x32xf32, #tpu.memory_space<vmem>>, %arg9: memref<80x32xf32, #tpu.memory_space<vmem>>, %arg10: memref<80x32xf32, #tpu.memory_space<vmem>>, %arg11: memref<!tpu.dma_semaphore, #tpu.memory_space<semaphore_mem>>, %arg12: memref<!tpu.dma_semaphore, #tpu.memory_space<semaphore_mem>>, %arg13: memref<!tpu.dma_semaphore, #tpu.memory_space<semaphore_mem>>, %arg14: memref<!tpu.dma_semaphore, #tpu.memory_space<semaphore_mem>>, %arg15: memref<!tpu.dma_semaphore, #tpu.memory_space<semaphore_mem>>, %arg16: memref<!tpu.dma_semaphore, #tpu.memory_space<semaphore_mem>>, %arg17: memref<10000x32xf32, #tpu.memory_space<vmem_shared>>) attributes {dimension_semantics = [#tpu.dimension_semantics<core_parallel>, #tpu.dimension_semantics<subcore_parallel>], iteration_bounds = array<i64: 2, 16>, scalar_prefetch = 0 : i64, scratch_operands = 12 : i64, tpu.core_type = #tpu.core_type<sc_vector_subcore>, window_params = [{transform_indices = #map}, {transform_indices = #map1}, {transform_indices = #map}, {transform_indices = #map2}]} {
    %mul3A = arith.constant 625 : i32
    %mul3A_0 = arith.muli %arg1, %mul3A : i32
    %broadcast_in_dim3A = arith.constant 0.000000e+00 : f32
    %broadcast_in_dim3A_1 = vector.broadcast %broadcast_in_dim3A : f32 to vector<16xf32>
    %scan3A = arith.constant 0 : i32
    %scan3A_2 = arith.constant 80 : i32
    %scan3A_3 = arith.addi %scan3A, %scan3A_2 : i32
    %scan3A_4 = arith.constant 1 : i32
    scf.for %scan3A_130 = %scan3A to %scan3A_3 step %scan3A_4  : i32 {
      %mul3A_131 = arith.constant 1 : i32
      %mul3A_132 = arith.muli %scan3A_130, %mul3A_131 : i32
      %add3A_133 = arith.constant 0 : i32
      %add3A_134 = arith.addi %add3A_133, %mul3A_132 : i32
      %scan3A_135 = arith.constant 0 : i32
      %scan3A_136 = arith.constant 2 : i32
      %scan3A_137 = arith.addi %scan3A_135, %scan3A_136 : i32
      %scan3A_138 = arith.constant 1 : i32
      scf.for %scan3A_140 = %scan3A_135 to %scan3A_137 step %scan3A_138  : i32 {
        %mul3A_141 = arith.constant 1 : i32
        %mul3A_142 = arith.muli %scan3A_140, %mul3A_141 : i32
        %add3A_143 = arith.constant 0 : i32
        %add3A_144 = arith.addi %add3A_143, %mul3A_142 : i32
        %mul3A_145 = arith.constant 16 : i32
        %mul3A_146 = arith.muli %add3A_144, %mul3A_145 : i32
        %swap3A = arith.index_cast %add3A_134 : i32 to index
        %swap3A_147 = arith.index_cast %mul3A_146 : i32 to index
        %swap3A_148 = tpu.vector_load %arg8[%swap3A, %swap3A_147] {strides = array<i32>} : memref<80x32xf32, #tpu.memory_space<vmem>>, vector<16xf32>,
        tpu.vector_store %arg8[%swap3A, %swap3A_147], %broadcast_in_dim3A_1 {strides = array<i32>} : memref<80x32xf32, #tpu.memory_space<vmem>>, vector<16xf32>,
      }
      %scan3A_139 = arith.constant 2 : i32
    }
    %scan3A_5 = arith.constant 80 : i32
    %add3A = arith.constant 0 : i32
    %add3A_6 = arith.addi %mul3A_0, %add3A : i32
    "tpu.region"() ({
      %run_scoped3A = tpu.sem_alloc : memref<!tpu.dma_semaphore, #tpu.memory_space<semaphore_mem>>
      %dma_start3A_130 = arith.constant 0 : i32
      %dma_start3A_131 = tpu.memref_slice %arg17[%add3A_6, %dma_start3A_130] : memref<10000x32xf32, #tpu.memory_space<vmem_shared>> -> memref<80x32xf32, #tpu.memory_space<vmem_shared>>
      %dma_start3A_132 = arith.constant 0 : i32
      %dma_start3A_133 = tpu.memref_slice %arg17[%add3A_6, %dma_start3A_132] : memref<10000x32xf32, #tpu.memory_space<vmem_shared>> -> memref<80x32xf32, #tpu.memory_space<vmem_shared>>
      tpu.enqueue_dma source(%arg8 : memref<80x32xf32, #tpu.memory_space<vmem>>) target(%dma_start3A_133 : memref<80x32xf32, #tpu.memory_space<vmem_shared>>) target_semaphore(%run_scoped3A : memref<!tpu.dma_semaphore, #tpu.memory_space<semaphore_mem>>)
      %dma_wait3A_134 = arith.constant 0 : i32
      %dma_wait3A_135 = tpu.memref_slice %arg17[%add3A_6, %dma_wait3A_134] : memref<10000x32xf32, #tpu.memory_space<vmem_shared>> -> memref<80x32xf32, #tpu.memory_space<vmem_shared>>
      %dma_wait3A_136 = arith.constant 0 : i32
      %dma_wait3A_137 = tpu.memref_slice %arg17[%add3A_6, %dma_wait3A_136] : memref<10000x32xf32, #tpu.memory_space<vmem_shared>> -> memref<80x32xf32, #tpu.memory_space<vmem_shared>>
      tpu.wait_dma2 semaphore(%run_scoped3A : memref<!tpu.dma_semaphore, #tpu.memory_space<semaphore_mem>>) src(%arg8 : memref<80x32xf32, #tpu.memory_space<vmem>>) dst(%dma_wait3A_137 : memref<80x32xf32, #tpu.memory_space<vmem_shared>>)
      tpu.yield
    }) : () -> ()
    %add3A_7 = arith.constant 80 : i32
    %add3A_8 = arith.addi %mul3A_0, %add3A_7 : i32
    "tpu.region"() ({
      %run_scoped3A = tpu.sem_alloc : memref<!tpu.dma_semaphore, #tpu.memory_space<semaphore_mem>>
      %dma_start3A_130 = arith.constant 0 : i32
      %dma_start3A_131 = tpu.memref_slice %arg17[%add3A_8, %dma_start3A_130] : memref<10000x32xf32, #tpu.memory_space<vmem_shared>> -> memref<80x32xf32, #tpu.memory_space<vmem_shared>>
      %dma_start3A_132 = arith.constant 0 : i32
      %dma_start3A_133 = tpu.memref_slice %arg17[%add3A_8, %dma_start3A_132] : memref<10000x32xf32, #tpu.memory_space<vmem_shared>> -> memref<80x32xf32, #tpu.memory_space<vmem_shared>>
      tpu.enqueue_dma source(%arg8 : memref<80x32xf32, #tpu.memory_space<vmem>>) target(%dma_start3A_133 : memref<80x32xf32, #tpu.memory_space<vmem_shared>>) target_semaphore(%run_scoped3A : memref<!tpu.dma_semaphore, #tpu.memory_space<semaphore_mem>>)
      %dma_wait3A_134 = arith.constant 0 : i32
      %dma_wait3A_135 = tpu.memref_slice %arg17[%add3A_8, %dma_wait3A_134] : memref<10000x32xf32, #tpu.memory_space<vmem_shared>> -> memref<80x32xf32, #tpu.memory_space<vmem_shared>>
      %dma_wait3A_136 = arith.constant 0 : i32
      %dma_wait3A_137 = tpu.memref_slice %arg17[%add3A_8, %dma_wait3A_136] : memref<10000x32xf32, #tpu.memory_space<vmem_shared>> -> memref<80x32xf32, #tpu.memory_space<vmem_shared>>
      tpu.wait_dma2 semaphore(%run_scoped3A : memref<!tpu.dma_semaphore, #tpu.memory_space<semaphore_mem>>) src(%arg8 : memref<80x32xf32, #tpu.memory_space<vmem>>) dst(%dma_wait3A_137 : memref<80x32xf32, #tpu.memory_space<vmem_shared>>)
      tpu.yield
    }) : () -> ()
    %add3A_9 = arith.constant 160 : i32
    %add3A_10 = arith.addi %mul3A_0, %add3A_9 : i32
    "tpu.region"() ({
      %run_scoped3A = tpu.sem_alloc : memref<!tpu.dma_semaphore, #tpu.memory_space<semaphore_mem>>
      %dma_start3A_130 = arith.constant 0 : i32
      %dma_start3A_131 = tpu.memref_slice %arg17[%add3A_10, %dma_start3A_130] : memref<10000x32xf32, #tpu.memory_space<vmem_shared>> -> memref<80x32xf32, #tpu.memory_space<vmem_shared>>
      %dma_start3A_132 = arith.constant 0 : i32
      %dma_start3A_133 = tpu.memref_slice %arg17[%add3A_10, %dma_start3A_132] : memref<10000x32xf32, #tpu.memory_space<vmem_shared>> -> memref<80x32xf32, #tpu.memory_space<vmem_shared>>
      tpu.enqueue_dma source(%arg8 : memref<80x32xf32, #tpu.memory_space<vmem>>) target(%dma_start3A_133 : memref<80x32xf32, #tpu.memory_space<vmem_shared>>) target_semaphore(%run_scoped3A : memref<!tpu.dma_semaphore, #tpu.memory_space<semaphore_mem>>)
      %dma_wait3A_134 = arith.constant 0 : i32
      %dma_wait3A_135 = tpu.memref_slice %arg17[%add3A_10, %dma_wait3A_134] : memref<10000x32xf32, #tpu.memory_space<vmem_shared>> -> memref<80x32xf32, #tpu.memory_space<vmem_shared>>
      %dma_wait3A_136 = arith.constant 0 : i32
      %dma_wait3A_137 = tpu.memref_slice %arg17[%add3A_10, %dma_wait3A_136] : memref<10000x32xf32, #tpu.memory_space<vmem_shared>> -> memref<80x32xf32, #tpu.memory_space<vmem_shared>>
      tpu.wait_dma2 semaphore(%run_scoped3A : memref<!tpu.dma_semaphore, #tpu.memory_space<semaphore_mem>>) src(%arg8 : memref<80x32xf32, #tpu.memory_space<vmem>>) dst(%dma_wait3A_137 : memref<80x32xf32, #tpu.memory_space<vmem_shared>>)
      tpu.yield
    }) : () -> ()
    %add3A_11 = arith.constant 240 : i32
    %add3A_12 = arith.addi %mul3A_0, %add3A_11 : i32
    "tpu.region"() ({
      %run_scoped3A = tpu.sem_alloc : memref<!tpu.dma_semaphore, #tpu.memory_space<semaphore_mem>>
      %dma_start3A_130 = arith.constant 0 : i32
      %dma_start3A_131 = tpu.memref_slice %arg17[%add3A_12, %dma_start3A_130] : memref<10000x32xf32, #tpu.memory_space<vmem_shared>> -> memref<80x32xf32, #tpu.memory_space<vmem_shared>>
      %dma_start3A_132 = arith.constant 0 : i32
      %dma_start3A_133 = tpu.memref_slice %arg17[%add3A_12, %dma_start3A_132] : memref<10000x32xf32, #tpu.memory_space<vmem_shared>> -> memref<80x32xf32, #tpu.memory_space<vmem_shared>>
      tpu.enqueue_dma source(%arg8 : memref<80x32xf32, #tpu.memory_space<vmem>>) target(%dma_start3A_133 : memref<80x32xf32, #tpu.memory_space<vmem_shared>>) target_semaphore(%run_scoped3A : memref<!tpu.dma_semaphore, #tpu.memory_space<semaphore_mem>>)
      %dma_wait3A_134 = arith.constant 0 : i32
      %dma_wait3A_135 = tpu.memref_slice %arg17[%add3A_12, %dma_wait3A_134] : memref<10000x32xf32, #tpu.memory_space<vmem_shared>> -> memref<80x32xf32, #tpu.memory_space<vmem_shared>>
      %dma_wait3A_136 = arith.constant 0 : i32
      %dma_wait3A_137 = tpu.memref_slice %arg17[%add3A_12, %dma_wait3A_136] : memref<10000x32xf32, #tpu.memory_space<vmem_shared>> -> memref<80x32xf32, #tpu.memory_space<vmem_shared>>
      tpu.wait_dma2 semaphore(%run_scoped3A : memref<!tpu.dma_semaphore, #tpu.memory_space<semaphore_mem>>) src(%arg8 : memref<80x32xf32, #tpu.memory_space<vmem>>) dst(%dma_wait3A_137 : memref<80x32xf32, #tpu.memory_space<vmem_shared>>)
      tpu.yield
    }) : () -> ()
    %add3A_13 = arith.constant 320 : i32
    %add3A_14 = arith.addi %mul3A_0, %add3A_13 : i32
    "tpu.region"() ({
      %run_scoped3A = tpu.sem_alloc : memref<!tpu.dma_semaphore, #tpu.memory_space<semaphore_mem>>
      %dma_start3A_130 = arith.constant 0 : i32
      %dma_start3A_131 = tpu.memref_slice %arg17[%add3A_14, %dma_start3A_130] : memref<10000x32xf32, #tpu.memory_space<vmem_shared>> -> memref<80x32xf32, #tpu.memory_space<vmem_shared>>
      %dma_start3A_132 = arith.constant 0 : i32
      %dma_start3A_133 = tpu.memref_slice %arg17[%add3A_14, %dma_start3A_132] : memref<10000x32xf32, #tpu.memory_space<vmem_shared>> -> memref<80x32xf32, #tpu.memory_space<vmem_shared>>
      tpu.enqueue_dma source(%arg8 : memref<80x32xf32, #tpu.memory_space<vmem>>) target(%dma_start3A_133 : memref<80x32xf32, #tpu.memory_space<vmem_shared>>) target_semaphore(%run_scoped3A : memref<!tpu.dma_semaphore, #tpu.memory_space<semaphore_mem>>)
      %dma_wait3A_134 = arith.constant 0 : i32
      %dma_wait3A_135 = tpu.memref_slice %arg17[%add3A_14, %dma_wait3A_134] : memref<10000x32xf32, #tpu.memory_space<vmem_shared>> -> memref<80x32xf32, #tpu.memory_space<vmem_shared>>
      %dma_wait3A_136 = arith.constant 0 : i32
      %dma_wait3A_137 = tpu.memref_slice %arg17[%add3A_14, %dma_wait3A_136] : memref<10000x32xf32, #tpu.memory_space<vmem_shared>> -> memref<80x32xf32, #tpu.memory_space<vmem_shared>>
      tpu.wait_dma2 semaphore(%run_scoped3A : memref<!tpu.dma_semaphore, #tpu.memory_space<semaphore_mem>>) src(%arg8 : memref<80x32xf32, #tpu.memory_space<vmem>>) dst(%dma_wait3A_137 : memref<80x32xf32, #tpu.memory_space<vmem_shared>>)
      tpu.yield
    }) : () -> ()
    %add3A_15 = arith.constant 400 : i32
    %add3A_16 = arith.addi %mul3A_0, %add3A_15 : i32
    "tpu.region"() ({
      %run_scoped3A = tpu.sem_alloc : memref<!tpu.dma_semaphore, #tpu.memory_space<semaphore_mem>>
      %dma_start3A_130 = arith.constant 0 : i32
      %dma_start3A_131 = tpu.memref_slice %arg17[%add3A_16, %dma_start3A_130] : memref<10000x32xf32, #tpu.memory_space<vmem_shared>> -> memref<80x32xf32, #tpu.memory_space<vmem_shared>>
      %dma_start3A_132 = arith.constant 0 : i32
      %dma_start3A_133 = tpu.memref_slice %arg17[%add3A_16, %dma_start3A_132] : memref<10000x32xf32, #tpu.memory_space<vmem_shared>> -> memref<80x32xf32, #tpu.memory_space<vmem_shared>>
      tpu.enqueue_dma source(%arg8 : memref<80x32xf32, #tpu.memory_space<vmem>>) target(%dma_start3A_133 : memref<80x32xf32, #tpu.memory_space<vmem_shared>>) target_semaphore(%run_scoped3A : memref<!tpu.dma_semaphore, #tpu.memory_space<semaphore_mem>>)
      %dma_wait3A_134 = arith.constant 0 : i32
      %dma_wait3A_135 = tpu.memref_slice %arg17[%add3A_16, %dma_wait3A_134] : memref<10000x32xf32, #tpu.memory_space<vmem_shared>> -> memref<80x32xf32, #tpu.memory_space<vmem_shared>>
      %dma_wait3A_136 = arith.constant 0 : i32
      %dma_wait3A_137 = tpu.memref_slice %arg17[%add3A_16, %dma_wait3A_136] : memref<10000x32xf32, #tpu.memory_space<vmem_shared>> -> memref<80x32xf32, #tpu.memory_space<vmem_shared>>
      tpu.wait_dma2 semaphore(%run_scoped3A : memref<!tpu.dma_semaphore, #tpu.memory_space<semaphore_mem>>) src(%arg8 : memref<80x32xf32, #tpu.memory_space<vmem>>) dst(%dma_wait3A_137 : memref<80x32xf32, #tpu.memory_space<vmem_shared>>)
      tpu.yield
    }) : () -> ()
    %add3A_17 = arith.constant 480 : i32
    %add3A_18 = arith.addi %mul3A_0, %add3A_17 : i32
    "tpu.region"() ({
      %run_scoped3A = tpu.sem_alloc : memref<!tpu.dma_semaphore, #tpu.memory_space<semaphore_mem>>
      %dma_start3A_130 = arith.constant 0 : i32
      %dma_start3A_131 = tpu.memref_slice %arg17[%add3A_18, %dma_start3A_130] : memref<10000x32xf32, #tpu.memory_space<vmem_shared>> -> memref<80x32xf32, #tpu.memory_space<vmem_shared>>
      %dma_start3A_132 = arith.constant 0 : i32
      %dma_start3A_133 = tpu.memref_slice %arg17[%add3A_18, %dma_start3A_132] : memref<10000x32xf32, #tpu.memory_space<vmem_shared>> -> memref<80x32xf32, #tpu.memory_space<vmem_shared>>
      tpu.enqueue_dma source(%arg8 : memref<80x32xf32, #tpu.memory_space<vmem>>) target(%dma_start3A_133 : memref<80x32xf32, #tpu.memory_space<vmem_shared>>) target_semaphore(%run_scoped3A : memref<!tpu.dma_semaphore, #tpu.memory_space<semaphore_mem>>)
      %dma_wait3A_134 = arith.constant 0 : i32
      %dma_wait3A_135 = tpu.memref_slice %arg17[%add3A_18, %dma_wait3A_134] : memref<10000x32xf32, #tpu.memory_space<vmem_shared>> -> memref<80x32xf32, #tpu.memory_space<vmem_shared>>
      %dma_wait3A_136 = arith.constant 0 : i32
      %dma_wait3A_137 = tpu.memref_slice %arg17[%add3A_18, %dma_wait3A_136] : memref<10000x32xf32, #tpu.memory_space<vmem_shared>> -> memref<80x32xf32, #tpu.memory_space<vmem_shared>>
      tpu.wait_dma2 semaphore(%run_scoped3A : memref<!tpu.dma_semaphore, #tpu.memory_space<semaphore_mem>>) src(%arg8 : memref<80x32xf32, #tpu.memory_space<vmem>>) dst(%dma_wait3A_137 : memref<80x32xf32, #tpu.memory_space<vmem_shared>>)
      tpu.yield
    }) : () -> ()
    %add3A_19 = arith.constant 560 : i32
    %add3A_20 = arith.addi %mul3A_0, %add3A_19 : i32
    "tpu.region"() ({
      %run_scoped3A = tpu.sem_alloc : memref<!tpu.dma_semaphore, #tpu.memory_space<semaphore_mem>>
      %dma_start3A_130 = arith.constant 0 : i32
      %dma_start3A_131 = arith.constant 0 : i32
      %dma_start3A_132 = tpu.memref_slice %arg8[%dma_start3A_130, %dma_start3A_131] : memref<80x32xf32, #tpu.memory_space<vmem>> -> memref<65x32xf32, #tpu.memory_space<vmem>>
      %dma_start3A_133 = arith.constant 0 : i32
      %dma_start3A_134 = tpu.memref_slice %arg17[%add3A_20, %dma_start3A_133] : memref<10000x32xf32, #tpu.memory_space<vmem_shared>> -> memref<65x32xf32, #tpu.memory_space<vmem_shared>>
      %dma_start3A_135 = arith.constant 0 : i32
      %dma_start3A_136 = tpu.memref_slice %arg17[%add3A_20, %dma_start3A_135] : memref<10000x32xf32, #tpu.memory_space<vmem_shared>> -> memref<65x32xf32, #tpu.memory_space<vmem_shared>>
      %dma_start3A_137 = arith.constant 0 : i32
      %dma_start3A_138 = arith.constant 0 : i32
      %dma_start3A_139 = tpu.memref_slice %arg8[%dma_start3A_137, %dma_start3A_138] : memref<80x32xf32, #tpu.memory_space<vmem>> -> memref<65x32xf32, #tpu.memory_space<vmem>>
      tpu.enqueue_dma source(%dma_start3A_139 : memref<65x32xf32, #tpu.memory_space<vmem>>) target(%dma_start3A_136 : memref<65x32xf32, #tpu.memory_space<vmem_shared>>) target_semaphore(%run_scoped3A : memref<!tpu.dma_semaphore, #tpu.memory_space<semaphore_mem>>)
      %dma_wait3A_140 = arith.constant 0 : i32
      %dma_wait3A_141 = arith.constant 0 : i32
      %dma_wait3A_142 = tpu.memref_slice %arg8[%dma_wait3A_140, %dma_wait3A_141] : memref<80x32xf32, #tpu.memory_space<vmem>> -> memref<65x32xf32, #tpu.memory_space<vmem>>
      %dma_wait3A_143 = arith.constant 0 : i32
      %dma_wait3A_144 = tpu.memref_slice %arg17[%add3A_20, %dma_wait3A_143] : memref<10000x32xf32, #tpu.memory_space<vmem_shared>> -> memref<65x32xf32, #tpu.memory_space<vmem_shared>>
      %dma_wait3A_145 = arith.constant 0 : i32
      %dma_wait3A_146 = tpu.memref_slice %arg17[%add3A_20, %dma_wait3A_145] : memref<10000x32xf32, #tpu.memory_space<vmem_shared>> -> memref<65x32xf32, #tpu.memory_space<vmem_shared>>
      %dma_wait3A_147 = arith.constant 0 : i32
      %dma_wait3A_148 = arith.constant 0 : i32
      %dma_wait3A_149 = tpu.memref_slice %arg8[%dma_wait3A_147, %dma_wait3A_148] : memref<80x32xf32, #tpu.memory_space<vmem>> -> memref<65x32xf32, #tpu.memory_space<vmem>>
      tpu.wait_dma2 semaphore(%run_scoped3A : memref<!tpu.dma_semaphore, #tpu.memory_space<semaphore_mem>>) src(%dma_wait3A_149 : memref<65x32xf32, #tpu.memory_space<vmem>>) dst(%dma_wait3A_146 : memref<65x32xf32, #tpu.memory_space<vmem_shared>>)
      tpu.yield
    }) : () -> ()
    %mul3A_21 = arith.constant 20000 : i32
    %mul3A_22 = arith.muli %arg1, %mul3A_21 : i32
    "tpu.region"() ({
      %run_scoped3A = tpu.sem_alloc : memref<!tpu.dma_semaphore, #tpu.memory_space<semaphore_mem>>
      %dma_start3A_130 = tpu.memref_slice %arg3[%mul3A_22] : memref<320000xi32, #tpu.memory_space<hbm>> -> memref<20000xi32, #tpu.memory_space<hbm>>
      %dma_start3A_131 = tpu.memref_slice %arg3[%mul3A_22] : memref<320000xi32, #tpu.memory_space<hbm>> -> memref<20000xi32, #tpu.memory_space<hbm>>
      tpu.enqueue_dma source(%dma_start3A_131 : memref<20000xi32, #tpu.memory_space<hbm>>) target(%arg6 : memref<20000xi32, #tpu.memory_space<vmem>>) target_semaphore(%run_scoped3A : memref<!tpu.dma_semaphore, #tpu.memory_space<semaphore_mem>>)
      %dma_wait3A_132 = tpu.memref_slice %arg3[%mul3A_22] : memref<320000xi32, #tpu.memory_space<hbm>> -> memref<20000xi32, #tpu.memory_space<hbm>>
      %dma_wait3A_133 = tpu.memref_slice %arg3[%mul3A_22] : memref<320000xi32, #tpu.memory_space<hbm>> -> memref<20000xi32, #tpu.memory_space<hbm>>
      tpu.wait_dma2 semaphore(%run_scoped3A : memref<!tpu.dma_semaphore, #tpu.memory_space<semaphore_mem>>) src(%dma_wait3A_133 : memref<20000xi32, #tpu.memory_space<hbm>>) dst(%arg6 : memref<20000xi32, #tpu.memory_space<vmem>>)
      tpu.yield
    }) : () -> ()
    %mul3A_23 = arith.constant 250 : i32
    %mul3A_24 = arith.muli %arg1, %mul3A_23 : i32
    "tpu.region"() ({
      %run_scoped3A = tpu.sem_alloc : memref<!tpu.dma_semaphore, #tpu.memory_space<semaphore_mem>>
      %dma_start3A_130 = arith.constant 0 : i32
      %dma_start3A_131 = tpu.memref_slice %arg4[%mul3A_24, %dma_start3A_130] : memref<4000x80xi32, #tpu.memory_space<hbm>> -> memref<250x80xi32, #tpu.memory_space<hbm>>
      %dma_start3A_132 = arith.constant 0 : i32
      %dma_start3A_133 = tpu.memref_slice %arg4[%mul3A_24, %dma_start3A_132] : memref<4000x80xi32, #tpu.memory_space<hbm>> -> memref<250x80xi32, #tpu.memory_space<hbm>>
      tpu.enqueue_dma source(%dma_start3A_133 : memref<250x80xi32, #tpu.memory_space<hbm>>) target(%arg7 : memref<250x80xi32, #tpu.memory_space<vmem>>) target_semaphore(%run_scoped3A : memref<!tpu.dma_semaphore, #tpu.memory_space<semaphore_mem>>)
      %dma_wait3A_134 = arith.constant 0 : i32
      %dma_wait3A_135 = tpu.memref_slice %arg4[%mul3A_24, %dma_wait3A_134] : memref<4000x80xi32, #tpu.memory_space<hbm>> -> memref<250x80xi32, #tpu.memory_space<hbm>>
      %dma_wait3A_136 = arith.constant 0 : i32
      %dma_wait3A_137 = tpu.memref_slice %arg4[%mul3A_24, %dma_wait3A_136] : memref<4000x80xi32, #tpu.memory_space<hbm>> -> memref<250x80xi32, #tpu.memory_space<hbm>>
      tpu.wait_dma2 semaphore(%run_scoped3A : memref<!tpu.dma_semaphore, #tpu.memory_space<semaphore_mem>>) src(%dma_wait3A_137 : memref<250x80xi32, #tpu.memory_space<hbm>>) dst(%arg7 : memref<250x80xi32, #tpu.memory_space<vmem>>)
      tpu.yield
    }) : () -> ()
    %scan3A_25 = arith.constant 0 : i32
    %scan3A_26 = arith.constant 1250 : i32
    %scan3A_27 = arith.addi %scan3A_25, %scan3A_26 : i32
    %scan3A_28 = arith.constant 1 : i32
    scf.for %scan3A_130 = %scan3A_25 to %scan3A_27 step %scan3A_28  : i32 {
      %mul3A_131 = arith.constant 1 : i32
      %mul3A_132 = arith.muli %scan3A_130, %mul3A_131 : i32
      %add3A_133 = arith.constant 0 : i32
      %add3A_134 = arith.addi %add3A_133, %mul3A_132 : i32
      %mul3A_135 = arith.constant 16 : i32
      %mul3A_136 = arith.muli %add3A_134, %mul3A_135 : i32
      %get3A = arith.index_cast %mul3A_136 : i32 to index
      %get3A_137 = tpu.vector_load %arg6[%get3A] {strides = array<i32>} : memref<20000xi32, #tpu.memory_space<vmem>>, vector<16xi32>,
      %mul3A_138 = arith.constant 2 : i32
      %mul3A_139 = vector.broadcast %mul3A_138 : i32 to vector<16xi32>
      %mul3A_140 = arith.muli %get3A_137, %mul3A_139 : vector<16xi32>
      %add3A_141 = vector.broadcast %arg0 : i32 to vector<16xi32>
      %add3A_142 = arith.addi %mul3A_140, %add3A_141 : vector<16xi32>
      %mul3A_143 = arith.constant 16 : i32
      %mul3A_144 = arith.muli %add3A_134, %mul3A_143 : i32
      %swap3A = arith.index_cast %mul3A_144 : i32 to index
      %swap3A_145 = tpu.vector_load %arg6[%swap3A] {strides = array<i32>} : memref<20000xi32, #tpu.memory_space<vmem>>, vector<16xi32>,
      tpu.vector_store %arg6[%swap3A], %add3A_142 {strides = array<i32>} : memref<20000xi32, #tpu.memory_space<vmem>>, vector<16xi32>,
    }
    %scan3A_29 = arith.constant 1250 : i32
    %barrier3A = arith.constant 0 : index
    tpu.barrier barrier_id(%barrier3A)
    %dma_start3A = arith.constant 0 : i32
    %dma_start3A_30 = tpu.memref_slice %arg6[%dma_start3A] : memref<20000xi32, #tpu.memory_space<vmem>> -> memref<80xi32, #tpu.memory_space<vmem>>
    %dma_start3A_31 = arith.constant 0 : i32
    %dma_start3A_32 = arith.constant 0 : i32
    %dma_start3A_33 = tpu.memref_slice %arg2[%dma_start3A_31, %dma_start3A_32] : memref<20000x32xf32, #tpu.memory_space<hbm>> -> memref<20000x32xf32, #tpu.memory_space<hbm>>
    tpu.enqueue_indirect_dma source(%dma_start3A_33 : memref<20000x32xf32, #tpu.memory_space<hbm>>) target(%arg8 : memref<80x32xf32, #tpu.memory_space<vmem>>) offsets(%dma_start3A_30 : memref<80xi32, #tpu.memory_space<vmem>>) semaphore(%arg11 : memref<!tpu.dma_semaphore, #tpu.memory_space<semaphore_mem>>)
    %dma_start3A_34 = arith.constant 80 : i32
    %dma_start3A_35 = tpu.memref_slice %arg6[%dma_start3A_34] : memref<20000xi32, #tpu.memory_space<vmem>> -> memref<80xi32, #tpu.memory_space<vmem>>
    %dma_start3A_36 = arith.constant 0 : i32
    %dma_start3A_37 = arith.constant 0 : i32
    %dma_start3A_38 = tpu.memref_slice %arg2[%dma_start3A_36, %dma_start3A_37] : memref<20000x32xf32, #tpu.memory_space<hbm>> -> memref<20000x32xf32, #tpu.memory_space<hbm>>
    tpu.enqueue_indirect_dma source(%dma_start3A_38 : memref<20000x32xf32, #tpu.memory_space<hbm>>) target(%arg9 : memref<80x32xf32, #tpu.memory_space<vmem>>) offsets(%dma_start3A_35 : memref<80xi32, #tpu.memory_space<vmem>>) semaphore(%arg12 : memref<!tpu.dma_semaphore, #tpu.memory_space<semaphore_mem>>)
    %dma_wait3A = arith.constant 0 : i32
    %dma_wait3A_39 = tpu.memref_slice %arg6[%dma_wait3A] : memref<20000xi32, #tpu.memory_space<vmem>> -> memref<80xi32, #tpu.memory_space<vmem>>
    %dma_wait3A_40 = arith.constant 0 : i32
    %dma_wait3A_41 = arith.constant 0 : i32
    %dma_wait3A_42 = tpu.memref_slice %arg2[%dma_wait3A_40, %dma_wait3A_41] : memref<20000x32xf32, #tpu.memory_space<hbm>> -> memref<20000x32xf32, #tpu.memory_space<hbm>>
    tpu.wait_indirect_dma semaphore(%arg11 : memref<!tpu.dma_semaphore, #tpu.memory_space<semaphore_mem>>) src(%dma_wait3A_42 : memref<20000x32xf32, #tpu.memory_space<hbm>>) dst(%arg8 : memref<80x32xf32, #tpu.memory_space<vmem>>)
    %dma_start3A_43 = arith.constant 0 : i32
    %dma_start3A_44 = arith.constant 0 : i32
    %dma_start3A_45 = tpu.memref_slice %arg7[%dma_start3A_43, %dma_start3A_44] : memref<250x80xi32, #tpu.memory_space<vmem>> -> memref<1x80xi32, #tpu.memory_space<vmem>>
    %dma_start3A_46 = tpu.memref_squeeze %dma_start3A_45 : memref<1x80xi32, #tpu.memory_space<vmem>> -> memref<80xi32, #tpu.memory_space<vmem>>
    %dma_start3A_47 = arith.constant 0 : i32
    %dma_start3A_48 = arith.constant 0 : i32
    %dma_start3A_49 = tpu.memref_slice %arg17[%dma_start3A_47, %dma_start3A_48] : memref<10000x32xf32, #tpu.memory_space<vmem_shared>> -> memref<10000x32xf32, #tpu.memory_space<vmem_shared>>
    tpu.enqueue_indirect_dma source(%arg8 : memref<80x32xf32, #tpu.memory_space<vmem>>) target(%dma_start3A_49 : memref<10000x32xf32, #tpu.memory_space<vmem_shared>>) offsets(%dma_start3A_46 : memref<80xi32, #tpu.memory_space<vmem>>) semaphore(%arg14 : memref<!tpu.dma_semaphore, #tpu.memory_space<semaphore_mem>>) {add = true}
    %dma_start3A_50 = arith.constant 160 : i32
    %dma_start3A_51 = tpu.memref_slice %arg6[%dma_start3A_50] : memref<20000xi32, #tpu.memory_space<vmem>> -> memref<80xi32, #tpu.memory_space<vmem>>
    %dma_start3A_52 = arith.constant 0 : i32
    %dma_start3A_53 = arith.constant 0 : i32
    %dma_start3A_54 = tpu.memref_slice %arg2[%dma_start3A_52, %dma_start3A_53] : memref<20000x32xf32, #tpu.memory_space<hbm>> -> memref<20000x32xf32, #tpu.memory_space<hbm>>
    tpu.enqueue_indirect_dma source(%dma_start3A_54 : memref<20000x32xf32, #tpu.memory_space<hbm>>) target(%arg10 : memref<80x32xf32, #tpu.memory_space<vmem>>) offsets(%dma_start3A_51 : memref<80xi32, #tpu.memory_space<vmem>>) semaphore(%arg13 : memref<!tpu.dma_semaphore, #tpu.memory_space<semaphore_mem>>)
    %dma_wait3A_55 = arith.constant 80 : i32
    %dma_wait3A_56 = tpu.memref_slice %arg6[%dma_wait3A_55] : memref<20000xi32, #tpu.memory_space<vmem>> -> memref<80xi32, #tpu.memory_space<vmem>>
    %dma_wait3A_57 = arith.constant 0 : i32
    %dma_wait3A_58 = arith.constant 0 : i32
    %dma_wait3A_59 = tpu.memref_slice %arg2[%dma_wait3A_57, %dma_wait3A_58] : memref<20000x32xf32, #tpu.memory_space<hbm>> -> memref<20000x32xf32, #tpu.memory_space<hbm>>
    tpu.wait_indirect_dma semaphore(%arg12 : memref<!tpu.dma_semaphore, #tpu.memory_space<semaphore_mem>>) src(%dma_wait3A_59 : memref<20000x32xf32, #tpu.memory_space<hbm>>) dst(%arg9 : memref<80x32xf32, #tpu.memory_space<vmem>>)
    %dma_start3A_60 = arith.constant 1 : i32
    %dma_start3A_61 = arith.constant 0 : i32
    %dma_start3A_62 = tpu.memref_slice %arg7[%dma_start3A_60, %dma_start3A_61] : memref<250x80xi32, #tpu.memory_space<vmem>> -> memref<1x80xi32, #tpu.memory_space<vmem>>
    %dma_start3A_63 = tpu.memref_squeeze %dma_start3A_62 : memref<1x80xi32, #tpu.memory_space<vmem>> -> memref<80xi32, #tpu.memory_space<vmem>>
    %dma_start3A_64 = arith.constant 0 : i32
    %dma_start3A_65 = arith.constant 0 : i32
    %dma_start3A_66 = tpu.memref_slice %arg17[%dma_start3A_64, %dma_start3A_65] : memref<10000x32xf32, #tpu.memory_space<vmem_shared>> -> memref<10000x32xf32, #tpu.memory_space<vmem_shared>>
    tpu.enqueue_indirect_dma source(%arg9 : memref<80x32xf32, #tpu.memory_space<vmem>>) target(%dma_start3A_66 : memref<10000x32xf32, #tpu.memory_space<vmem_shared>>) offsets(%dma_start3A_63 : memref<80xi32, #tpu.memory_space<vmem>>) semaphore(%arg15 : memref<!tpu.dma_semaphore, #tpu.memory_space<semaphore_mem>>) {add = true}
    %dma_wait3A_67 = arith.constant 0 : i32
    %dma_wait3A_68 = arith.constant 0 : i32
    %dma_wait3A_69 = tpu.memref_slice %arg7[%dma_wait3A_67, %dma_wait3A_68] : memref<250x80xi32, #tpu.memory_space<vmem>> -> memref<1x80xi32, #tpu.memory_space<vmem>>
    %dma_wait3A_70 = tpu.memref_squeeze %dma_wait3A_69 : memref<1x80xi32, #tpu.memory_space<vmem>> -> memref<80xi32, #tpu.memory_space<vmem>>
    %dma_wait3A_71 = arith.constant 0 : i32
    %dma_wait3A_72 = arith.constant 0 : i32
    %dma_wait3A_73 = tpu.memref_slice %arg17[%dma_wait3A_71, %dma_wait3A_72] : memref<10000x32xf32, #tpu.memory_space<vmem_shared>> -> memref<10000x32xf32, #tpu.memory_space<vmem_shared>>
    tpu.wait_indirect_dma semaphore(%arg14 : memref<!tpu.dma_semaphore, #tpu.memory_space<semaphore_mem>>) src(%arg8 : memref<80x32xf32, #tpu.memory_space<vmem>>) dst(%dma_wait3A_73 : memref<10000x32xf32, #tpu.memory_space<vmem_shared>>)
    %dma_start3A_74 = arith.constant 240 : i32
    %dma_start3A_75 = tpu.memref_slice %arg6[%dma_start3A_74] : memref<20000xi32, #tpu.memory_space<vmem>> -> memref<80xi32, #tpu.memory_space<vmem>>
    %dma_start3A_76 = arith.constant 0 : i32
    %dma_start3A_77 = arith.constant 0 : i32
    %dma_start3A_78 = tpu.memref_slice %arg2[%dma_start3A_76, %dma_start3A_77] : memref<20000x32xf32, #tpu.memory_space<hbm>> -> memref<20000x32xf32, #tpu.memory_space<hbm>>
    tpu.enqueue_indirect_dma source(%dma_start3A_78 : memref<20000x32xf32, #tpu.memory_space<hbm>>) target(%arg8 : memref<80x32xf32, #tpu.memory_space<vmem>>) offsets(%dma_start3A_75 : memref<80xi32, #tpu.memory_space<vmem>>) semaphore(%arg11 : memref<!tpu.dma_semaphore, #tpu.memory_space<semaphore_mem>>)
    %scan3A_79 = arith.constant 0 : i32
    %scan3A_80 = arith.constant 82 : i32
    %scan3A_81 = arith.addi %scan3A_79, %scan3A_80 : i32
    %scan3A_82 = arith.constant 1 : i32
    scf.for %scan3A_130 = %scan3A_79 to %scan3A_81 step %scan3A_82  : i32 {
      %mul3A_131 = arith.constant 1 : i32
      %mul3A_132 = arith.muli %scan3A_130, %mul3A_131 : i32
      %add3A_133 = arith.constant 0 : i32
      %add3A_134 = arith.addi %add3A_133, %mul3A_132 : i32
      %mul3A_135 = arith.constant 3 : i32
      %mul3A_136 = arith.muli %mul3A_135, %add3A_134 : i32
      %add3A_137 = arith.constant 2 : i32
      %add3A_138 = arith.addi %mul3A_136, %add3A_137 : i32
      %add3A_139 = arith.constant 0 : i32
      %add3A_140 = arith.addi %add3A_138, %add3A_139 : i32
      %mul3A_141 = arith.constant 80 : i32
      %mul3A_142 = arith.muli %add3A_140, %mul3A_141 : i32
      %dma_wait3A_143 = tpu.memref_slice %arg6[%mul3A_142] : memref<20000xi32, #tpu.memory_space<vmem>> -> memref<80xi32, #tpu.memory_space<vmem>>
      %dma_wait3A_144 = arith.constant 0 : i32
      %dma_wait3A_145 = arith.constant 0 : i32
      %dma_wait3A_146 = tpu.memref_slice %arg2[%dma_wait3A_144, %dma_wait3A_145] : memref<20000x32xf32, #tpu.memory_space<hbm>> -> memref<20000x32xf32, #tpu.memory_space<hbm>>
      tpu.wait_indirect_dma semaphore(%arg13 : memref<!tpu.dma_semaphore, #tpu.memory_space<semaphore_mem>>) src(%dma_wait3A_146 : memref<20000x32xf32, #tpu.memory_space<hbm>>) dst(%arg10 : memref<80x32xf32, #tpu.memory_space<vmem>>)
      %dma_start3A_147 = arith.constant 0 : i32
      %dma_start3A_148 = tpu.memref_slice %arg7[%add3A_140, %dma_start3A_147] : memref<250x80xi32, #tpu.memory_space<vmem>> -> memref<1x80xi32, #tpu.memory_space<vmem>>
      %dma_start3A_149 = tpu.memref_squeeze %dma_start3A_148 : memref<1x80xi32, #tpu.memory_space<vmem>> -> memref<80xi32, #tpu.memory_space<vmem>>
      %dma_start3A_150 = arith.constant 0 : i32
      %dma_start3A_151 = arith.constant 0 : i32
      %dma_start3A_152 = tpu.memref_slice %arg17[%dma_start3A_150, %dma_start3A_151] : memref<10000x32xf32, #tpu.memory_space<vmem_shared>> -> memref<10000x32xf32, #tpu.memory_space<vmem_shared>>
      tpu.enqueue_indirect_dma source(%arg10 : memref<80x32xf32, #tpu.memory_space<vmem>>) target(%dma_start3A_152 : memref<10000x32xf32, #tpu.memory_space<vmem_shared>>) offsets(%dma_start3A_149 : memref<80xi32, #tpu.memory_space<vmem>>) semaphore(%arg16 : memref<!tpu.dma_semaphore, #tpu.memory_space<semaphore_mem>>) {add = true}
      %sub3A = arith.constant 1 : i32
      %sub3A_153 = arith.subi %add3A_140, %sub3A : i32
      %dma_wait3A_154 = arith.constant 0 : i32
      %dma_wait3A_155 = tpu.memref_slice %arg7[%sub3A_153, %dma_wait3A_154] : memref<250x80xi32, #tpu.memory_space<vmem>> -> memref<1x80xi32, #tpu.memory_space<vmem>>
      %dma_wait3A_156 = tpu.memref_squeeze %dma_wait3A_155 : memref<1x80xi32, #tpu.memory_space<vmem>> -> memref<80xi32, #tpu.memory_space<vmem>>
      %dma_wait3A_157 = arith.constant 0 : i32
      %dma_wait3A_158 = arith.constant 0 : i32
      %dma_wait3A_159 = tpu.memref_slice %arg17[%dma_wait3A_157, %dma_wait3A_158] : memref<10000x32xf32, #tpu.memory_space<vmem_shared>> -> memref<10000x32xf32, #tpu.memory_space<vmem_shared>>
      tpu.wait_indirect_dma semaphore(%arg15 : memref<!tpu.dma_semaphore, #tpu.memory_space<semaphore_mem>>) src(%arg9 : memref<80x32xf32, #tpu.memory_space<vmem>>) dst(%dma_wait3A_159 : memref<10000x32xf32, #tpu.memory_space<vmem_shared>>)
      %add3A_160 = arith.constant 2 : i32
      %add3A_161 = arith.addi %add3A_140, %add3A_160 : i32
      %mul3A_162 = arith.constant 80 : i32
      %mul3A_163 = arith.muli %add3A_161, %mul3A_162 : i32
      %dma_start3A_164 = tpu.memref_slice %arg6[%mul3A_163] : memref<20000xi32, #tpu.memory_space<vmem>> -> memref<80xi32, #tpu.memory_space<vmem>>
      %dma_start3A_165 = arith.constant 0 : i32
      %dma_start3A_166 = arith.constant 0 : i32
      %dma_start3A_167 = tpu.memref_slice %arg2[%dma_start3A_165, %dma_start3A_166] : memref<20000x32xf32, #tpu.memory_space<hbm>> -> memref<20000x32xf32, #tpu.memory_space<hbm>>
      tpu.enqueue_indirect_dma source(%dma_start3A_167 : memref<20000x32xf32, #tpu.memory_space<hbm>>) target(%arg9 : memref<80x32xf32, #tpu.memory_space<vmem>>) offsets(%dma_start3A_164 : memref<80xi32, #tpu.memory_space<vmem>>) semaphore(%arg12 : memref<!tpu.dma_semaphore, #tpu.memory_space<semaphore_mem>>)
      %add3A_168 = arith.constant 1 : i32
      %add3A_169 = arith.addi %add3A_138, %add3A_168 : i32
      %mul3A_170 = arith.constant 80 : i32
      %mul3A_171 = arith.muli %add3A_169, %mul3A_170 : i32
      %dma_wait3A_172 = tpu.memref_slice %arg6[%mul3A_171] : memref<20000xi32, #tpu.memory_space<vmem>> -> memref<80xi32, #tpu.memory_space<vmem>>
      %dma_wait3A_173 = arith.constant 0 : i32
      %dma_wait3A_174 = arith.constant 0 : i32
      %dma_wait3A_175 = tpu.memref_slice %arg2[%dma_wait3A_173, %dma_wait3A_174] : memref<20000x32xf32, #tpu.memory_space<hbm>> -> memref<20000x32xf32, #tpu.memory_space<hbm>>
      tpu.wait_indirect_dma semaphore(%arg11 : memref<!tpu.dma_semaphore, #tpu.memory_space<semaphore_mem>>) src(%dma_wait3A_175 : memref<20000x32xf32, #tpu.memory_space<hbm>>) dst(%arg8 : memref<80x32xf32, #tpu.memory_space<vmem>>)
      %dma_start3A_176 = arith.constant 0 : i32
      %dma_start3A_177 = tpu.memref_slice %arg7[%add3A_169, %dma_start3A_176] : memref<250x80xi32, #tpu.memory_space<vmem>> -> memref<1x80xi32, #tpu.memory_space<vmem>>
      %dma_start3A_178 = tpu.memref_squeeze %dma_start3A_177 : memref<1x80xi32, #tpu.memory_space<vmem>> -> memref<80xi32, #tpu.memory_space<vmem>>
      %dma_start3A_179 = arith.constant 0 : i32
      %dma_start3A_180 = arith.constant 0 : i32
      %dma_start3A_181 = tpu.memref_slice %arg17[%dma_start3A_179, %dma_start3A_180] : memref<10000x32xf32, #tpu.memory_space<vmem_shared>> -> memref<10000x32xf32, #tpu.memory_space<vmem_shared>>
      tpu.enqueue_indirect_dma source(%arg8 : memref<80x32xf32, #tpu.memory_space<vmem>>) target(%dma_start3A_181 : memref<10000x32xf32, #tpu.memory_space<vmem_shared>>) offsets(%dma_start3A_178 : memref<80xi32, #tpu.memory_space<vmem>>) semaphore(%arg14 : memref<!tpu.dma_semaphore, #tpu.memory_space<semaphore_mem>>) {add = true}
      %sub3A_182 = arith.constant 1 : i32
      %sub3A_183 = arith.subi %add3A_169, %sub3A_182 : i32
      %dma_wait3A_184 = arith.constant 0 : i32
      %dma_wait3A_185 = tpu.memref_slice %arg7[%sub3A_183, %dma_wait3A_184] : memref<250x80xi32, #tpu.memory_space<vmem>> -> memref<1x80xi32, #tpu.memory_space<vmem>>
      %dma_wait3A_186 = tpu.memref_squeeze %dma_wait3A_185 : memref<1x80xi32, #tpu.memory_space<vmem>> -> memref<80xi32, #tpu.memory_space<vmem>>
      %dma_wait3A_187 = arith.constant 0 : i32
      %dma_wait3A_188 = arith.constant 0 : i32
      %dma_wait3A_189 = tpu.memref_slice %arg17[%dma_wait3A_187, %dma_wait3A_188] : memref<10000x32xf32, #tpu.memory_space<vmem_shared>> -> memref<10000x32xf32, #tpu.memory_space<vmem_shared>>
      tpu.wait_indirect_dma semaphore(%arg16 : memref<!tpu.dma_semaphore, #tpu.memory_space<semaphore_mem>>) src(%arg10 : memref<80x32xf32, #tpu.memory_space<vmem>>) dst(%dma_wait3A_189 : memref<10000x32xf32, #tpu.memory_space<vmem_shared>>)
      %add3A_190 = arith.constant 2 : i32
      %add3A_191 = arith.addi %add3A_169, %add3A_190 : i32
      %mul3A_192 = arith.constant 80 : i32
      %mul3A_193 = arith.muli %add3A_191, %mul3A_192 : i32
      %dma_start3A_194 = tpu.memref_slice %arg6[%mul3A_193] : memref<20000xi32, #tpu.memory_space<vmem>> -> memref<80xi32, #tpu.memory_space<vmem>>
      %dma_start3A_195 = arith.constant 0 : i32
      %dma_start3A_196 = arith.constant 0 : i32
      %dma_start3A_197 = tpu.memref_slice %arg2[%dma_start3A_195, %dma_start3A_196] : memref<20000x32xf32, #tpu.memory_space<hbm>> -> memref<20000x32xf32, #tpu.memory_space<hbm>>
      tpu.enqueue_indirect_dma source(%dma_start3A_197 : memref<20000x32xf32, #tpu.memory_space<hbm>>) target(%arg10 : memref<80x32xf32, #tpu.memory_space<vmem>>) offsets(%dma_start3A_194 : memref<80xi32, #tpu.memory_space<vmem>>) semaphore(%arg13 : memref<!tpu.dma_semaphore, #tpu.memory_space<semaphore_mem>>)
      %add3A_198 = arith.constant 2 : i32
      %add3A_199 = arith.addi %add3A_138, %add3A_198 : i32
      %mul3A_200 = arith.constant 80 : i32
      %mul3A_201 = arith.muli %add3A_199, %mul3A_200 : i32
      %dma_wait3A_202 = tpu.memref_slice %arg6[%mul3A_201] : memref<20000xi32, #tpu.memory_space<vmem>> -> memref<80xi32, #tpu.memory_space<vmem>>
      %dma_wait3A_203 = arith.constant 0 : i32
      %dma_wait3A_204 = arith.constant 0 : i32
      %dma_wait3A_205 = tpu.memref_slice %arg2[%dma_wait3A_203, %dma_wait3A_204] : memref<20000x32xf32, #tpu.memory_space<hbm>> -> memref<20000x32xf32, #tpu.memory_space<hbm>>
      tpu.wait_indirect_dma semaphore(%arg12 : memref<!tpu.dma_semaphore, #tpu.memory_space<semaphore_mem>>) src(%dma_wait3A_205 : memref<20000x32xf32, #tpu.memory_space<hbm>>) dst(%arg9 : memref<80x32xf32, #tpu.memory_space<vmem>>)
      %dma_start3A_206 = arith.constant 0 : i32
      %dma_start3A_207 = tpu.memref_slice %arg7[%add3A_199, %dma_start3A_206] : memref<250x80xi32, #tpu.memory_space<vmem>> -> memref<1x80xi32, #tpu.memory_space<vmem>>
      %dma_start3A_208 = tpu.memref_squeeze %dma_start3A_207 : memref<1x80xi32, #tpu.memory_space<vmem>> -> memref<80xi32, #tpu.memory_space<vmem>>
      %dma_start3A_209 = arith.constant 0 : i32
      %dma_start3A_210 = arith.constant 0 : i32
      %dma_start3A_211 = tpu.memref_slice %arg17[%dma_start3A_209, %dma_start3A_210] : memref<10000x32xf32, #tpu.memory_space<vmem_shared>> -> memref<10000x32xf32, #tpu.memory_space<vmem_shared>>
      tpu.enqueue_indirect_dma source(%arg9 : memref<80x32xf32, #tpu.memory_space<vmem>>) target(%dma_start3A_211 : memref<10000x32xf32, #tpu.memory_space<vmem_shared>>) offsets(%dma_start3A_208 : memref<80xi32, #tpu.memory_space<vmem>>) semaphore(%arg15 : memref<!tpu.dma_semaphore, #tpu.memory_space<semaphore_mem>>) {add = true}
      %sub3A_212 = arith.constant 1 : i32
      %sub3A_213 = arith.subi %add3A_199, %sub3A_212 : i32
      %dma_wait3A_214 = arith.constant 0 : i32
      %dma_wait3A_215 = tpu.memref_slice %arg7[%sub3A_213, %dma_wait3A_214] : memref<250x80xi32, #tpu.memory_space<vmem>> -> memref<1x80xi32, #tpu.memory_space<vmem>>
      %dma_wait3A_216 = tpu.memref_squeeze %dma_wait3A_215 : memref<1x80xi32, #tpu.memory_space<vmem>> -> memref<80xi32, #tpu.memory_space<vmem>>
      %dma_wait3A_217 = arith.constant 0 : i32
      %dma_wait3A_218 = arith.constant 0 : i32
      %dma_wait3A_219 = tpu.memref_slice %arg17[%dma_wait3A_217, %dma_wait3A_218] : memref<10000x32xf32, #tpu.memory_space<vmem_shared>> -> memref<10000x32xf32, #tpu.memory_space<vmem_shared>>
      tpu.wait_indirect_dma semaphore(%arg14 : memref<!tpu.dma_semaphore, #tpu.memory_space<semaphore_mem>>) src(%arg8 : memref<80x32xf32, #tpu.memory_space<vmem>>) dst(%dma_wait3A_219 : memref<10000x32xf32, #tpu.memory_space<vmem_shared>>)
      %add3A_220 = arith.constant 2 : i32
      %add3A_221 = arith.addi %add3A_199, %add3A_220 : i32
      %mul3A_222 = arith.constant 80 : i32
      %mul3A_223 = arith.muli %add3A_221, %mul3A_222 : i32
      %dma_start3A_224 = tpu.memref_slice %arg6[%mul3A_223] : memref<20000xi32, #tpu.memory_space<vmem>> -> memref<80xi32, #tpu.memory_space<vmem>>
      %dma_start3A_225 = arith.constant 0 : i32
      %dma_start3A_226 = arith.constant 0 : i32
      %dma_start3A_227 = tpu.memref_slice %arg2[%dma_start3A_225, %dma_start3A_226] : memref<20000x32xf32, #tpu.memory_space<hbm>> -> memref<20000x32xf32, #tpu.memory_space<hbm>>
      tpu.enqueue_indirect_dma source(%dma_start3A_227 : memref<20000x32xf32, #tpu.memory_space<hbm>>) target(%arg8 : memref<80x32xf32, #tpu.memory_space<vmem>>) offsets(%dma_start3A_224 : memref<80xi32, #tpu.memory_space<vmem>>) semaphore(%arg11 : memref<!tpu.dma_semaphore, #tpu.memory_space<semaphore_mem>>)
    }
    %scan3A_83 = arith.constant 82 : i32
    %dma_wait3A_84 = arith.constant 19840 : i32
    %dma_wait3A_85 = tpu.memref_slice %arg6[%dma_wait3A_84] : memref<20000xi32, #tpu.memory_space<vmem>> -> memref<80xi32, #tpu.memory_space<vmem>>
    %dma_wait3A_86 = arith.constant 0 : i32
    %dma_wait3A_87 = arith.constant 0 : i32
    %dma_wait3A_88 = tpu.memref_slice %arg2[%dma_wait3A_86, %dma_wait3A_87] : memref<20000x32xf32, #tpu.memory_space<hbm>> -> memref<20000x32xf32, #tpu.memory_space<hbm>>
    tpu.wait_indirect_dma semaphore(%arg13 : memref<!tpu.dma_semaphore, #tpu.memory_space<semaphore_mem>>) src(%dma_wait3A_88 : memref<20000x32xf32, #tpu.memory_space<hbm>>) dst(%arg10 : memref<80x32xf32, #tpu.memory_space<vmem>>)
    %dma_start3A_89 = arith.constant 248 : i32
    %dma_start3A_90 = arith.constant 0 : i32
    %dma_start3A_91 = tpu.memref_slice %arg7[%dma_start3A_89, %dma_start3A_90] : memref<250x80xi32, #tpu.memory_space<vmem>> -> memref<1x80xi32, #tpu.memory_space<vmem>>
    %dma_start3A_92 = tpu.memref_squeeze %dma_start3A_91 : memref<1x80xi32, #tpu.memory_space<vmem>> -> memref<80xi32, #tpu.memory_space<vmem>>
    %dma_start3A_93 = arith.constant 0 : i32
    %dma_start3A_94 = arith.constant 0 : i32
    %dma_start3A_95 = tpu.memref_slice %arg17[%dma_start3A_93, %dma_start3A_94] : memref<10000x32xf32, #tpu.memory_space<vmem_shared>> -> memref<10000x32xf32, #tpu.memory_space<vmem_shared>>
    tpu.enqueue_indirect_dma source(%arg10 : memref<80x32xf32, #tpu.memory_space<vmem>>) target(%dma_start3A_95 : memref<10000x32xf32, #tpu.memory_space<vmem_shared>>) offsets(%dma_start3A_92 : memref<80xi32, #tpu.memory_space<vmem>>) semaphore(%arg16 : memref<!tpu.dma_semaphore, #tpu.memory_space<semaphore_mem>>) {add = true}
    %dma_wait3A_96 = arith.constant 247 : i32
    %dma_wait3A_97 = arith.constant 0 : i32
    %dma_wait3A_98 = tpu.memref_slice %arg7[%dma_wait3A_96, %dma_wait3A_97] : memref<250x80xi32, #tpu.memory_space<vmem>> -> memref<1x80xi32, #tpu.memory_space<vmem>>
    %dma_wait3A_99 = tpu.memref_squeeze %dma_wait3A_98 : memref<1x80xi32, #tpu.memory_space<vmem>> -> memref<80xi32, #tpu.memory_space<vmem>>
    %dma_wait3A_100 = arith.constant 0 : i32
    %dma_wait3A_101 = arith.constant 0 : i32
    %dma_wait3A_102 = tpu.memref_slice %arg17[%dma_wait3A_100, %dma_wait3A_101] : memref<10000x32xf32, #tpu.memory_space<vmem_shared>> -> memref<10000x32xf32, #tpu.memory_space<vmem_shared>>
    tpu.wait_indirect_dma semaphore(%arg15 : memref<!tpu.dma_semaphore, #tpu.memory_space<semaphore_mem>>) src(%arg9 : memref<80x32xf32, #tpu.memory_space<vmem>>) dst(%dma_wait3A_102 : memref<10000x32xf32, #tpu.memory_space<vmem_shared>>)
    %dma_wait3A_103 = arith.constant 19920 : i32
    %dma_wait3A_104 = tpu.memref_slice %arg6[%dma_wait3A_103] : memref<20000xi32, #tpu.memory_space<vmem>> -> memref<80xi32, #tpu.memory_space<vmem>>
    %dma_wait3A_105 = arith.constant 0 : i32
    %dma_wait3A_106 = arith.constant 0 : i32
    %dma_wait3A_107 = tpu.memref_slice %arg2[%dma_wait3A_105, %dma_wait3A_106] : memref<20000x32xf32, #tpu.memory_space<hbm>> -> memref<20000x32xf32, #tpu.memory_space<hbm>>
    tpu.wait_indirect_dma semaphore(%arg11 : memref<!tpu.dma_semaphore, #tpu.memory_space<semaphore_mem>>) src(%dma_wait3A_107 : memref<20000x32xf32, #tpu.memory_space<hbm>>) dst(%arg8 : memref<80x32xf32, #tpu.memory_space<vmem>>)
    %dma_start3A_108 = arith.constant 249 : i32
    %dma_start3A_109 = arith.constant 0 : i32
    %dma_start3A_110 = tpu.memref_slice %arg7[%dma_start3A_108, %dma_start3A_109] : memref<250x80xi32, #tpu.memory_space<vmem>> -> memref<1x80xi32, #tpu.memory_space<vmem>>
    %dma_start3A_111 = tpu.memref_squeeze %dma_start3A_110 : memref<1x80xi32, #tpu.memory_space<vmem>> -> memref<80xi32, #tpu.memory_space<vmem>>
    %dma_start3A_112 = arith.constant 0 : i32
    %dma_start3A_113 = arith.constant 0 : i32
    %dma_start3A_114 = tpu.memref_slice %arg17[%dma_start3A_112, %dma_start3A_113] : memref<10000x32xf32, #tpu.memory_space<vmem_shared>> -> memref<10000x32xf32, #tpu.memory_space<vmem_shared>>
    tpu.enqueue_indirect_dma source(%arg8 : memref<80x32xf32, #tpu.memory_space<vmem>>) target(%dma_start3A_114 : memref<10000x32xf32, #tpu.memory_space<vmem_shared>>) offsets(%dma_start3A_111 : memref<80xi32, #tpu.memory_space<vmem>>) semaphore(%arg14 : memref<!tpu.dma_semaphore, #tpu.memory_space<semaphore_mem>>) {add = true}
    %dma_wait3A_115 = arith.constant 248 : i32
    %dma_wait3A_116 = arith.constant 0 : i32
    %dma_wait3A_117 = tpu.memref_slice %arg7[%dma_wait3A_115, %dma_wait3A_116] : memref<250x80xi32, #tpu.memory_space<vmem>> -> memref<1x80xi32, #tpu.memory_space<vmem>>
    %dma_wait3A_118 = tpu.memref_squeeze %dma_wait3A_117 : memref<1x80xi32, #tpu.memory_space<vmem>> -> memref<80xi32, #tpu.memory_space<vmem>>
    %dma_wait3A_119 = arith.constant 0 : i32
    %dma_wait3A_120 = arith.constant 0 : i32
    %dma_wait3A_121 = tpu.memref_slice %arg17[%dma_wait3A_119, %dma_wait3A_120] : memref<10000x32xf32, #tpu.memory_space<vmem_shared>> -> memref<10000x32xf32, #tpu.memory_space<vmem_shared>>
    tpu.wait_indirect_dma semaphore(%arg16 : memref<!tpu.dma_semaphore, #tpu.memory_space<semaphore_mem>>) src(%arg10 : memref<80x32xf32, #tpu.memory_space<vmem>>) dst(%dma_wait3A_121 : memref<10000x32xf32, #tpu.memory_space<vmem_shared>>)
    %dma_wait3A_122 = arith.constant 249 : i32
    %dma_wait3A_123 = arith.constant 0 : i32
    %dma_wait3A_124 = tpu.memref_slice %arg7[%dma_wait3A_122, %dma_wait3A_123] : memref<250x80xi32, #tpu.memory_space<vmem>> -> memref<1x80xi32, #tpu.memory_space<vmem>>
    %dma_wait3A_125 = tpu.memref_squeeze %dma_wait3A_124 : memref<1x80xi32, #tpu.memory_space<vmem>> -> memref<80xi32, #tpu.memory_space<vmem>>
    %dma_wait3A_126 = arith.constant 0 : i32
    %dma_wait3A_127 = arith.constant 0 : i32
    %dma_wait3A_128 = tpu.memref_slice %arg17[%dma_wait3A_126, %dma_wait3A_127] : memref<10000x32xf32, #tpu.memory_space<vmem_shared>> -> memref<10000x32xf32, #tpu.memory_space<vmem_shared>>
    tpu.wait_indirect_dma semaphore(%arg14 : memref<!tpu.dma_semaphore, #tpu.memory_space<semaphore_mem>>) src(%arg8 : memref<80x32xf32, #tpu.memory_space<vmem>>) dst(%dma_wait3A_128 : memref<10000x32xf32, #tpu.memory_space<vmem_shared>>)
    %barrier3A_129 = arith.constant 0 : index
    tpu.barrier barrier_id(%barrier3A_129)
    "tpu.region"() ({
      %run_scoped3A = tpu.sem_alloc : memref<!tpu.dma_semaphore, #tpu.memory_space<semaphore_mem>>
      %dma_start3A_130 = arith.constant 0 : i32
      %dma_start3A_131 = tpu.memref_slice %arg5[%arg0, %mul3A_0, %dma_start3A_130] : memref<2x10000x32xf32, #tpu.memory_space<hbm>> -> memref<1x625x32xf32, #tpu.memory_space<hbm>>
      %dma_start3A_132 = tpu.memref_squeeze %dma_start3A_131 : memref<1x625x32xf32, #tpu.memory_space<hbm>> -> memref<625x32xf32, #tpu.memory_space<hbm>>
      %dma_start3A_133 = arith.constant 0 : i32
      %dma_start3A_134 = tpu.memref_slice %arg17[%mul3A_0, %dma_start3A_133] : memref<10000x32xf32, #tpu.memory_space<vmem_shared>> -> memref<625x32xf32, #tpu.memory_space<vmem_shared>>
      tpu.enqueue_dma source(%dma_start3A_134 : memref<625x32xf32, #tpu.memory_space<vmem_shared>>) target(%dma_start3A_132 : memref<625x32xf32, #tpu.memory_space<hbm>>) target_semaphore(%run_scoped3A : memref<!tpu.dma_semaphore, #tpu.memory_space<semaphore_mem>>)
      %dma_wait3A_135 = arith.constant 0 : i32
      %dma_wait3A_136 = tpu.memref_slice %arg5[%arg0, %mul3A_0, %dma_wait3A_135] : memref<2x10000x32xf32, #tpu.memory_space<hbm>> -> memref<1x625x32xf32, #tpu.memory_space<hbm>>
      %dma_wait3A_137 = tpu.memref_squeeze %dma_wait3A_136 : memref<1x625x32xf32, #tpu.memory_space<hbm>> -> memref<625x32xf32, #tpu.memory_space<hbm>>
      %dma_wait3A_138 = arith.constant 0 : i32
      %dma_wait3A_139 = tpu.memref_slice %arg17[%mul3A_0, %dma_wait3A_138] : memref<10000x32xf32, #tpu.memory_space<vmem_shared>> -> memref<625x32xf32, #tpu.memory_space<vmem_shared>>
      tpu.wait_dma2 semaphore(%run_scoped3A : memref<!tpu.dma_semaphore, #tpu.memory_space<semaphore_mem>>) src(%dma_wait3A_139 : memref<625x32xf32, #tpu.memory_space<vmem_shared>>) dst(%dma_wait3A_137 : memref<625x32xf32, #tpu.memory_space<hbm>>)
      tpu.yield
    }) : () -> ()
    return
  }
}

module attributes {stable_mosaic.version = 14 : i64} {
  func.func @body(%arg0: i32, %arg1: memref<1000x1xf32, #tpu.memory_space<vmem>>, %arg2: memref<1000x1xf32, #tpu.memory_space<vmem>>, %arg3: memref<1000x1xi32, #tpu.memory_space<vmem>>, %arg4: memref<1000x128xf32, #tpu.memory_space<vmem>>, %arg5: memref<1000x192xf32, #tpu.memory_space<vmem>>, %arg6: memref<1000x1xf32, #tpu.memory_space<vmem>>) attributes {dimension_semantics = [#tpu.dimension_semantics<arbitrary>], iteration_bounds = array<i64: 10>, scalar_prefetch = 0 : i64, scratch_operands = 0 : i64, tpu.core_type = #tpu.core_type<tc>, window_params = [{transform_indices = @transform_0, window_bounds = array<i64: 1000, 1>}, {transform_indices = @transform_1, window_bounds = array<i64: 1000, 1>}, {transform_indices = @transform_2, window_bounds = array<i64: 1000, 1>}, {transform_indices = @transform_3, window_bounds = array<i64: 1000, 128>}, {transform_indices = @transform_4, window_bounds = array<i64: 1000, 192>}, {transform_indices = @transform_5, window_bounds = array<i64: 1000, 1>}]} {
    %get3A = arith.constant 0 : index
    %get3A_0 = arith.constant 0 : index
    %get3A_1 = vector.load %arg1[%get3A, %get3A_0] : memref<1000x1xf32, #tpu.memory_space<vmem>>, vector<1000x1xf32>
    %add3A = arith.constant 1.000000e+00 : f32
    %add3A_2 = vector.broadcast %add3A : f32 to vector<1000x1xf32>
    %add3A_3 = arith.addf %get3A_1, %add3A_2 : vector<1000x1xf32>
    %rsqrt3A = math.rsqrt %add3A_3 : vector<1000x1xf32>
    %iota3A = tpu.iota {dimensions = array<i32: 1>} : vector<1000x40xi32>
    %get3A_4 = arith.constant 0 : index
    %get3A_5 = arith.constant 0 : index
    %get3A_6 = vector.load %arg3[%get3A_4, %get3A_5] : memref<1000x1xi32, #tpu.memory_space<vmem>>, vector<1000x1xi32>
    %eq3A = vector.broadcast %get3A_6 : vector<1000x1xi32> to vector<1000x40xi32>
    %eq3A_7 = arith.cmpi eq, %eq3A, %iota3A : vector<1000x40xi32>
    %convert_element_type3A = arith.extui %eq3A_7 : vector<1000x40xi1> to vector<1000x40xi32>
    %convert_element_type3A_8 = arith.sitofp %convert_element_type3A : vector<1000x40xi32> to vector<1000x40xf32>
    %get3A_9 = arith.constant 0 : index
    %get3A_10 = arith.constant 0 : index
    %get3A_11 = vector.load %arg2[%get3A_9, %get3A_10] : memref<1000x1xf32, #tpu.memory_space<vmem>>, vector<1000x1xf32>
    %mul3A = vector.broadcast %get3A_11 : vector<1000x1xf32> to vector<1000x40xf32>
    %mul3A_12 = arith.mulf %convert_element_type3A_8, %mul3A : vector<1000x40xf32>
    %mul3A_13 = vector.broadcast %rsqrt3A : vector<1000x1xf32> to vector<1000x40xf32>
    %mul3A_14 = arith.mulf %mul3A_12, %mul3A_13 : vector<1000x40xf32>
    %get3A_15 = arith.constant 0 : index
    %get3A_16 = arith.constant 0 : index
    %get3A_17 = vector.load %arg4[%get3A_15, %get3A_16] : memref<1000x128xf32, #tpu.memory_space<vmem>>, vector<1000x128xf32>
    %mul3A_18 = vector.broadcast %rsqrt3A : vector<1000x1xf32> to vector<1000x128xf32>
    %mul3A_19 = arith.mulf %get3A_17, %mul3A_18 : vector<1000x128xf32>
    %broadcast_in_dim3A = arith.constant 0.000000e+00 : f32
    %broadcast_in_dim3A_20 = vector.broadcast %broadcast_in_dim3A : f32 to vector<1000x24xf32>
    %concatenate3A = tpu.concatenate %mul3A_19, %mul3A_14, %broadcast_in_dim3A_20 in 1 : vector<1000x128xf32>, vector<1000x40xf32>, vector<1000x24xf32> -> vector<1000x192xf32>
    %swap3A = arith.constant 0 : index
    %swap3A_21 = arith.constant 0 : index
    %swap3A_22 = vector.load %arg5[%swap3A, %swap3A_21] : memref<1000x192xf32, #tpu.memory_space<vmem>>, vector<1000x192xf32>
    tpu.vector_store %arg5[%swap3A, %swap3A_21], %concatenate3A {strides = array<i32>} : memref<1000x192xf32, #tpu.memory_space<vmem>>, vector<1000x192xf32>,
    %swap3A_23 = arith.constant 0 : index
    %swap3A_24 = arith.constant 0 : index
    %swap3A_25 = vector.load %arg6[%swap3A_23, %swap3A_24] : memref<1000x1xf32, #tpu.memory_space<vmem>>, vector<1000x1xf32>
    tpu.vector_store %arg6[%swap3A_23, %swap3A_24], %rsqrt3A {strides = array<i32>} : memref<1000x1xf32, #tpu.memory_space<vmem>>, vector<1000x1xf32>,
    return
  }
  func.func @transform_0(%arg0: i32) -> (i32, i32) {
    %c0_i32 = arith.constant 0 : i32
    %c0_i32_0 = arith.constant 0 : i32
    return %arg0, %c0_i32 : i32, i32
  }
  func.func @transform_1(%arg0: i32) -> (i32, i32) {
    %c0_i32 = arith.constant 0 : i32
    %c0_i32_0 = arith.constant 0 : i32
    return %arg0, %c0_i32 : i32, i32
  }
  func.func @transform_2(%arg0: i32) -> (i32, i32) {
    %c0_i32 = arith.constant 0 : i32
    %c0_i32_0 = arith.constant 0 : i32
    return %arg0, %c0_i32 : i32, i32
  }
  func.func @transform_3(%arg0: i32) -> (i32, i32) {
    %c0_i32 = arith.constant 0 : i32
    %c0_i32_0 = arith.constant 0 : i32
    return %arg0, %c0_i32 : i32, i32
  }
  func.func @transform_4(%arg0: i32) -> (i32, i32) {
    %c0_i32 = arith.constant 0 : i32
    %c0_i32_0 = arith.constant 0 : i32
    return %arg0, %c0_i32 : i32, i32
  }
  func.func @transform_5(%arg0: i32) -> (i32, i32) {
    %c0_i32 = arith.constant 0 : i32
    %c0_i32_0 = arith.constant 0 : i32
    return %arg0, %c0_i32 : i32, i32
  }
}

module attributes {stable_mosaic.version = 14 : i64} {
  func.func @body(%arg0: i32, %arg1: memref<1000x96xf32, #tpu.memory_space<vmem>>, %arg2: memref<1000x96xf32, #tpu.memory_space<vmem>>, %arg3: memref<1000x1xf32, #tpu.memory_space<vmem>>, %arg4: memref<192x256xf32, #tpu.memory_space<vmem>>, %arg5: memref<1x256xf32, #tpu.memory_space<vmem>>, %arg6: memref<256x40xf32, #tpu.memory_space<vmem>>, %arg7: memref<1000x64xf32, #tpu.memory_space<vmem>>) attributes {dimension_semantics = [#tpu.dimension_semantics<arbitrary>], iteration_bounds = array<i64: 10>, scalar_prefetch = 0 : i64, scratch_operands = 0 : i64, tpu.core_type = #tpu.core_type<tc>, window_params = [{transform_indices = @transform_0, window_bounds = array<i64: 1000, 96>}, {transform_indices = @transform_1, window_bounds = array<i64: 1000, 96>}, {transform_indices = @transform_2, window_bounds = array<i64: 1000, 1>}, {pipeline_mode = #tpu.pipeline_mode<synchronous>, transform_indices = @transform_3, window_bounds = array<i64: 192, 256>}, {pipeline_mode = #tpu.pipeline_mode<synchronous>, transform_indices = @transform_4, window_bounds = array<i64: 1, 256>}, {pipeline_mode = #tpu.pipeline_mode<synchronous>, transform_indices = @transform_5, window_bounds = array<i64: 256, 40>}, {transform_indices = @transform_6, window_bounds = array<i64: 1000, 64>}]} {
    %get3A = arith.constant 0 : index
    %get3A_0 = arith.constant 0 : index
    %get3A_1 = vector.load %arg3[%get3A, %get3A_0] : memref<1000x1xf32, #tpu.memory_space<vmem>>, vector<1000x1xf32>
    %get3A_2 = arith.constant 0 : index
    %get3A_3 = arith.constant 0 : index
    %get3A_4 = vector.load %arg1[%get3A_2, %get3A_3] : memref<1000x96xf32, #tpu.memory_space<vmem>>, vector<1000x96xf32>
    %get3A_5 = arith.constant 0 : index
    %get3A_6 = arith.constant 0 : index
    %get3A_7 = vector.load %arg2[%get3A_5, %get3A_6] : memref<1000x96xf32, #tpu.memory_space<vmem>>, vector<1000x96xf32>
    %concatenate3A = tpu.concatenate %get3A_4, %get3A_7 in 1 : vector<1000x96xf32>, vector<1000x96xf32> -> vector<1000x192xf32>
    %mul3A = vector.broadcast %get3A_1 : vector<1000x1xf32> to vector<1000x192xf32>
    %mul3A_8 = arith.mulf %concatenate3A, %mul3A : vector<1000x192xf32>
    %get3A_9 = arith.constant 0 : index
    %get3A_10 = arith.constant 0 : index
    %get3A_11 = vector.load %arg4[%get3A_9, %get3A_10] : memref<192x256xf32, #tpu.memory_space<vmem>>, vector<192x256xf32>
    %dot_general3A = arith.constant dense<0.000000e+00> : vector<1000x256xf32>
    %dot_general3A_12 = tpu.matmul %mul3A_8, %get3A_11, %dot_general3A {dimension_numbers = #tpu.dot_dimension_numbers<[1], [0], [0], [1], [0, 0, 1, 1], [], []>, transpose_lhs_hint = false} : vector<1000x192xf32>, vector<192x256xf32>, vector<1000x256xf32> -> vector<1000x256xf32>
    %get3A_13 = arith.constant 0 : index
    %get3A_14 = arith.constant 0 : index
    %get3A_15 = vector.load %arg5[%get3A_13, %get3A_14] : memref<1x256xf32, #tpu.memory_space<vmem>>, vector<1x256xf32>
    %add3A = vector.broadcast %get3A_15 : vector<1x256xf32> to vector<1000x256xf32>
    %add3A_16 = arith.addf %dot_general3A_12, %add3A : vector<1000x256xf32>
    %max3A = arith.constant 0.000000e+00 : f32
    %max3A_17 = vector.broadcast %max3A : f32 to vector<1000x256xf32>
    %max3A_18 = arith.maximumf %add3A_16, %max3A_17 : vector<1000x256xf32>
    %get3A_19 = arith.constant 0 : index
    %get3A_20 = arith.constant 0 : index
    %get3A_21 = vector.load %arg6[%get3A_19, %get3A_20] : memref<256x40xf32, #tpu.memory_space<vmem>>, vector<256x40xf32>
    %dot_general3A_22 = arith.constant dense<0.000000e+00> : vector<1000x40xf32>
    %dot_general3A_23 = tpu.matmul %max3A_18, %get3A_21, %dot_general3A_22 {dimension_numbers = #tpu.dot_dimension_numbers<[1], [0], [0], [1], [0, 0, 1, 1], [], []>, transpose_lhs_hint = false} : vector<1000x256xf32>, vector<256x40xf32>, vector<1000x40xf32> -> vector<1000x40xf32>
    %mul3A_24 = vector.broadcast %get3A_1 : vector<1000x1xf32> to vector<1000x40xf32>
    %mul3A_25 = arith.mulf %dot_general3A_23, %mul3A_24 : vector<1000x40xf32>
    %broadcast_in_dim3A = arith.constant 0.000000e+00 : f32
    %broadcast_in_dim3A_26 = vector.broadcast %broadcast_in_dim3A : f32 to vector<1000x24xf32>
    %concatenate3A_27 = tpu.concatenate %mul3A_25, %broadcast_in_dim3A_26 in 1 : vector<1000x40xf32>, vector<1000x24xf32> -> vector<1000x64xf32>
    %swap3A = arith.constant 0 : index
    %swap3A_28 = arith.constant 0 : index
    %swap3A_29 = vector.load %arg7[%swap3A, %swap3A_28] : memref<1000x64xf32, #tpu.memory_space<vmem>>, vector<1000x64xf32>
    tpu.vector_store %arg7[%swap3A, %swap3A_28], %concatenate3A_27 {strides = array<i32>} : memref<1000x64xf32, #tpu.memory_space<vmem>>, vector<1000x64xf32>,
    return
  }
  func.func @transform_0(%arg0: i32) -> (i32, i32) {
    %c0_i32 = arith.constant 0 : i32
    %c0_i32_0 = arith.constant 0 : i32
    return %arg0, %c0_i32 : i32, i32
  }
  func.func @transform_1(%arg0: i32) -> (i32, i32) {
    %c0_i32 = arith.constant 0 : i32
    %c0_i32_0 = arith.constant 0 : i32
    return %arg0, %c0_i32 : i32, i32
  }
  func.func @transform_2(%arg0: i32) -> (i32, i32) {
    %c0_i32 = arith.constant 0 : i32
    %c0_i32_0 = arith.constant 0 : i32
    return %arg0, %c0_i32 : i32, i32
  }
  func.func @transform_3(%arg0: i32) -> (i32, i32) {
    %c0_i32 = arith.constant 0 : i32
    %c0_i32_0 = arith.constant 0 : i32
    %c0_i32_1 = arith.constant 0 : i32
    return %c0_i32, %c0_i32_0 : i32, i32
  }
  func.func @transform_4(%arg0: i32) -> (i32, i32) {
    %c0_i32 = arith.constant 0 : i32
    %c0_i32_0 = arith.constant 0 : i32
    %c0_i32_1 = arith.constant 0 : i32
    return %c0_i32, %c0_i32_0 : i32, i32
  }
  func.func @transform_5(%arg0: i32) -> (i32, i32) {
    %c0_i32 = arith.constant 0 : i32
    %c0_i32_0 = arith.constant 0 : i32
    %c0_i32_1 = arith.constant 0 : i32
    return %c0_i32, %c0_i32_0 : i32, i32
  }
  func.func @transform_6(%arg0: i32) -> (i32, i32) {
    %c0_i32 = arith.constant 0 : i32
    %c0_i32_0 = arith.constant 0 : i32
    return %arg0, %c0_i32 : i32, i32
  }
}

module attributes {stable_mosaic.version = 14 : i64} {
  func.func @body(%arg0: i32, %arg1: memref<1000x32xf32, #tpu.memory_space<vmem>>, %arg2: memref<1000x32xf32, #tpu.memory_space<vmem>>, %arg3: memref<1000x1xf32, #tpu.memory_space<vmem>>, %arg4: memref<1x40xf32, #tpu.memory_space<vmem>>, %arg5: memref<1000x40xf32, #tpu.memory_space<vmem>>) attributes {dimension_semantics = [#tpu.dimension_semantics<arbitrary>], iteration_bounds = array<i64: 10>, scalar_prefetch = 0 : i64, scratch_operands = 0 : i64, tpu.core_type = #tpu.core_type<tc>, window_params = [{transform_indices = @transform_0, window_bounds = array<i64: 1000, 32>}, {transform_indices = @transform_1, window_bounds = array<i64: 1000, 32>}, {transform_indices = @transform_2, window_bounds = array<i64: 1000, 1>}, {pipeline_mode = #tpu.pipeline_mode<synchronous>, transform_indices = @transform_3, window_bounds = array<i64: 1, 40>}, {transform_indices = @transform_4, window_bounds = array<i64: 1000, 40>}]} {
    %get3A = arith.constant 0 : index
    %get3A_0 = arith.constant 0 : index
    %get3A_1 = vector.load %arg1[%get3A, %get3A_0] : memref<1000x32xf32, #tpu.memory_space<vmem>>, vector<1000x32xf32>
    %get3A_2 = arith.constant 0 : index
    %get3A_3 = arith.constant 0 : index
    %get3A_4 = vector.load %arg2[%get3A_2, %get3A_3] : memref<1000x32xf32, #tpu.memory_space<vmem>>, vector<1000x32xf32>
    %concatenate3A = tpu.concatenate %get3A_1, %get3A_4 in 1 : vector<1000x32xf32>, vector<1000x32xf32> -> vector<1000x64xf32>
    %get3A_5 = arith.constant 0 : index
    %get3A_6 = arith.constant 0 : index
    %get3A_7 = vector.load %arg3[%get3A_5, %get3A_6] : memref<1000x1xf32, #tpu.memory_space<vmem>>, vector<1000x1xf32>
    %mul3A = vector.broadcast %get3A_7 : vector<1000x1xf32> to vector<1000x64xf32>
    %mul3A_8 = arith.mulf %concatenate3A, %mul3A : vector<1000x64xf32>
    %slice3A = vector.extract_strided_slice %mul3A_8 {offsets = [0, 0], sizes = [1000, 40], strides = [1, 1]} : vector<1000x64xf32> to vector<1000x40xf32>
    %get3A_9 = arith.constant 0 : index
    %get3A_10 = arith.constant 0 : index
    %get3A_11 = vector.load %arg4[%get3A_9, %get3A_10] : memref<1x40xf32, #tpu.memory_space<vmem>>, vector<1x40xf32>
    %add3A = vector.broadcast %get3A_11 : vector<1x40xf32> to vector<1000x40xf32>
    %add3A_12 = arith.addf %slice3A, %add3A : vector<1000x40xf32>
    %reduce_max3A = arith.constant dense<0xFF800000> : vector<1000xf32>
    %reduce_max3A_13 = vector.multi_reduction <maximumf>, %add3A_12, %reduce_max3A [1] : vector<1000x40xf32> to vector<1000xf32>
    %broadcast_in_dim3A = vector.shape_cast %reduce_max3A_13 : vector<1000xf32> to vector<1000x1xf32>
    %sub3A = vector.broadcast %broadcast_in_dim3A : vector<1000x1xf32> to vector<1000x40xf32>
    %sub3A_14 = arith.subf %add3A_12, %sub3A : vector<1000x40xf32>
    %exp3A = math.exp %sub3A_14 : vector<1000x40xf32>
    %reduce_sum3A = arith.constant dense<0.000000e+00> : vector<1000xf32>
    %reduce_sum3A_15 = vector.multi_reduction <add>, %exp3A, %reduce_sum3A [1] : vector<1000x40xf32> to vector<1000xf32>
    %broadcast_in_dim3A_16 = vector.shape_cast %reduce_sum3A_15 : vector<1000xf32> to vector<1000x1xf32>
    %log3A = math.log %broadcast_in_dim3A_16 : vector<1000x1xf32>
    %sub3A_17 = vector.broadcast %broadcast_in_dim3A : vector<1000x1xf32> to vector<1000x40xf32>
    %sub3A_18 = arith.subf %add3A_12, %sub3A_17 : vector<1000x40xf32>
    %sub3A_19 = vector.broadcast %log3A : vector<1000x1xf32> to vector<1000x40xf32>
    %sub3A_20 = arith.subf %sub3A_18, %sub3A_19 : vector<1000x40xf32>
    %swap3A = arith.constant 0 : index
    %swap3A_21 = arith.constant 0 : index
    %swap3A_22 = vector.load %arg5[%swap3A, %swap3A_21] : memref<1000x40xf32, #tpu.memory_space<vmem>>, vector<1000x40xf32>
    tpu.vector_store %arg5[%swap3A, %swap3A_21], %sub3A_20 {strides = array<i32>} : memref<1000x40xf32, #tpu.memory_space<vmem>>, vector<1000x40xf32>,
    return
  }
  func.func @transform_0(%arg0: i32) -> (i32, i32) {
    %c0_i32 = arith.constant 0 : i32
    %c0_i32_0 = arith.constant 0 : i32
    return %arg0, %c0_i32 : i32, i32
  }
  func.func @transform_1(%arg0: i32) -> (i32, i32) {
    %c0_i32 = arith.constant 0 : i32
    %c0_i32_0 = arith.constant 0 : i32
    return %arg0, %c0_i32 : i32, i32
  }
  func.func @transform_2(%arg0: i32) -> (i32, i32) {
    %c0_i32 = arith.constant 0 : i32
    %c0_i32_0 = arith.constant 0 : i32
    return %arg0, %c0_i32 : i32, i32
  }
  func.func @transform_3(%arg0: i32) -> (i32, i32) {
    %c0_i32 = arith.constant 0 : i32
    %c0_i32_0 = arith.constant 0 : i32
    %c0_i32_1 = arith.constant 0 : i32
    return %c0_i32, %c0_i32_0 : i32, i32
  }
  func.func @transform_4(%arg0: i32) -> (i32, i32) {
    %c0_i32 = arith.constant 0 : i32
    %c0_i32_0 = arith.constant 0 : i32
    return %arg0, %c0_i32 : i32, i32
  }
}

</mosaic_0001>

<sc_bundles>
// kernel: kernel.11.cloned.1.call-start
scs
__scs_entry_jumppad:
0x0: {  	(pc) =	sbr.rel $0x88, $3  }
0x1: {  	(tag) =	ssettag $0x0;
	lr =	simm.s32 $0x1  }
0x2: {  	[smem:$0x3F99] =	sst lr;
	_ =	strace $0xD0000000  }
0x3: {  	_ = 	snop  }
0x4: {  	_ = 	snop  }
0x5: {  	_ = 	snop  }
0x6: {  	_ = 	snop  }
0x7: {  	_ = 	snop  }
__scs_overlays_trampoline_lowered:
0x8: {  	[smem:$0x3FA8] =	sst s0  }
0x9: {  	[smem:$0x3FA9] =	sst s1  }
0xa: {  	[smem:$0x3FAA] =	sst s2  }
0xb: {  	[smem:$0x3FAB] =	sst s3  }
0xc: {  	[smem:$0x3FAC] =	sst s4  }
0xd: {  	[smem:$0x3FAD] =	sst s5  }
0xe: {  	[smem:$0x3FAE] =	sst s6  }
0xf: {  	[smem:$0x3FAF] =	sst s7  }
0x10: {  	[smem:$0x3FB0] =	sst s8  }
0x11: {  	[smem:$0x3FB1] =	sst s9;
	s0 =	simm.s32 @!p0 $0x0  }
0x12: {  	s1 =	sld [smem:$0x3F97];
	s0 =	simm.s32 @p0 $0x1  }
0x13: {  	[smem:$0x3FB2] =	sst s0;
	s0 =	simm.s32 @!p1 $0x0  }
0x14: {  	s2 =	sld [smem:$0x3F96];
	s0 =	simm.s32 @p1 $0x1  }
0x15: {  	[smem:$0x3FB3] =	sst s0;
	s0 =	simm.s32 @!p2 $0x0  }
0x16: {  	s3 =	sld [smem:$0x3FDB];
	s0 =	simm.s32 @p2 $0x1  }
0x17: {  	s4 =	simm.s32 $0x1BF5;
	[smem:$0x3FB5] =	sst s0  }
0x18: {  	s0 =	sld [smem:$0x3F98];
	_ =	swait.ge [sflag:s4], $0x0  }
0x19: {  	s7 =	sld [smem:$0x3F99]  }
0x1a: {  	s8 =	sadd.s32 $0xFFFFE003, lr  }
0x1b: {  	s9 =	sadd.s32 $0xFFFFFEF7, lr;
	s5 =	simm.s32 $0xFFFFFFFF;
	p2 =	slt.u32 s8, $0xFFFFF086  }
0x1c: {  	p1 =	slt.u32 s9, $0xF7A;
	s5 =	simm.s32 @!p2 $0x0  }
0x1d: {  	s5 =	simm.s32 @p1 $0x1;
	p0 =	seq.s32 s7, s2  }
0x1e: {  	s7 =	smul.u32 @!p0 $0xF7A, s2;
	p2 =	seq.s32 @!p0 s5, $0x0  }
0x1f: {  	s9 =	smul.u32 $0xF7A, s1;
	s8 =	simm.s32 @!p0 $0x1BF5;
	p2 =	por !p2, p0  }
0x20: {  	[sflag:s8] =	ssyncset.s32 @!p0 $0xFFFFF086;
	s6 =	sadd.s32 @!p0 s3, s7;
	s7 =	simm.s32 @!p0 $0x108  }
0x21: {  	s3 =	sadd.s32 s3, s9;
	s6 =	sadd.s32 @!p0 $0x88, s6;
	s7 =	simm.s32 @p2 $0x1082  }
0x22: {  	[simem:s7], [sflag:s8] =	dma.local @!p0 [hbm:s6], $0xF7A  }
0x23: {  	s9 =	sor.u32 $0xD0000000, s2;
	s6 =	simm.s32 $0x108;
	_ =	swait.ge @!p0 [sflag:s8], $0x0  }
0x24: {  	s3 =	sadd.s32 $0x88, s3;
	s6 =	simm.s32 @!p1 $0x1082;
	[sflag:s4] =	ssyncset.s32 $0xFFFFF086  }
0x25: {  	[simem:s6], [sflag:s4] =	dma.local [hbm:s3], $0xF7A  }
0x26: {  	[smem:$0x3F99] =	sst s1;
	(tag) =	ssettag s2;
	_ =	strace s9  }
0x27: {  	s1 =	sld [smem:$0x3FA9]  }
0x28: {  	s2 =	sld [smem:$0x3FAA]  }
0x29: {  	s4 =	sld [smem:$0x3FAC]  }
0x2a: {  	p0 =	seq.s32 s5, $0x0;
	s5 =	sld [smem:$0x3FAD]  }
0x2b: {  	s6 =	sld [smem:$0x3FAE]  }
0x2c: {  	s7 =	sld [smem:$0x3FAF]  }
0x2d: {  	s3 =	simm.s32 $0x108;
	s8 =	sld [smem:$0x3FB0]  }
0x2e: {  	s3 =	simm.s32 @!p0 $0x1082;
	s9 =	sld [smem:$0x3FB1]  }
0x2f: {  	lr =	sadd.s32 s0, s3;
	s0 =	sld [smem:$0x3FA8]  }
0x30: {  	s3 =	sld [smem:$0x3FAB]  }
0x31: {  	[smem:$0x3FB4] =	sst s10  }
0x32: {  	s10 =	sld [smem:$0x3FB2];
	_ =	sdelay $0x3  }
0x33: {  	p0 =	seq.s32 s10, $0x1;
	s10 =	sld [smem:$0x3FB4];
	_ =	sdelay $0x3  }
0x34: {  	[smem:$0x3FB4] =	sst s10  }
0x35: {  	s10 =	sld [smem:$0x3FB3];
	_ =	sdelay $0x3  }
0x36: {  	p1 =	seq.s32 s10, $0x1;
	s10 =	sld [smem:$0x3FB4];
	_ =	sdelay $0x3  }
0x37: {  	[smem:$0x3FB4] =	sst s10  }
0x38: {  	s10 =	sld [smem:$0x3FB5]  }
0x39: {  	_ = 	snop;
	(pc) =	sbr.ind lr, $3  }
0x3a: {  	_ = 	snop  }
0x3b: {  	_ = 	snop  }
0x3c: {  	p2 =	seq.s32 s10, $0x1;
	s10 =	sld [smem:$0x3FB4]  }
0x3d: {  	_ =	shalt  }
0x3e: {  	_ =	shalt  }
0x3f: {  	_ =	shalt  }
0x40: {  	_ =	shalt  }
0x41: {  	_ =	shalt  }
0x42: {  	_ =	shalt  }
0x43: {  	_ =	shalt  }
0x44: {  	_ =	shalt  }
0x45: {  	_ =	shalt  }
0x46: {  	_ =	shalt  }
0x47: {  	_ =	shalt  }
0x48: {  	_ =	shalt  }
0x49: {  	_ =	shalt  }
0x4a: {  	_ =	shalt  }
0x4b: {  	_ =	shalt  }
0x4c: {  	_ =	shalt  }
0x4d: {  	_ =	shalt  }
0x4e: {  	_ =	shalt  }
0x4f: {  	_ =	shalt  }
0x50: {  	_ =	shalt  }
0x51: {  	_ =	shalt  }
0x52: {  	_ =	shalt  }
0x53: {  	_ =	shalt  }
0x54: {  	_ =	shalt  }
0x55: {  	_ =	shalt  }
0x56: {  	_ =	shalt  }
0x57: {  	_ =	shalt  }
0x58: {  	_ =	shalt  }
0x59: {  	_ =	shalt  }
0x5a: {  	_ =	shalt  }
0x5b: {  	_ =	shalt  }
0x5c: {  	_ =	shalt  }
0x5d: {  	_ =	shalt  }
0x5e: {  	_ =	shalt  }
0x5f: {  	_ =	shalt  }
0x60: {  	_ =	shalt  }
0x61: {  	_ =	shalt  }
0x62: {  	_ =	shalt  }
0x63: {  	_ =	shalt  }
0x64: {  	_ =	shalt  }
0x65: {  	_ =	shalt  }
0x66: {  	_ =	shalt  }
0x67: {  	_ =	shalt  }
0x68: {  	_ =	shalt  }
0x69: {  	_ =	shalt  }
0x6a: {  	_ =	shalt  }
0x6b: {  	_ =	shalt  }
0x6c: {  	_ =	shalt  }
0x6d: {  	_ =	shalt  }
0x6e: {  	_ =	shalt  }
0x6f: {  	_ =	shalt  }
0x70: {  	_ =	shalt  }
0x71: {  	_ =	shalt  }
0x72: {  	_ =	shalt  }
0x73: {  	_ =	shalt  }
0x74: {  	_ =	shalt  }
0x75: {  	_ =	shalt  }
0x76: {  	_ =	shalt  }
0x77: {  	_ =	shalt  }
0x78: {  	_ =	shalt  }
0x79: {  	_ =	shalt  }
0x7a: {  	_ =	shalt  }
0x7b: {  	_ =	shalt  }
0x7c: {  	_ =	shalt  }
0x7d: {  	_ =	shalt  }
0x7e: {  	_ =	shalt  }
0x7f: {  	_ =	shalt  }
0x80: {  	_ =	shalt  }
0x81: {  	_ =	shalt  }
0x82: {  	_ =	shalt  }
0x83: {  	_ =	shalt  }
0x84: {  	_ =	shalt  }
0x85: {  	_ =	shalt  }
0x86: {  	_ =	shalt  }
0x87: {  	_ =	shalt  }
.Lfunc_end0:
.L_simem_size_0:
called_computation.1_lowered:
.L_overlay_start_0:
0x88: {  	s2 =	sld [smem:$0x3FD9]  }
0x89: {  	s3 =	sld [smem:$0x3FFE];
	_ =	sdelay $0x1  }
0x8a: {  	s1 =	srdreg.scid  }
0x8b: {  	s0 =	sand.u32 $0x1, s1  }
0x8c: {  	s17 =	sshll.u32 s0, $0xA;
	s2 =	sadd.s32 s3, s2  }
0x8d: {  	s2 =	sadd.s32 s2, s17  }
0x8e: {  	[smem:$0x3FC0] =	sst s2  }
0x8f: {  	_ = 	snop  }
0x90: {  	s2 =	sld [smem:$0x3FD0];
	(tm) =	ssettm $0x1  }
0x91: {  	s18 =	sld [smem:$0x3FFB];
	_ =	sdelay $0x3  }
0x92: {  	_ =	strace s18  }
0x93: {  	s3 =	sld [smem:$0x3FFC];
	_ =	sdelay $0x3  }
0x94: {  	_ =	strace s3  }
0x95: {  	s3 =	sld [smem:$0x3FFD];
	_ =	sdelay $0x3  }
0x96: {  	_ =	strace s3  }
0x97: {  	_ =	strace $0x8FFFFFFF  }
0x98: {  	s19 =	sld [smem:$0x3FDB];
	_ =	sdelay $0x1  }
0x99: {  	s4 =	simm.s32 $_scs_section_size  }
0x9a: {  	s5 =	simm.s32 $_size__tile_overlayer_lowered;
	s6 =	simm.s32 $_tile_overlayer_lowered  }
0x9b: {  	s22 =	simm.s32 $0x1BFF;
	s21 =	sshll.u32 s6, $0x1;
	s3 =	sadd.s32 s4, s19  }
0x9c: {  	s7 =	simm.s32 $0x0;
	s20 =	sshll.u32 s5, $0x1;
	s5 =	sadd.s32 s21, s3  }
0x9d: {  	[timem:s7], [sflag:s22] =	dma.local [hbm:s5], s20  }
0x9e: {  	_ =	swait.ge [sflag:s22], s20  }
0x9f: {  	s4 =	ssub.s32 $0x0, s20;
	[sflag:s22] =	ssyncset.done $0x0  }
0xa0: {  	[sflag:s22] =	ssyncadd.s32 s4;
	_ =	sdelay $0x1  }
0xa1: {  	s23 =	simm.s32 $0x1B8B  }
0xa2: {  	_ =	swait.ge [sflag:s23], $0x1  }
0xa3: {  	[sflag:s23] =	ssyncset.done $0x0  }
0xa4: {  	s25 =	simm.s32 $0x1B8E;
	s24 =	sld [smem:$0x3FFE];
	[sflag:s23] =	ssyncadd.s32 $0xFFFFFFFF  }
0xa5: {  	s26 =	simm.s32 $execute0_lowered;
	[smem:$0x3FD2] =	sst s25  }
0xa6: {  	s5 =	sshll.u32 s26, $0x1;
	_ =	strace $0x80000049;
	[dreg:$0x1] =	wrdreg $0xFFFFFFFF  }
0xa7: {  	s28 =	simm.s32 $_size_execute0_lowered;
	s3 =	sadd.s32 s3, s5;
	[dreg:$0x0] =	wrdreg $0x0  }
0xa8: {  	s5 =	sshll.u32 s28, $0x1;
	[dreg:$0x2] =	wrdreg s3  }
0xa9: {  	[dreg:$0x3] =	wrdreg s5  }
0xaa: {  	[dreg:$0x4] =	wrdreg $0xC0  }
0xab: {  	_ =	task [dreg:s7], $0x5FFFF  }
0xac: {  	[dreg:$0x1] =	wrdreg $0xFFFFFFFF  }
0xad: {  	[dreg:$0x0] =	wrdreg $0x60  }
0xae: {  	[dreg:$0x2] =	wrdreg s24  }
0xaf: {  	[dreg:$0x3] =	wrdreg s2  }
0xb0: {  	[dreg:$0x4] =	wrdreg $0xF6400  }
0xb1: {  	[dreg:$0x5] =	wrdreg $0x9  }
0xb2: {  	_ =	task.clear_ibuf [dreg:s7], $0x6FFFF;
	_ =	strace $0x90000049  }
0xb3: {  	s29 =	simm.s32 $0x9;
	_ =	strace $0x8000004B  }
0xb4: {  	_ =	swait.ge [sflag:s29], $0x1  }
0xb5: {  	[sflag:s29] =	ssyncadd.s32 $0xFFFFFFFF  }
0xb6: {  	_ =	strace $0x9000004B  }
0xb7: {  	_ =	sfence  }
0xb8: {  	s30 =	sld [smem:$0x0];
	_ =	sdelay $0x2  }
0xb9: {  	s31 =	sshll.u32 s1, $0xD;
	s1 =	sshrl.u32 s1, $0x2  }
0xba: {  	s3 =	sand.u32 $0x4000, s31;
	s1 =	sadd.s32 s1, s30  }
0xbb: {  	s0 =	sor.u32 s3, s0;
	s1 =	sshll.u32 s1, $0x11  }
0xbc: {  	s0 =	sor.u32 s1, s0  }
0xbd: {  	s0 =	sadd.s32 $0x8F2B, s0  }
0xbe: {  	[sflag:s0] =	ssyncadd.remote.s32 $0x1  }
0xbf: {  	_ =	sfence.sel $0xFFFF  }
0xc0: {  	[dreg:$0x0] =	wrdreg $0xFFFFFFFF;
	(pc) =	sbr.abs _section_cstart, $3  }
0xc1: {  	[dreg:$0x1] =	wrdreg $0xFFFFFFFF  }
0xc2: {  	_ =	task.clear_ibuf [dreg:s7], $0x2FFFF;
	_ =	strace $0x9FFFFFFF  }
0xc3: {  	(tm) =	ssettm $0x7FFFFFFF  }
tec
execute0_lowered:
.L_overlay_start_1:
0x0: {  	(tag) =	ssettag $0x1  }
0x1: {  	s0 =	rddreg [dreg:$0x0]  }
0x2: {  	s1 =	rddreg [dreg:$0x1]  }
0x3: {  	s2 =	rddreg [dreg:$0x2]  }
0x4: {  	s7 =	stileid.u32;
	s4 =	srdreg.scid;
	s3 =	simm.s32 $0x0  }
0x5: {  	s17 =	simm.s32 $0x9C40;
	s18 =	simm.s32 $0x7;
	s19 =	simm.s32 $0x4E20  }
0x6: {  	s20 =	simm.s32 $0x50;
	s21 =	simm.s32 $0xBA40;
	s22 =	simm.s32 $0x1  }
0x7: {  	s24 =	simm.s32 $0xD840;
	s25 =	simm.s32 $0x2;
	s13 =	smul.u32 $0x9C4, s7  }
0x8: {  	s28 =	simm.s32 $0x4;
	s30 =	simm.s32 $0x3;
	s5 =	smul.u32 $0xEA60, s7  }
0x9: {  	s31 =	simm.s32 $0x5;
	s23 =	sand.u32 $0x1, s4;
	s7 =	smul.u32 $0x3A980, s7  }
0xa: {  	[smem:$0x7FF] =	sst s3;
	s4 =	sadd.s32 $0x59C00, s0;
	s6 =	smul.u32 $0xEA600, s23  }
0xb: {  	_ =	strace $0x8000004A;
	s8 =	ssub.s32 $0x2, s23;
	v0 =	vmov s23;
	s23 =	simm.s32 $0x9BF0  }
0xc: {  	s14 =	sadd.s32 s13, s0;
	s7 =	sshrl.u32 s7, $0x2;
	s29 =	sshrl.u32 s8, $0x1  }
0xd: {  	s13 =	sadd.s32 s1, s13;
	s6 =	sadd.s32 s5, s6;
	s12 =	sadd.s32 s7, s2  }
0xe: {  	s16 =	ssub.s32 s8, s29;
	s5 =	sadd.s32 s5, s2;
	s14 =	sadd.s32 $0x1C00, s14  }
0xf: {  	s6 =	sshrl.u32 s6, $0x3;
	s7 =	sadd.s32 $0x3C00, s12;
	s8 =	sadd.s32 $0x5A00, s12  }
0x10: {  	s9 =	sadd.s32 $0x7800, s12;
	s10 =	sadd.s32 $0x9600, s12;
	s11 =	sadd.s32 $0xB400, s12  }
0x11: {  	s16 =	smax.u32 s16, $0x1;
	s0 =	sadd.s32 s6, s0;
	s6 =	sadd.s32 $0x1E00, s12  }
0x12: {  	v1 =	vimm.f32 $0.0e+00;
	s12 =	sadd.s32 $0xD200, s12;
	s15 =	sadd.s32 $0xBA00, s0;
	s0 =	simm.s32 $0x6  }
.LBB2_1:
0x13: {  	s26 =	simm.s32 $0x50  }
0x14: {  	[tilespmem:s26+$0x9C40] =	vst v1  }
0x15: {  	[tilespmem:s26+$0x9BF0] =	vst v1  }
0x16: {  	[tilespmem:s26+$0x9C00] =	vst v1  }
0x17: {  	[tilespmem:s26+$0x9C10] =	vst v1  }
0x18: {  	s29 =	simm.s32 $0x2C0;
	[tilespmem:s26+$0x9C20] =	vst v1  }
.LBB2_2:
0x19: {  	p0 =	sne.s32 s29, $0x77C0;
	[tilespmem:s26+$0x9C30] =	vst v1;
	s26 =	sshra.s32 s29, $0x2;
	s29 =	sadd.s32 $0x180, s29  }
.Ltmp0:
0x1a: {  	[tilespmem:s26+$0x9C40] =	vst v1;
	(pc) =	sbr.rel @p0 .LBB2_2-.Ltmp0, $4  }
0x1b: {  	[tilespmem:s26+$0x9BF0] =	vst v1  }
0x1c: {  	[tilespmem:s26+$0x9C00] =	vst v1  }
0x1d: {  	[tilespmem:s26+$0x9C10] =	vst v1  }
0x1e: {  	[tilespmem:s26+$0x9C20] =	vst v1  }
0x1f: {  	[tilespmem:s26+$0x9C30] =	vst v1  }
0x20: {  	[spmem:s5] =	stream.linear.scatter [tilespmem:s17], [sflag:$0x7], $0x1E00, $0x38;
	[tilespmem:$0x1E0A0] =	vst v63  }
0x21: {  	_ =	swait.ge [sflag:s18], $0x1E00  }
0x22: {  	[sflag:s18] =	ssyncset.done $0x0  }
0x23: {  	[sflag:s18] =	ssyncadd.s32 $0xFFFFE200  }
0x24: {  	[spmem:s6] =	stream.linear.scatter [tilespmem:s17], [sflag:$0x7], $0x1E00, $0x38;
	[tilespmem:$0x1E0A0] =	vst v63  }
0x25: {  	_ =	swait.ge [sflag:s18], $0x1E00  }
0x26: {  	[sflag:s18] =	ssyncset.done $0x0  }
0x27: {  	[sflag:s18] =	ssyncadd.s32 $0xFFFFE200  }
0x28: {  	[spmem:s7] =	stream.linear.scatter [tilespmem:s17], [sflag:$0x7], $0x1E00, $0x38;
	[tilespmem:$0x1E0A0] =	vst v63  }
0x29: {  	_ =	swait.ge [sflag:s18], $0x1E00  }
0x2a: {  	[sflag:s18] =	ssyncset.done $0x0  }
0x2b: {  	[sflag:s18] =	ssyncadd.s32 $0xFFFFE200  }
0x2c: {  	[spmem:s8] =	stream.linear.scatter [tilespmem:s17], [sflag:$0x7], $0x1E00, $0x38;
	[tilespmem:$0x1E0A0] =	vst v63  }
0x2d: {  	_ =	swait.ge [sflag:s18], $0x1E00  }
0x2e: {  	[sflag:s18] =	ssyncset.done $0x0  }
0x2f: {  	[sflag:s18] =	ssyncadd.s32 $0xFFFFE200  }
0x30: {  	[spmem:s9] =	stream.linear.scatter [tilespmem:s17], [sflag:$0x7], $0x1E00, $0x38;
	[tilespmem:$0x1E0A0] =	vst v63  }
0x31: {  	_ =	swait.ge [sflag:s18], $0x1E00  }
0x32: {  	[sflag:s18] =	ssyncset.done $0x0  }
0x33: {  	[sflag:s18] =	ssyncadd.s32 $0xFFFFE200  }
0x34: {  	[spmem:s10] =	stream.linear.scatter [tilespmem:s17], [sflag:$0x7], $0x1E00, $0x38;
	[tilespmem:$0x1E0A0] =	vst v63  }
0x35: {  	_ =	swait.ge [sflag:s18], $0x1E00  }
0x36: {  	[sflag:s18] =	ssyncset.done $0x0  }
0x37: {  	[sflag:s18] =	ssyncadd.s32 $0xFFFFE200  }
0x38: {  	[spmem:s11] =	stream.linear.scatter [tilespmem:s17], [sflag:$0x7], $0x1E00, $0x38;
	[tilespmem:$0x1E0A0] =	vst v63  }
0x39: {  	_ =	swait.ge [sflag:s18], $0x1E00  }
0x3a: {  	[sflag:s18] =	ssyncset.done $0x0  }
0x3b: {  	[sflag:s18] =	ssyncadd.s32 $0xFFFFE200  }
0x3c: {  	[spmem:s12] =	stream.linear.scatter [tilespmem:s17], [sflag:$0x7], $0x1860, $0x38;
	[tilespmem:$0x1E0A0] =	vst v63  }
0x3d: {  	_ =	swait.ge [sflag:s18], $0x1860  }
0x3e: {  	[sflag:s18] =	ssyncset.done $0x0  }
0x3f: {  	s1 =	simm.s32 $0x0;
	[sflag:s18] =	ssyncadd.s32 $0xFFFFE7A0  }
0x40: {  	[tilespmem:s1], [sflag:$0x7] =	stream.linear.gather [hbm4b:s13+s1], $0x4E20, $0x38;
	[tilespmem:$0x1E0A0] =	vst v63  }
0x41: {  	_ =	swait.ge [sflag:s18], $0x4E20  }
0x42: {  	[sflag:s18] =	ssyncset.done $0x0  }
0x43: {  	[sflag:s18] =	ssyncadd.s32 $0xFFFFB1E0  }
0x44: {  	[tilespmem:s19], [sflag:$0x7] =	stream.linear.gather [hbm4b:s14+s1], $0x4E20, $0x38;
	[tilespmem:$0x1E0A0] =	vst v63  }
0x45: {  	_ =	swait.ge [sflag:s18], $0x4E20  }
0x46: {  	[sflag:s18] =	ssyncset.done $0x0  }
0x47: {  	s26 =	simm.s32 $0x0;
	s29 =	simm.s32 $0x40;
	[sflag:s18] =	ssyncadd.s32 $0xFFFFB1E0  }
.LBB2_4:
0x48: {  	p0 =	sne.s32 s29, $0x13840;
	v2 =	vld [tilespmem:s26+$0x0];
	_ =	sdelay $0x2  }
.Ltmp1:
0x49: {  	(pc) =	sbr.rel @p0 .LBB2_4-.Ltmp1, $4  }
0x4a: {  	_ = 	snop  }
0x4b: {  	v2 =	vshll.u32 v2, $0x1  }
0x4c: {  	v2 =	vor.u32 v0, v2  }
0x4d: {  	[tilespmem:s26+$0x0] =	vst v2;
	s26 =	sshra.s32 s29, $0x2;
	s29 =	sadd.s32 $0x40, s29  }
0x4e: {  	v2 =	vld [tilespmem:s26+$0x0];
	_ =	sdelay $0x4  }
0x4f: {  	v2 =	vshll.u32 v2, $0x1  }
0x50: {  	v2 =	vor.u32 v0, v2  }
0x51: {  	[tilespmem:s26+$0x0] =	vst v2  }
0x52: {  	s1 =	simm.s32 $0x0;
	[bflag:$0x0] =	sbarrier.arrive $0xFFFF  }
0x53: {  	[tilespmem:s17], [sflag:$0x1] =	stream.indirect.gather [hbm4b:s4+s20], $0x60, s1, s20, $0xb8;
	[tilespmem:$0x1E0A0] =	vst v63  }
0x54: {  	_ = 	snop  }
0x55: {  	[tilespmem:s21], [sflag:$0x2] =	stream.indirect.gather [hbm4b:s4+s20], $0x60, s20, s20, $0xb8;
	[tilespmem:$0x1E0A0] =	vst v63  }
0x56: {  	_ =	swait.ge [sflag:s22], $0x1E00  }
0x57: {  	[sflag:s22] =	ssyncset.done $0x0  }
0x58: {  	[sflag:s22] =	ssyncadd.s32 $0xFFFFE200  }
0x59: {  	[spmem:s2] =	stream.indirect.scatter.add.f32 [tilespmem:s17], [sflag:$0x4], $0x60, s19, s20, $0xb8;
	[tilespmem:$0x1E0A0] =	vst v63  }
0x5a: {  	s1 =	simm.s32 $0xA0  }
0x5b: {  	[tilespmem:s24], [sflag:$0x3] =	stream.indirect.gather [hbm4b:s4+s20], $0x60, s1, s20, $0xb8;
	[tilespmem:$0x1E0A0] =	vst v63  }
0x5c: {  	_ =	swait.ge [sflag:s25], $0x1E00  }
0x5d: {  	[sflag:s25] =	ssyncset.done $0x0  }
0x5e: {  	s26 =	simm.s32 $0x4E70;
	[sflag:s25] =	ssyncadd.s32 $0xFFFFE200  }
0x5f: {  	[spmem:s2] =	stream.indirect.scatter.add.f32 [tilespmem:s21], [sflag:$0x5], $0x60, s26, s20, $0xb8;
	[tilespmem:$0x1E0A0] =	vst v63  }
0x60: {  	_ =	swait.ge [sflag:s28], $0x1E00  }
0x61: {  	[sflag:s28] =	ssyncset.done $0x0  }
0x62: {  	s26 =	simm.s32 $0xF0;
	[sflag:s28] =	ssyncadd.s32 $0xFFFFE200  }
0x63: {  	[tilespmem:s17], [sflag:$0x1] =	stream.indirect.gather [hbm4b:s4+s20], $0x60, s26, s20, $0xb8;
	[tilespmem:$0x1E0A0] =	vst v63  }
0x64: {  	_ =	swait.ge [sflag:s30], $0x1E00  }
0x65: {  	[sflag:s30] =	ssyncset.done $0x0  }
0x66: {  	s1 =	simm.s32 $0x4EC0;
	[sflag:s30] =	ssyncadd.s32 $0xFFFFE200  }
0x67: {  	[spmem:s2] =	stream.indirect.scatter.add.f32 [tilespmem:s24], [sflag:$0x6], $0x60, s1, s20, $0xb8;
	[tilespmem:$0x1E0A0] =	vst v63  }
0x68: {  	_ =	swait.ge [sflag:s31], $0x1E00  }
0x69: {  	[sflag:s31] =	ssyncset.done $0x0  }
0x6a: {  	s1 =	simm.s32 $0x140;
	[sflag:s31] =	ssyncadd.s32 $0xFFFFE200  }
0x6b: {  	[tilespmem:s21], [sflag:$0x2] =	stream.indirect.gather [hbm4b:s4+s20], $0x60, s1, s20, $0xb8;
	[tilespmem:$0x1E0A0] =	vst v63  }
0x6c: {  	_ =	swait.ge [sflag:s22], $0x1E00  }
0x6d: {  	[sflag:s22] =	ssyncset.done $0x0  }
0x6e: {  	s1 =	simm.s32 $0x4F10;
	[sflag:s22] =	ssyncadd.s32 $0xFFFFE200  }
0x6f: {  	[spmem:s2] =	stream.indirect.scatter.add.f32 [tilespmem:s17], [sflag:$0x4], $0x60, s1, s20, $0xb8;
	[tilespmem:$0x1E0A0] =	vst v63  }
0x70: {  	_ =	swait.ge [sflag:s0], $0x1E00  }
0x71: {  	[sflag:s0] =	ssyncset.done $0x0  }
0x72: {  	s1 =	simm.s32 $0x190;
	[sflag:s0] =	ssyncadd.s32 $0xFFFFE200  }
0x73: {  	[tilespmem:s24], [sflag:$0x3] =	stream.indirect.gather [hbm4b:s4+s20], $0x60, s1, s20, $0xb8;
	[tilespmem:$0x1E0A0] =	vst v63  }
0x74: {  	_ =	swait.ge [sflag:s25], $0x1E00  }
0x75: {  	[sflag:s25] =	ssyncset.done $0x0  }
0x76: {  	s1 =	simm.s32 $0x4F60;
	[sflag:s25] =	ssyncadd.s32 $0xFFFFE200  }
0x77: {  	[spmem:s2] =	stream.indirect.scatter.add.f32 [tilespmem:s21], [sflag:$0x5], $0x60, s1, s20, $0xb8;
	[tilespmem:$0x1E0A0] =	vst v63  }
0x78: {  	_ =	swait.ge [sflag:s28], $0x1E00  }
0x79: {  	[sflag:s28] =	ssyncset.done $0x0  }
0x7a: {  	s29 =	simm.s32 $0x1E0;
	s26 =	simm.s32 $0x3C0;
	[sflag:s28] =	ssyncadd.s32 $0xFFFFE200  }
.LBB2_6:
0x7b: {  	[tilespmem:s17], [sflag:$0x1] =	stream.indirect.gather [hbm4b:s4+s20], $0x60, s29, s20, $0xb8;
	[tilespmem:$0x1E0A0] =	vst v63  }
0x7c: {  	s29 =	smov.u32 s26  }
0x7d: {  	p0 =	sne.s32 s26, $0x12FC0;
	s26 =	sadd.s32 $0x3C0, s26;
	_ =	swait.ge [sflag:s30], $0x1E00  }
0x7e: {  	s29 =	sshra.s32 s29, $0x2;
	[sflag:s30] =	ssyncset.done $0x0  }
0x7f: {  	s1 =	sadd.s32 $0x4EC0, s29;
	[sflag:s30] =	ssyncadd.s32 $0xFFFFE200  }
0x80: {  	[spmem:s2] =	stream.indirect.scatter.add.f32 [tilespmem:s24], [sflag:$0x6], $0x60, s1, s20, $0xb8;
	[tilespmem:$0x1E0A0] =	vst v63  }
0x81: {  	_ =	swait.ge [sflag:s31], $0x1E00  }
0x82: {  	[sflag:s31] =	ssyncset.done $0x0  }
0x83: {  	s1 =	sadd.s32 $0x140, s29;
	[sflag:s31] =	ssyncadd.s32 $0xFFFFE200  }
0x84: {  	[tilespmem:s21], [sflag:$0x2] =	stream.indirect.gather [hbm4b:s4+s20], $0x60, s1, s20, $0xb8;
	[tilespmem:$0x1E0A0] =	vst v63  }
0x85: {  	_ =	swait.ge [sflag:s22], $0x1E00  }
0x86: {  	[sflag:s22] =	ssyncset.done $0x0  }
0x87: {  	s1 =	sadd.s32 $0x4F10, s29;
	[sflag:s22] =	ssyncadd.s32 $0xFFFFE200  }
0x88: {  	[spmem:s2] =	stream.indirect.scatter.add.f32 [tilespmem:s17], [sflag:$0x4], $0x60, s1, s20, $0xb8;
	[tilespmem:$0x1E0A0] =	vst v63  }
0x89: {  	_ =	swait.ge [sflag:s0], $0x1E00  }
0x8a: {  	[sflag:s0] =	ssyncset.done $0x0  }
0x8b: {  	s1 =	sadd.s32 $0x190, s29;
	[sflag:s0] =	ssyncadd.s32 $0xFFFFE200  }
0x8c: {  	[tilespmem:s24], [sflag:$0x3] =	stream.indirect.gather [hbm4b:s4+s20], $0x60, s1, s20, $0xb8;
	[tilespmem:$0x1E0A0] =	vst v63  }
0x8d: {  	_ =	swait.ge [sflag:s25], $0x1E00  }
0x8e: {  	[sflag:s25] =	ssyncset.done $0x0  }
.Ltmp2:
0x8f: {  	s1 =	sadd.s32 $0x4F60, s29;
	[sflag:s25] =	ssyncadd.s32 $0xFFFFE200;
	(pc) =	sbr.rel @p0 .LBB2_6-.Ltmp2, $4  }
0x90: {  	[spmem:s2] =	stream.indirect.scatter.add.f32 [tilespmem:s21], [sflag:$0x5], $0x60, s1, s20, $0xb8;
	[tilespmem:$0x1E0A0] =	vst v63  }
0x91: {  	_ =	swait.ge [sflag:s28], $0x1E00  }
0x92: {  	[sflag:s28] =	ssyncset.done $0x0  }
0x93: {  	s29 =	sadd.s32 $0x1E0, s29;
	[sflag:s28] =	ssyncadd.s32 $0xFFFFE200  }
0x94: {  	[tilespmem:s17], [sflag:$0x1] =	stream.indirect.gather [hbm4b:s4+s20], $0x60, s29, s20, $0xb8;
	[tilespmem:$0x1E0A0] =	vst v63  }
0x95: {  	_ =	swait.ge [sflag:s30], $0x1E00  }
0x96: {  	[sflag:s30] =	ssyncset.done $0x0  }
0x97: {  	s1 =	simm.s32 $0x9BA0;
	[sflag:s30] =	ssyncadd.s32 $0xFFFFE200  }
0x98: {  	[spmem:s2] =	stream.indirect.scatter.add.f32 [tilespmem:s24], [sflag:$0x6], $0x60, s1, s20, $0xb8;
	[tilespmem:$0x1E0A0] =	vst v63  }
0x99: {  	_ =	swait.ge [sflag:s31], $0x1E00  }
0x9a: {  	[sflag:s31] =	ssyncset.done $0x0  }
0x9b: {  	[sflag:s31] =	ssyncadd.s32 $0xFFFFE200  }
0x9c: {  	_ =	swait.ge [sflag:s22], $0x1E00  }
0x9d: {  	[sflag:s22] =	ssyncset.done $0x0  }
0x9e: {  	[sflag:s22] =	ssyncadd.s32 $0xFFFFE200  }
0x9f: {  	[spmem:s2] =	stream.indirect.scatter.add.f32 [tilespmem:s17], [sflag:$0x4], $0x60, s23, s20, $0xb8;
	[tilespmem:$0x1E0A0] =	vst v63  }
0xa0: {  	_ =	swait.ge [sflag:s0], $0x1E00  }
0xa1: {  	[sflag:s0] =	ssyncset.done $0x0  }
0xa2: {  	[sflag:s0] =	ssyncadd.s32 $0xFFFFE200  }
0xa3: {  	s29 =	stileid.u32;
	_ =	swait.ge [sflag:s28], $0x1E00  }
0xa4: {  	s26 =	sshrl.u32 s5, $0x3;
	s3 =	sadd.s32 $0x1, s3;
	[sflag:s28] =	ssyncset.done $0x0  }
0xa5: {  	p0 =	sne.s32 s3, s16;
	s1 =	sshll.u32 s29, $0x6;
	[sflag:s28] =	ssyncadd.s32 $0xFFFFE200  }
.Ltmp3:
0xa6: {  	s1 =	sor.u32 $0x1C07, s1;
	[bflag:$0x0] =	sbarrier.arrive $0xFFFF;
	(pc) =	sbr.rel @p0 .LBB2_1-.Ltmp3, $4  }
0xa7: {  	[hbm:s15], [sflag:s1] =	dma.local [spmem:s26], $0x1D4C  }
0xa8: {  	_ =	swait.ge [sflag:s18], $0x1D4C  }
0xa9: {  	[sflag:s18] =	ssyncset.done $0x0  }
0xaa: {  	[sflag:s18] =	ssyncadd.s32 $0xFFFFE2B4  }
0xab: {  	_ =	sfence.sel $0x180000  }
0xac: {  	[bflag:$0x0] =	sbarrier.arrive $0xFFFF  }
0xad: {  	_ =	strace $0x9000004A  }
0xae: {  	s0 =	stileid.u32;
	[bflag:$0x2] =	sbarrier.arrive $0xFFFF  }
0xaf: {  	p0 =	sne.s32 s0, $0x0;
	s0 =	rddreg [dreg:$0x3]  }
0xb0: {  	s0 =	sadd.s32 @!p0 $0x100000, s0  }
0xb1: {  	[sflag:s0] =	ssyncadd.tile.s32 @!p0 $0x1;
	_ =	shalt  }
.Lfunc_end2:
_tile_overlayer_lowered:
.L_overlay_start_2:
0xb2: {  	(tag) =	ssettag $0x2  }
0xb3: {  	s0 =	rddreg [dreg:$0x0];
	s2 =	stileid.u32  }
0xb4: {  	s1 =	rddreg [dreg:$0x1];
	p0 =	sne.s32 s2, $0x0  }
0xb5: {  	s3 =	rddreg [dreg:$0x2];
	[bflag:$0x3] =	sbarrier.arrive $0xFFFF;
	s2 =	simm.s32 @!p0 $0x1C07  }
0xb6: {  	[timem:s3], [sflag:s2] =	dma.local @!p0 [hbm:s0], s1  }
0xb7: {  	s0 =	simm.s32 @!p0 $0x7  }
0xb8: {  	_ =	swait.ge @!p0 [sflag:s0], s1  }
0xb9: {  	s1 =	ssub.s32 @!p0 $0x0, s1;
	[sflag:s0] =	ssyncset.done @!p0 $0x0  }
0xba: {  	[sflag:s0] =	ssyncadd.s32 @!p0 s1  }
0xbb: {  	[bflag:$0x3] =	sbarrier.arrive $0xFFFF  }
0xbc: {  	_ =	shalt  }

// kernel: kernel.14.cloned.1.call-start
scs
__scs_entry_jumppad:
0x0: {  	(pc) =	sbr.rel $0x88, $3  }
0x1: {  	(tag) =	ssettag $0x0;
	lr =	simm.s32 $0x1  }
0x2: {  	[smem:$0x3F99] =	sst lr;
	_ =	strace $0xD0000000  }
0x3: {  	_ = 	snop  }
0x4: {  	_ = 	snop  }
0x5: {  	_ = 	snop  }
0x6: {  	_ = 	snop  }
0x7: {  	_ = 	snop  }
__scs_overlays_trampoline_lowered:
0x8: {  	[smem:$0x3FA8] =	sst s0  }
0x9: {  	[smem:$0x3FA9] =	sst s1  }
0xa: {  	[smem:$0x3FAA] =	sst s2  }
0xb: {  	[smem:$0x3FAB] =	sst s3  }
0xc: {  	[smem:$0x3FAC] =	sst s4  }
0xd: {  	[smem:$0x3FAD] =	sst s5  }
0xe: {  	[smem:$0x3FAE] =	sst s6  }
0xf: {  	[smem:$0x3FAF] =	sst s7  }
0x10: {  	[smem:$0x3FB0] =	sst s8  }
0x11: {  	[smem:$0x3FB1] =	sst s9;
	s0 =	simm.s32 @!p0 $0x0  }
0x12: {  	s1 =	sld [smem:$0x3F97];
	s0 =	simm.s32 @p0 $0x1  }
0x13: {  	[smem:$0x3FB2] =	sst s0;
	s0 =	simm.s32 @!p1 $0x0  }
0x14: {  	s2 =	sld [smem:$0x3F96];
	s0 =	simm.s32 @p1 $0x1  }
0x15: {  	[smem:$0x3FB3] =	sst s0;
	s0 =	simm.s32 @!p2 $0x0  }
0x16: {  	s3 =	sld [smem:$0x3FDB];
	s0 =	simm.s32 @p2 $0x1  }
0x17: {  	s4 =	simm.s32 $0x1BF5;
	[smem:$0x3FB5] =	sst s0  }
0x18: {  	s0 =	sld [smem:$0x3F98];
	_ =	swait.ge [sflag:s4], $0x0  }
0x19: {  	s7 =	sld [smem:$0x3F99]  }
0x1a: {  	s8 =	sadd.s32 $0xFFFFE003, lr  }
0x1b: {  	s9 =	sadd.s32 $0xFFFFFEF7, lr;
	s5 =	simm.s32 $0xFFFFFFFF;
	p2 =	slt.u32 s8, $0xFFFFF086  }
0x1c: {  	p1 =	slt.u32 s9, $0xF7A;
	s5 =	simm.s32 @!p2 $0x0  }
0x1d: {  	s5 =	simm.s32 @p1 $0x1;
	p0 =	seq.s32 s7, s2  }
0x1e: {  	s7 =	smul.u32 @!p0 $0xF7A, s2;
	p2 =	seq.s32 @!p0 s5, $0x0  }
0x1f: {  	s9 =	smul.u32 $0xF7A, s1;
	s8 =	simm.s32 @!p0 $0x1BF5;
	p2 =	por !p2, p0  }
0x20: {  	[sflag:s8] =	ssyncset.s32 @!p0 $0xFFFFF086;
	s6 =	sadd.s32 @!p0 s3, s7;
	s7 =	simm.s32 @!p0 $0x108  }
0x21: {  	s3 =	sadd.s32 s3, s9;
	s6 =	sadd.s32 @!p0 $0x88, s6;
	s7 =	simm.s32 @p2 $0x1082  }
0x22: {  	[simem:s7], [sflag:s8] =	dma.local @!p0 [hbm:s6], $0xF7A  }
0x23: {  	s9 =	sor.u32 $0xD0000000, s2;
	s6 =	simm.s32 $0x108;
	_ =	swait.ge @!p0 [sflag:s8], $0x0  }
0x24: {  	s3 =	sadd.s32 $0x88, s3;
	s6 =	simm.s32 @!p1 $0x1082;
	[sflag:s4] =	ssyncset.s32 $0xFFFFF086  }
0x25: {  	[simem:s6], [sflag:s4] =	dma.local [hbm:s3], $0xF7A  }
0x26: {  	[smem:$0x3F99] =	sst s1;
	(tag) =	ssettag s2;
	_ =	strace s9  }
0x27: {  	s1 =	sld [smem:$0x3FA9]  }
0x28: {  	s2 =	sld [smem:$0x3FAA]  }
0x29: {  	s4 =	sld [smem:$0x3FAC]  }
0x2a: {  	p0 =	seq.s32 s5, $0x0;
	s5 =	sld [smem:$0x3FAD]  }
0x2b: {  	s6 =	sld [smem:$0x3FAE]  }
0x2c: {  	s7 =	sld [smem:$0x3FAF]  }
0x2d: {  	s3 =	simm.s32 $0x108;
	s8 =	sld [smem:$0x3FB0]  }
0x2e: {  	s3 =	simm.s32 @!p0 $0x1082;
	s9 =	sld [smem:$0x3FB1]  }
0x2f: {  	lr =	sadd.s32 s0, s3;
	s0 =	sld [smem:$0x3FA8]  }
0x30: {  	s3 =	sld [smem:$0x3FAB]  }
0x31: {  	[smem:$0x3FB4] =	sst s10  }
0x32: {  	s10 =	sld [smem:$0x3FB2];
	_ =	sdelay $0x3  }
0x33: {  	p0 =	seq.s32 s10, $0x1;
	s10 =	sld [smem:$0x3FB4];
	_ =	sdelay $0x3  }
0x34: {  	[smem:$0x3FB4] =	sst s10  }
0x35: {  	s10 =	sld [smem:$0x3FB3];
	_ =	sdelay $0x3  }
0x36: {  	p1 =	seq.s32 s10, $0x1;
	s10 =	sld [smem:$0x3FB4];
	_ =	sdelay $0x3  }
0x37: {  	[smem:$0x3FB4] =	sst s10  }
0x38: {  	s10 =	sld [smem:$0x3FB5]  }
0x39: {  	_ = 	snop;
	(pc) =	sbr.ind lr, $3  }
0x3a: {  	_ = 	snop  }
0x3b: {  	_ = 	snop  }
0x3c: {  	p2 =	seq.s32 s10, $0x1;
	s10 =	sld [smem:$0x3FB4]  }
0x3d: {  	_ =	shalt  }
0x3e: {  	_ =	shalt  }
0x3f: {  	_ =	shalt  }
0x40: {  	_ =	shalt  }
0x41: {  	_ =	shalt  }
0x42: {  	_ =	shalt  }
0x43: {  	_ =	shalt  }
0x44: {  	_ =	shalt  }
0x45: {  	_ =	shalt  }
0x46: {  	_ =	shalt  }
0x47: {  	_ =	shalt  }
0x48: {  	_ =	shalt  }
0x49: {  	_ =	shalt  }
0x4a: {  	_ =	shalt  }
0x4b: {  	_ =	shalt  }
0x4c: {  	_ =	shalt  }
0x4d: {  	_ =	shalt  }
0x4e: {  	_ =	shalt  }
0x4f: {  	_ =	shalt  }
0x50: {  	_ =	shalt  }
0x51: {  	_ =	shalt  }
0x52: {  	_ =	shalt  }
0x53: {  	_ =	shalt  }
0x54: {  	_ =	shalt  }
0x55: {  	_ =	shalt  }
0x56: {  	_ =	shalt  }
0x57: {  	_ =	shalt  }
0x58: {  	_ =	shalt  }
0x59: {  	_ =	shalt  }
0x5a: {  	_ =	shalt  }
0x5b: {  	_ =	shalt  }
0x5c: {  	_ =	shalt  }
0x5d: {  	_ =	shalt  }
0x5e: {  	_ =	shalt  }
0x5f: {  	_ =	shalt  }
0x60: {  	_ =	shalt  }
0x61: {  	_ =	shalt  }
0x62: {  	_ =	shalt  }
0x63: {  	_ =	shalt  }
0x64: {  	_ =	shalt  }
0x65: {  	_ =	shalt  }
0x66: {  	_ =	shalt  }
0x67: {  	_ =	shalt  }
0x68: {  	_ =	shalt  }
0x69: {  	_ =	shalt  }
0x6a: {  	_ =	shalt  }
0x6b: {  	_ =	shalt  }
0x6c: {  	_ =	shalt  }
0x6d: {  	_ =	shalt  }
0x6e: {  	_ =	shalt  }
0x6f: {  	_ =	shalt  }
0x70: {  	_ =	shalt  }
0x71: {  	_ =	shalt  }
0x72: {  	_ =	shalt  }
0x73: {  	_ =	shalt  }
0x74: {  	_ =	shalt  }
0x75: {  	_ =	shalt  }
0x76: {  	_ =	shalt  }
0x77: {  	_ =	shalt  }
0x78: {  	_ =	shalt  }
0x79: {  	_ =	shalt  }
0x7a: {  	_ =	shalt  }
0x7b: {  	_ =	shalt  }
0x7c: {  	_ =	shalt  }
0x7d: {  	_ =	shalt  }
0x7e: {  	_ =	shalt  }
0x7f: {  	_ =	shalt  }
0x80: {  	_ =	shalt  }
0x81: {  	_ =	shalt  }
0x82: {  	_ =	shalt  }
0x83: {  	_ =	shalt  }
0x84: {  	_ =	shalt  }
0x85: {  	_ =	shalt  }
0x86: {  	_ =	shalt  }
0x87: {  	_ =	shalt  }
.Lfunc_end0:
.L_simem_size_0:
called_computation.2_lowered:
.L_overlay_start_0:
0x88: {  	s2 =	sld [smem:$0x3FD9]  }
0x89: {  	s3 =	sld [smem:$0x3FFE];
	_ =	sdelay $0x1  }
0x8a: {  	s1 =	srdreg.scid  }
0x8b: {  	s0 =	sand.u32 $0x1, s1  }
0x8c: {  	s17 =	sshll.u32 s0, $0xA;
	s2 =	sadd.s32 s3, s2  }
0x8d: {  	s2 =	sadd.s32 s2, s17  }
0x8e: {  	[smem:$0x3FC0] =	sst s2  }
0x8f: {  	_ = 	snop  }
0x90: {  	s2 =	sld [smem:$0x3FD0];
	(tm) =	ssettm $0x1  }
0x91: {  	s18 =	sld [smem:$0x3FFB];
	_ =	sdelay $0x3  }
0x92: {  	_ =	strace s18  }
0x93: {  	s3 =	sld [smem:$0x3FFC];
	_ =	sdelay $0x3  }
0x94: {  	_ =	strace s3  }
0x95: {  	s3 =	sld [smem:$0x3FFD];
	_ =	sdelay $0x3  }
0x96: {  	_ =	strace s3  }
0x97: {  	_ =	strace $0x8FFFFFFF  }
0x98: {  	s19 =	sld [smem:$0x3FDB];
	_ =	sdelay $0x1  }
0x99: {  	s4 =	simm.s32 $_scs_section_size  }
0x9a: {  	s5 =	simm.s32 $_size__tile_overlayer_lowered;
	s6 =	simm.s32 $_tile_overlayer_lowered  }
0x9b: {  	s22 =	simm.s32 $0x1BFF;
	s21 =	sshll.u32 s6, $0x1;
	s3 =	sadd.s32 s4, s19  }
0x9c: {  	s7 =	simm.s32 $0x0;
	s20 =	sshll.u32 s5, $0x1;
	s5 =	sadd.s32 s21, s3  }
0x9d: {  	[timem:s7], [sflag:s22] =	dma.local [hbm:s5], s20  }
0x9e: {  	_ =	swait.ge [sflag:s22], s20  }
0x9f: {  	s4 =	ssub.s32 $0x0, s20;
	[sflag:s22] =	ssyncset.done $0x0  }
0xa0: {  	[sflag:s22] =	ssyncadd.s32 s4;
	_ =	sdelay $0x1  }
0xa1: {  	s23 =	simm.s32 $0x1B8B  }
0xa2: {  	_ =	swait.ge [sflag:s23], $0x1  }
0xa3: {  	[sflag:s23] =	ssyncset.done $0x0  }
0xa4: {  	s25 =	simm.s32 $0x1B8E;
	s24 =	sld [smem:$0x3FFE];
	[sflag:s23] =	ssyncadd.s32 $0xFFFFFFFF  }
0xa5: {  	s26 =	simm.s32 $execute0_lowered;
	[smem:$0x3FD2] =	sst s25  }
0xa6: {  	s5 =	sshll.u32 s26, $0x1;
	_ =	strace $0x8000004C;
	[dreg:$0x1] =	wrdreg $0xFFFFFFFF  }
0xa7: {  	s28 =	simm.s32 $_size_execute0_lowered;
	s3 =	sadd.s32 s3, s5;
	[dreg:$0x0] =	wrdreg $0x0  }
0xa8: {  	s5 =	sshll.u32 s28, $0x1;
	[dreg:$0x2] =	wrdreg s3  }
0xa9: {  	[dreg:$0x3] =	wrdreg s5  }
0xaa: {  	[dreg:$0x4] =	wrdreg $0xC0  }
0xab: {  	_ =	task [dreg:s7], $0x5FFFF  }
0xac: {  	[dreg:$0x1] =	wrdreg $0xFFFFFFFF  }
0xad: {  	[dreg:$0x0] =	wrdreg $0x60  }
0xae: {  	[dreg:$0x2] =	wrdreg s24  }
0xaf: {  	[dreg:$0x3] =	wrdreg s2  }
0xb0: {  	[dreg:$0x4] =	wrdreg $0xBA400  }
0xb1: {  	[dreg:$0x5] =	wrdreg $0x9  }
0xb2: {  	_ =	task.clear_ibuf [dreg:s7], $0x6FFFF;
	_ =	strace $0x9000004C  }
0xb3: {  	s29 =	simm.s32 $0x9;
	_ =	strace $0x8000004E  }
0xb4: {  	_ =	swait.ge [sflag:s29], $0x1  }
0xb5: {  	[sflag:s29] =	ssyncadd.s32 $0xFFFFFFFF  }
0xb6: {  	_ =	strace $0x9000004E  }
0xb7: {  	_ =	sfence  }
0xb8: {  	s30 =	sld [smem:$0x0];
	_ =	sdelay $0x2  }
0xb9: {  	s31 =	sshll.u32 s1, $0xD;
	s1 =	sshrl.u32 s1, $0x2  }
0xba: {  	s3 =	sand.u32 $0x4000, s31;
	s1 =	sadd.s32 s1, s30  }
0xbb: {  	s0 =	sor.u32 s3, s0;
	s1 =	sshll.u32 s1, $0x11  }
0xbc: {  	s0 =	sor.u32 s1, s0  }
0xbd: {  	s0 =	sadd.s32 $0x8F2B, s0  }
0xbe: {  	[sflag:s0] =	ssyncadd.remote.s32 $0x1  }
0xbf: {  	_ =	sfence.sel $0xFFFF  }
0xc0: {  	[dreg:$0x0] =	wrdreg $0xFFFFFFFF;
	(pc) =	sbr.abs _section_cstart, $3  }
0xc1: {  	[dreg:$0x1] =	wrdreg $0xFFFFFFFF  }
0xc2: {  	_ =	task.clear_ibuf [dreg:s7], $0x2FFFF;
	_ =	strace $0x9FFFFFFF  }
0xc3: {  	(tm) =	ssettm $0x7FFFFFFF  }
tec
execute0_lowered:
.L_overlay_start_1:
0x0: {  	(tag) =	ssettag $0x1  }
0x1: {  	s0 =	rddreg [dreg:$0x0]  }
0x2: {  	s1 =	rddreg [dreg:$0x1]  }
0x3: {  	s2 =	rddreg [dreg:$0x2]  }
0x4: {  	s7 =	stileid.u32;
	s4 =	srdreg.scid;
	s3 =	simm.s32 $0x0  }
0x5: {  	s17 =	simm.s32 $0x9C40;
	s18 =	simm.s32 $0x7;
	s19 =	simm.s32 $0x4E20  }
0x6: {  	s20 =	simm.s32 $0x50;
	s21 =	simm.s32 $0xA640;
	s22 =	simm.s32 $0x1  }
0x7: {  	s24 =	simm.s32 $0xB040;
	s25 =	simm.s32 $0x2;
	s13 =	smul.u32 $0x9C4, s7  }
0x8: {  	s28 =	simm.s32 $0x4;
	s30 =	simm.s32 $0x3;
	s5 =	smul.u32 $0x4E20, s7  }
0x9: {  	s31 =	simm.s32 $0x5;
	s23 =	sand.u32 $0x1, s4;
	s7 =	smul.u32 $0x13880, s7  }
0xa: {  	[smem:$0x7FF] =	sst s3;
	s4 =	sadd.s32 $0xBA00, s0;
	s6 =	smul.u32 $0x4E200, s23  }
0xb: {  	_ =	strace $0x8000004D;
	s8 =	ssub.s32 $0x2, s23;
	v0 =	vmov s23;
	s23 =	simm.s32 $0x9BF0  }
0xc: {  	s14 =	sadd.s32 s13, s0;
	s7 =	sshrl.u32 s7, $0x2;
	s29 =	sshrl.u32 s8, $0x1  }
0xd: {  	s13 =	sadd.s32 s1, s13;
	s6 =	sadd.s32 s5, s6;
	s12 =	sadd.s32 s7, s2  }
0xe: {  	s16 =	ssub.s32 s8, s29;
	s5 =	sadd.s32 s5, s2;
	s14 =	sadd.s32 $0x1C00, s14  }
0xf: {  	s6 =	sshrl.u32 s6, $0x3;
	s7 =	sadd.s32 $0x1400, s12;
	s8 =	sadd.s32 $0x1E00, s12  }
0x10: {  	s9 =	sadd.s32 $0x2800, s12;
	s10 =	sadd.s32 $0x3200, s12;
	s11 =	sadd.s32 $0x3C00, s12  }
0x11: {  	s16 =	smax.u32 s16, $0x1;
	s0 =	sadd.s32 s6, s0;
	s6 =	sadd.s32 $0xA00, s12  }
0x12: {  	v1 =	vimm.f32 $0.0e+00;
	s12 =	sadd.s32 $0x4600, s12;
	s15 =	sadd.s32 $0x1F400, s0;
	s0 =	simm.s32 $0x6  }
.LBB2_1:
0x13: {  	s26 =	simm.s32 $0x80;
	s29 =	simm.s32 $0x0  }
.LBB2_2:
0x14: {  	p0 =	sne.s32 s26, $0x2780;
	[tilespmem:s29+$0x9C40] =	vst v1;
	s1 =	smov.u32 s26;
	s26 =	sadd.s32 $0x80, s26  }
.Ltmp0:
0x15: {  	[tilespmem:s29+$0x9C50] =	vst v1;
	(pc) =	sbr.rel @p0 .LBB2_2-.Ltmp0, $2  }
0x16: {  	_ =	sdelay $0x2  }
0x17: {  	s29 =	sshra.s32 s1, $0x2  }
0x18: {  	[tilespmem:s29+$0x9C40] =	vst v1  }
0x19: {  	[tilespmem:s29+$0x9C50] =	vst v1  }
0x1a: {  	[spmem:s5] =	stream.linear.scatter [tilespmem:s17], [sflag:$0x7], $0xA00, $0x38;
	[tilespmem:$0x10860] =	vst v63  }
0x1b: {  	_ =	swait.ge [sflag:s18], $0xA00  }
0x1c: {  	[sflag:s18] =	ssyncset.done $0x0  }
0x1d: {  	[sflag:s18] =	ssyncadd.s32 $0xFFFFF600  }
0x1e: {  	[spmem:s6] =	stream.linear.scatter [tilespmem:s17], [sflag:$0x7], $0xA00, $0x38;
	[tilespmem:$0x10860] =	vst v63  }
0x1f: {  	_ =	swait.ge [sflag:s18], $0xA00  }
0x20: {  	[sflag:s18] =	ssyncset.done $0x0  }
0x21: {  	[sflag:s18] =	ssyncadd.s32 $0xFFFFF600  }
0x22: {  	[spmem:s7] =	stream.linear.scatter [tilespmem:s17], [sflag:$0x7], $0xA00, $0x38;
	[tilespmem:$0x10860] =	vst v63  }
0x23: {  	_ =	swait.ge [sflag:s18], $0xA00  }
0x24: {  	[sflag:s18] =	ssyncset.done $0x0  }
0x25: {  	[sflag:s18] =	ssyncadd.s32 $0xFFFFF600  }
0x26: {  	[spmem:s8] =	stream.linear.scatter [tilespmem:s17], [sflag:$0x7], $0xA00, $0x38;
	[tilespmem:$0x10860] =	vst v63  }
0x27: {  	_ =	swait.ge [sflag:s18], $0xA00  }
0x28: {  	[sflag:s18] =	ssyncset.done $0x0  }
0x29: {  	[sflag:s18] =	ssyncadd.s32 $0xFFFFF600  }
0x2a: {  	[spmem:s9] =	stream.linear.scatter [tilespmem:s17], [sflag:$0x7], $0xA00, $0x38;
	[tilespmem:$0x10860] =	vst v63  }
0x2b: {  	_ =	swait.ge [sflag:s18], $0xA00  }
0x2c: {  	[sflag:s18] =	ssyncset.done $0x0  }
0x2d: {  	[sflag:s18] =	ssyncadd.s32 $0xFFFFF600  }
0x2e: {  	[spmem:s10] =	stream.linear.scatter [tilespmem:s17], [sflag:$0x7], $0xA00, $0x38;
	[tilespmem:$0x10860] =	vst v63  }
0x2f: {  	_ =	swait.ge [sflag:s18], $0xA00  }
0x30: {  	[sflag:s18] =	ssyncset.done $0x0  }
0x31: {  	[sflag:s18] =	ssyncadd.s32 $0xFFFFF600  }
0x32: {  	[spmem:s11] =	stream.linear.scatter [tilespmem:s17], [sflag:$0x7], $0xA00, $0x38;
	[tilespmem:$0x10860] =	vst v63  }
0x33: {  	_ =	swait.ge [sflag:s18], $0xA00  }
0x34: {  	[sflag:s18] =	ssyncset.done $0x0  }
0x35: {  	[sflag:s18] =	ssyncadd.s32 $0xFFFFF600  }
0x36: {  	[spmem:s12] =	stream.linear.scatter [tilespmem:s17], [sflag:$0x7], $0x820, $0x38;
	[tilespmem:$0x10860] =	vst v63  }
0x37: {  	_ =	swait.ge [sflag:s18], $0x820  }
0x38: {  	[sflag:s18] =	ssyncset.done $0x0  }
0x39: {  	s1 =	simm.s32 $0x0;
	[sflag:s18] =	ssyncadd.s32 $0xFFFFF7E0  }
0x3a: {  	[tilespmem:s1], [sflag:$0x7] =	stream.linear.gather [hbm4b:s13+s1], $0x4E20, $0x38;
	[tilespmem:$0x10860] =	vst v63  }
0x3b: {  	_ =	swait.ge [sflag:s18], $0x4E20  }
0x3c: {  	[sflag:s18] =	ssyncset.done $0x0  }
0x3d: {  	[sflag:s18] =	ssyncadd.s32 $0xFFFFB1E0  }
0x3e: {  	[tilespmem:s19], [sflag:$0x7] =	stream.linear.gather [hbm4b:s14+s1], $0x4E20, $0x38;
	[tilespmem:$0x10860] =	vst v63  }
0x3f: {  	_ =	swait.ge [sflag:s18], $0x4E20  }
0x40: {  	[sflag:s18] =	ssyncset.done $0x0  }
0x41: {  	s26 =	simm.s32 $0x0;
	s29 =	simm.s32 $0x40;
	[sflag:s18] =	ssyncadd.s32 $0xFFFFB1E0  }
.LBB2_4:
0x42: {  	p0 =	sne.s32 s29, $0x13840;
	v2 =	vld [tilespmem:s26+$0x0];
	_ =	sdelay $0x2  }
.Ltmp1:
0x43: {  	(pc) =	sbr.rel @p0 .LBB2_4-.Ltmp1, $4  }
0x44: {  	_ = 	snop  }
0x45: {  	v2 =	vshll.u32 v2, $0x1  }
0x46: {  	v2 =	vor.u32 v0, v2  }
0x47: {  	[tilespmem:s26+$0x0] =	vst v2;
	s26 =	sshra.s32 s29, $0x2;
	s29 =	sadd.s32 $0x40, s29  }
0x48: {  	v2 =	vld [tilespmem:s26+$0x0];
	_ =	sdelay $0x4  }
0x49: {  	v2 =	vshll.u32 v2, $0x1  }
0x4a: {  	v2 =	vor.u32 v0, v2  }
0x4b: {  	[tilespmem:s26+$0x0] =	vst v2  }
0x4c: {  	s1 =	simm.s32 $0x0;
	[bflag:$0x0] =	sbarrier.arrive $0xFFFF  }
0x4d: {  	[tilespmem:s17], [sflag:$0x1] =	stream.indirect.gather [hbm4b:s4+s20], $0x20, s1, s20, $0xb8;
	[tilespmem:$0x10860] =	vst v63  }
0x4e: {  	_ = 	snop  }
0x4f: {  	[tilespmem:s21], [sflag:$0x2] =	stream.indirect.gather [hbm4b:s4+s20], $0x20, s20, s20, $0xb8;
	[tilespmem:$0x10860] =	vst v63  }
0x50: {  	_ =	swait.ge [sflag:s22], $0xA00  }
0x51: {  	[sflag:s22] =	ssyncset.done $0x0  }
0x52: {  	[sflag:s22] =	ssyncadd.s32 $0xFFFFF600  }
0x53: {  	[spmem:s2] =	stream.indirect.scatter.add.f32 [tilespmem:s17], [sflag:$0x4], $0x20, s19, s20, $0xb8;
	[tilespmem:$0x10860] =	vst v63  }
0x54: {  	s26 =	simm.s32 $0xA0  }
0x55: {  	[tilespmem:s24], [sflag:$0x3] =	stream.indirect.gather [hbm4b:s4+s20], $0x20, s26, s20, $0xb8;
	[tilespmem:$0x10860] =	vst v63  }
0x56: {  	_ =	swait.ge [sflag:s25], $0xA00  }
0x57: {  	[sflag:s25] =	ssyncset.done $0x0  }
0x58: {  	s26 =	simm.s32 $0x4E70;
	[sflag:s25] =	ssyncadd.s32 $0xFFFFF600  }
0x59: {  	[spmem:s2] =	stream.indirect.scatter.add.f32 [tilespmem:s21], [sflag:$0x5], $0x20, s26, s20, $0xb8;
	[tilespmem:$0x10860] =	vst v63  }
0x5a: {  	_ =	swait.ge [sflag:s28], $0xA00  }
0x5b: {  	[sflag:s28] =	ssyncset.done $0x0  }
0x5c: {  	s26 =	simm.s32 $0xF0;
	[sflag:s28] =	ssyncadd.s32 $0xFFFFF600  }
0x5d: {  	[tilespmem:s17], [sflag:$0x1] =	stream.indirect.gather [hbm4b:s4+s20], $0x20, s26, s20, $0xb8;
	[tilespmem:$0x10860] =	vst v63  }
0x5e: {  	_ =	swait.ge [sflag:s30], $0xA00  }
0x5f: {  	[sflag:s30] =	ssyncset.done $0x0  }
0x60: {  	s26 =	simm.s32 $0x4EC0;
	[sflag:s30] =	ssyncadd.s32 $0xFFFFF600  }
0x61: {  	[spmem:s2] =	stream.indirect.scatter.add.f32 [tilespmem:s24], [sflag:$0x6], $0x20, s26, s20, $0xb8;
	[tilespmem:$0x10860] =	vst v63  }
0x62: {  	_ =	swait.ge [sflag:s31], $0xA00  }
0x63: {  	[sflag:s31] =	ssyncset.done $0x0  }
0x64: {  	s26 =	simm.s32 $0x140;
	[sflag:s31] =	ssyncadd.s32 $0xFFFFF600  }
0x65: {  	[tilespmem:s21], [sflag:$0x2] =	stream.indirect.gather [hbm4b:s4+s20], $0x20, s26, s20, $0xb8;
	[tilespmem:$0x10860] =	vst v63  }
0x66: {  	_ =	swait.ge [sflag:s22], $0xA00  }
0x67: {  	[sflag:s22] =	ssyncset.done $0x0  }
0x68: {  	s26 =	simm.s32 $0x4F10;
	[sflag:s22] =	ssyncadd.s32 $0xFFFFF600  }
0x69: {  	[spmem:s2] =	stream.indirect.scatter.add.f32 [tilespmem:s17], [sflag:$0x4], $0x20, s26, s20, $0xb8;
	[tilespmem:$0x10860] =	vst v63  }
0x6a: {  	_ =	swait.ge [sflag:s0], $0xA00  }
0x6b: {  	[sflag:s0] =	ssyncset.done $0x0  }
0x6c: {  	s26 =	simm.s32 $0x190;
	[sflag:s0] =	ssyncadd.s32 $0xFFFFF600  }
0x6d: {  	[tilespmem:s24], [sflag:$0x3] =	stream.indirect.gather [hbm4b:s4+s20], $0x20, s26, s20, $0xb8;
	[tilespmem:$0x10860] =	vst v63  }
0x6e: {  	_ =	swait.ge [sflag:s25], $0xA00  }
0x6f: {  	[sflag:s25] =	ssyncset.done $0x0  }
0x70: {  	s26 =	simm.s32 $0x4F60;
	[sflag:s25] =	ssyncadd.s32 $0xFFFFF600  }
0x71: {  	[spmem:s2] =	stream.indirect.scatter.add.f32 [tilespmem:s21], [sflag:$0x5], $0x20, s26, s20, $0xb8;
	[tilespmem:$0x10860] =	vst v63  }
0x72: {  	_ =	swait.ge [sflag:s28], $0xA00  }
0x73: {  	[sflag:s28] =	ssyncset.done $0x0  }
0x74: {  	s29 =	simm.s32 $0x1E0;
	s26 =	simm.s32 $0x3C0;
	[sflag:s28] =	ssyncadd.s32 $0xFFFFF600  }
.LBB2_6:
0x75: {  	[tilespmem:s17], [sflag:$0x1] =	stream.indirect.gather [hbm4b:s4+s20], $0x20, s29, s20, $0xb8;
	[tilespmem:$0x10860] =	vst v63  }
0x76: {  	s1 =	smov.u32 s26  }
0x77: {  	p0 =	sne.s32 s26, $0x12FC0;
	s26 =	sadd.s32 $0x3C0, s26;
	_ =	swait.ge [sflag:s30], $0xA00  }
0x78: {  	s1 =	sshra.s32 s1, $0x2;
	[sflag:s30] =	ssyncset.done $0x0  }
0x79: {  	s29 =	sadd.s32 $0x4EC0, s1;
	[sflag:s30] =	ssyncadd.s32 $0xFFFFF600  }
0x7a: {  	[spmem:s2] =	stream.indirect.scatter.add.f32 [tilespmem:s24], [sflag:$0x6], $0x20, s29, s20, $0xb8;
	[tilespmem:$0x10860] =	vst v63  }
0x7b: {  	_ =	swait.ge [sflag:s31], $0xA00  }
0x7c: {  	[sflag:s31] =	ssyncset.done $0x0  }
0x7d: {  	s29 =	sadd.s32 $0x140, s1;
	[sflag:s31] =	ssyncadd.s32 $0xFFFFF600  }
0x7e: {  	[tilespmem:s21], [sflag:$0x2] =	stream.indirect.gather [hbm4b:s4+s20], $0x20, s29, s20, $0xb8;
	[tilespmem:$0x10860] =	vst v63  }
0x7f: {  	_ =	swait.ge [sflag:s22], $0xA00  }
0x80: {  	[sflag:s22] =	ssyncset.done $0x0  }
0x81: {  	s29 =	sadd.s32 $0x4F10, s1;
	[sflag:s22] =	ssyncadd.s32 $0xFFFFF600  }
0x82: {  	[spmem:s2] =	stream.indirect.scatter.add.f32 [tilespmem:s17], [sflag:$0x4], $0x20, s29, s20, $0xb8;
	[tilespmem:$0x10860] =	vst v63  }
0x83: {  	_ =	swait.ge [sflag:s0], $0xA00  }
0x84: {  	[sflag:s0] =	ssyncset.done $0x0  }
0x85: {  	s29 =	sadd.s32 $0x190, s1;
	[sflag:s0] =	ssyncadd.s32 $0xFFFFF600  }
0x86: {  	[tilespmem:s24], [sflag:$0x3] =	stream.indirect.gather [hbm4b:s4+s20], $0x20, s29, s20, $0xb8;
	[tilespmem:$0x10860] =	vst v63  }
0x87: {  	_ =	swait.ge [sflag:s25], $0xA00  }
0x88: {  	[sflag:s25] =	ssyncset.done $0x0  }
.Ltmp2:
0x89: {  	s29 =	sadd.s32 $0x4F60, s1;
	[sflag:s25] =	ssyncadd.s32 $0xFFFFF600;
	(pc) =	sbr.rel @p0 .LBB2_6-.Ltmp2, $4  }
0x8a: {  	[spmem:s2] =	stream.indirect.scatter.add.f32 [tilespmem:s21], [sflag:$0x5], $0x20, s29, s20, $0xb8;
	[tilespmem:$0x10860] =	vst v63  }
0x8b: {  	_ =	swait.ge [sflag:s28], $0xA00  }
0x8c: {  	[sflag:s28] =	ssyncset.done $0x0  }
0x8d: {  	s29 =	sadd.s32 $0x1E0, s1;
	[sflag:s28] =	ssyncadd.s32 $0xFFFFF600  }
0x8e: {  	[tilespmem:s17], [sflag:$0x1] =	stream.indirect.gather [hbm4b:s4+s20], $0x20, s29, s20, $0xb8;
	[tilespmem:$0x10860] =	vst v63  }
0x8f: {  	_ =	swait.ge [sflag:s30], $0xA00  }
0x90: {  	[sflag:s30] =	ssyncset.done $0x0  }
0x91: {  	s1 =	simm.s32 $0x9BA0;
	[sflag:s30] =	ssyncadd.s32 $0xFFFFF600  }
0x92: {  	[spmem:s2] =	stream.indirect.scatter.add.f32 [tilespmem:s24], [sflag:$0x6], $0x20, s1, s20, $0xb8;
	[tilespmem:$0x10860] =	vst v63  }
0x93: {  	_ =	swait.ge [sflag:s31], $0xA00  }
0x94: {  	[sflag:s31] =	ssyncset.done $0x0  }
0x95: {  	[sflag:s31] =	ssyncadd.s32 $0xFFFFF600  }
0x96: {  	_ =	swait.ge [sflag:s22], $0xA00  }
0x97: {  	[sflag:s22] =	ssyncset.done $0x0  }
0x98: {  	[sflag:s22] =	ssyncadd.s32 $0xFFFFF600  }
0x99: {  	[spmem:s2] =	stream.indirect.scatter.add.f32 [tilespmem:s17], [sflag:$0x4], $0x20, s23, s20, $0xb8;
	[tilespmem:$0x10860] =	vst v63  }
0x9a: {  	_ =	swait.ge [sflag:s0], $0xA00  }
0x9b: {  	[sflag:s0] =	ssyncset.done $0x0  }
0x9c: {  	[sflag:s0] =	ssyncadd.s32 $0xFFFFF600  }
0x9d: {  	s29 =	stileid.u32;
	_ =	swait.ge [sflag:s28], $0xA00  }
0x9e: {  	s26 =	sshrl.u32 s5, $0x3;
	s3 =	sadd.s32 $0x1, s3;
	[sflag:s28] =	ssyncset.done $0x0  }
0x9f: {  	p0 =	sne.s32 s3, s16;
	s1 =	sshll.u32 s29, $0x6;
	[sflag:s28] =	ssyncadd.s32 $0xFFFFF600  }
.Ltmp3:
0xa0: {  	s1 =	sor.u32 $0x1C07, s1;
	[bflag:$0x0] =	sbarrier.arrive $0xFFFF;
	(pc) =	sbr.rel @p0 .LBB2_1-.Ltmp3, $4  }
0xa1: {  	[hbm:s15], [sflag:s1] =	dma.local [spmem:s26], $0x9C4  }
0xa2: {  	_ =	swait.ge [sflag:s18], $0x9C4  }
0xa3: {  	[sflag:s18] =	ssyncset.done $0x0  }
0xa4: {  	[sflag:s18] =	ssyncadd.s32 $0xFFFFF63C  }
0xa5: {  	_ =	sfence.sel $0x180000  }
0xa6: {  	[bflag:$0x0] =	sbarrier.arrive $0xFFFF  }
0xa7: {  	_ =	strace $0x9000004D  }
0xa8: {  	s0 =	stileid.u32;
	[bflag:$0x2] =	sbarrier.arrive $0xFFFF  }
0xa9: {  	p0 =	sne.s32 s0, $0x0;
	s0 =	rddreg [dreg:$0x3]  }
0xaa: {  	s0 =	sadd.s32 @!p0 $0x100000, s0  }
0xab: {  	[sflag:s0] =	ssyncadd.tile.s32 @!p0 $0x1;
	_ =	shalt  }
.Lfunc_end2:
_tile_overlayer_lowered:
.L_overlay_start_2:
0xac: {  	(tag) =	ssettag $0x2  }
0xad: {  	s0 =	rddreg [dreg:$0x0];
	s2 =	stileid.u32  }
0xae: {  	s1 =	rddreg [dreg:$0x1];
	p0 =	sne.s32 s2, $0x0  }
0xaf: {  	s3 =	rddreg [dreg:$0x2];
	[bflag:$0x3] =	sbarrier.arrive $0xFFFF;
	s2 =	simm.s32 @!p0 $0x1C07  }
0xb0: {  	[timem:s3], [sflag:s2] =	dma.local @!p0 [hbm:s0], s1  }
0xb1: {  	s0 =	simm.s32 @!p0 $0x7  }
0xb2: {  	_ =	swait.ge @!p0 [sflag:s0], s1  }
0xb3: {  	s1 =	ssub.s32 @!p0 $0x0, s1;
	[sflag:s0] =	ssyncset.done @!p0 $0x0  }
0xb4: {  	[sflag:s0] =	ssyncadd.s32 @!p0 s1  }
0xb5: {  	[bflag:$0x3] =	sbarrier.arrive $0xFFFF  }
0xb6: {  	_ =	shalt  }

// kernel: kernel.8.cloned.1.call-start
scs
__scs_entry_jumppad:
0x0: {  	(pc) =	sbr.rel $0x88, $3  }
0x1: {  	(tag) =	ssettag $0x0;
	lr =	simm.s32 $0x1  }
0x2: {  	[smem:$0x3F99] =	sst lr;
	_ =	strace $0xD0000000  }
0x3: {  	_ = 	snop  }
0x4: {  	_ = 	snop  }
0x5: {  	_ = 	snop  }
0x6: {  	_ = 	snop  }
0x7: {  	_ = 	snop  }
__scs_overlays_trampoline_lowered:
0x8: {  	[smem:$0x3FA8] =	sst s0  }
0x9: {  	[smem:$0x3FA9] =	sst s1  }
0xa: {  	[smem:$0x3FAA] =	sst s2  }
0xb: {  	[smem:$0x3FAB] =	sst s3  }
0xc: {  	[smem:$0x3FAC] =	sst s4  }
0xd: {  	[smem:$0x3FAD] =	sst s5  }
0xe: {  	[smem:$0x3FAE] =	sst s6  }
0xf: {  	[smem:$0x3FAF] =	sst s7  }
0x10: {  	[smem:$0x3FB0] =	sst s8  }
0x11: {  	[smem:$0x3FB1] =	sst s9;
	s0 =	simm.s32 @!p0 $0x0  }
0x12: {  	s1 =	sld [smem:$0x3F97];
	s0 =	simm.s32 @p0 $0x1  }
0x13: {  	[smem:$0x3FB2] =	sst s0;
	s0 =	simm.s32 @!p1 $0x0  }
0x14: {  	s2 =	sld [smem:$0x3F96];
	s0 =	simm.s32 @p1 $0x1  }
0x15: {  	[smem:$0x3FB3] =	sst s0;
	s0 =	simm.s32 @!p2 $0x0  }
0x16: {  	s3 =	sld [smem:$0x3FDB];
	s0 =	simm.s32 @p2 $0x1  }
0x17: {  	s4 =	simm.s32 $0x1BF5;
	[smem:$0x3FB5] =	sst s0  }
0x18: {  	s0 =	sld [smem:$0x3F98];
	_ =	swait.ge [sflag:s4], $0x0  }
0x19: {  	s7 =	sld [smem:$0x3F99]  }
0x1a: {  	s8 =	sadd.s32 $0xFFFFE003, lr  }
0x1b: {  	s9 =	sadd.s32 $0xFFFFFEF7, lr;
	s5 =	simm.s32 $0xFFFFFFFF;
	p2 =	slt.u32 s8, $0xFFFFF086  }
0x1c: {  	p1 =	slt.u32 s9, $0xF7A;
	s5 =	simm.s32 @!p2 $0x0  }
0x1d: {  	s5 =	simm.s32 @p1 $0x1;
	p0 =	seq.s32 s7, s2  }
0x1e: {  	s7 =	smul.u32 @!p0 $0xF7A, s2;
	p2 =	seq.s32 @!p0 s5, $0x0  }
0x1f: {  	s9 =	smul.u32 $0xF7A, s1;
	s8 =	simm.s32 @!p0 $0x1BF5;
	p2 =	por !p2, p0  }
0x20: {  	[sflag:s8] =	ssyncset.s32 @!p0 $0xFFFFF086;
	s6 =	sadd.s32 @!p0 s3, s7;
	s7 =	simm.s32 @!p0 $0x108  }
0x21: {  	s3 =	sadd.s32 s3, s9;
	s6 =	sadd.s32 @!p0 $0x88, s6;
	s7 =	simm.s32 @p2 $0x1082  }
0x22: {  	[simem:s7], [sflag:s8] =	dma.local @!p0 [hbm:s6], $0xF7A  }
0x23: {  	s9 =	sor.u32 $0xD0000000, s2;
	s6 =	simm.s32 $0x108;
	_ =	swait.ge @!p0 [sflag:s8], $0x0  }
0x24: {  	s3 =	sadd.s32 $0x88, s3;
	s6 =	simm.s32 @!p1 $0x1082;
	[sflag:s4] =	ssyncset.s32 $0xFFFFF086  }
0x25: {  	[simem:s6], [sflag:s4] =	dma.local [hbm:s3], $0xF7A  }
0x26: {  	[smem:$0x3F99] =	sst s1;
	(tag) =	ssettag s2;
	_ =	strace s9  }
0x27: {  	s1 =	sld [smem:$0x3FA9]  }
0x28: {  	s2 =	sld [smem:$0x3FAA]  }
0x29: {  	s4 =	sld [smem:$0x3FAC]  }
0x2a: {  	p0 =	seq.s32 s5, $0x0;
	s5 =	sld [smem:$0x3FAD]  }
0x2b: {  	s6 =	sld [smem:$0x3FAE]  }
0x2c: {  	s7 =	sld [smem:$0x3FAF]  }
0x2d: {  	s3 =	simm.s32 $0x108;
	s8 =	sld [smem:$0x3FB0]  }
0x2e: {  	s3 =	simm.s32 @!p0 $0x1082;
	s9 =	sld [smem:$0x3FB1]  }
0x2f: {  	lr =	sadd.s32 s0, s3;
	s0 =	sld [smem:$0x3FA8]  }
0x30: {  	s3 =	sld [smem:$0x3FAB]  }
0x31: {  	[smem:$0x3FB4] =	sst s10  }
0x32: {  	s10 =	sld [smem:$0x3FB2];
	_ =	sdelay $0x3  }
0x33: {  	p0 =	seq.s32 s10, $0x1;
	s10 =	sld [smem:$0x3FB4];
	_ =	sdelay $0x3  }
0x34: {  	[smem:$0x3FB4] =	sst s10  }
0x35: {  	s10 =	sld [smem:$0x3FB3];
	_ =	sdelay $0x3  }
0x36: {  	p1 =	seq.s32 s10, $0x1;
	s10 =	sld [smem:$0x3FB4];
	_ =	sdelay $0x3  }
0x37: {  	[smem:$0x3FB4] =	sst s10  }
0x38: {  	s10 =	sld [smem:$0x3FB5]  }
0x39: {  	_ = 	snop;
	(pc) =	sbr.ind lr, $3  }
0x3a: {  	_ = 	snop  }
0x3b: {  	_ = 	snop  }
0x3c: {  	p2 =	seq.s32 s10, $0x1;
	s10 =	sld [smem:$0x3FB4]  }
0x3d: {  	_ =	shalt  }
0x3e: {  	_ =	shalt  }
0x3f: {  	_ =	shalt  }
0x40: {  	_ =	shalt  }
0x41: {  	_ =	shalt  }
0x42: {  	_ =	shalt  }
0x43: {  	_ =	shalt  }
0x44: {  	_ =	shalt  }
0x45: {  	_ =	shalt  }
0x46: {  	_ =	shalt  }
0x47: {  	_ =	shalt  }
0x48: {  	_ =	shalt  }
0x49: {  	_ =	shalt  }
0x4a: {  	_ =	shalt  }
0x4b: {  	_ =	shalt  }
0x4c: {  	_ =	shalt  }
0x4d: {  	_ =	shalt  }
0x4e: {  	_ =	shalt  }
0x4f: {  	_ =	shalt  }
0x50: {  	_ =	shalt  }
0x51: {  	_ =	shalt  }
0x52: {  	_ =	shalt  }
0x53: {  	_ =	shalt  }
0x54: {  	_ =	shalt  }
0x55: {  	_ =	shalt  }
0x56: {  	_ =	shalt  }
0x57: {  	_ =	shalt  }
0x58: {  	_ =	shalt  }
0x59: {  	_ =	shalt  }
0x5a: {  	_ =	shalt  }
0x5b: {  	_ =	shalt  }
0x5c: {  	_ =	shalt  }
0x5d: {  	_ =	shalt  }
0x5e: {  	_ =	shalt  }
0x5f: {  	_ =	shalt  }
0x60: {  	_ =	shalt  }
0x61: {  	_ =	shalt  }
0x62: {  	_ =	shalt  }
0x63: {  	_ =	shalt  }
0x64: {  	_ =	shalt  }
0x65: {  	_ =	shalt  }
0x66: {  	_ =	shalt  }
0x67: {  	_ =	shalt  }
0x68: {  	_ =	shalt  }
0x69: {  	_ =	shalt  }
0x6a: {  	_ =	shalt  }
0x6b: {  	_ =	shalt  }
0x6c: {  	_ =	shalt  }
0x6d: {  	_ =	shalt  }
0x6e: {  	_ =	shalt  }
0x6f: {  	_ =	shalt  }
0x70: {  	_ =	shalt  }
0x71: {  	_ =	shalt  }
0x72: {  	_ =	shalt  }
0x73: {  	_ =	shalt  }
0x74: {  	_ =	shalt  }
0x75: {  	_ =	shalt  }
0x76: {  	_ =	shalt  }
0x77: {  	_ =	shalt  }
0x78: {  	_ =	shalt  }
0x79: {  	_ =	shalt  }
0x7a: {  	_ =	shalt  }
0x7b: {  	_ =	shalt  }
0x7c: {  	_ =	shalt  }
0x7d: {  	_ =	shalt  }
0x7e: {  	_ =	shalt  }
0x7f: {  	_ =	shalt  }
0x80: {  	_ =	shalt  }
0x81: {  	_ =	shalt  }
0x82: {  	_ =	shalt  }
0x83: {  	_ =	shalt  }
0x84: {  	_ =	shalt  }
0x85: {  	_ =	shalt  }
0x86: {  	_ =	shalt  }
0x87: {  	_ =	shalt  }
.Lfunc_end0:
.L_simem_size_0:
called_computation_lowered:
.L_overlay_start_0:
0x88: {  	s2 =	sld [smem:$0x3FD9]  }
0x89: {  	s3 =	sld [smem:$0x3FFE];
	_ =	sdelay $0x1  }
0x8a: {  	s1 =	srdreg.scid  }
0x8b: {  	s0 =	sand.u32 $0x1, s1  }
0x8c: {  	s16 =	sshll.u32 s0, $0xA;
	s2 =	sadd.s32 s3, s2  }
0x8d: {  	s2 =	sadd.s32 s2, s16  }
0x8e: {  	[smem:$0x3FC0] =	sst s2  }
0x8f: {  	_ = 	snop  }
0x90: {  	(tm) =	ssettm $0x1  }
0x91: {  	s17 =	sld [smem:$0x3FFB];
	_ =	sdelay $0x3  }
0x92: {  	_ =	strace s17  }
0x93: {  	s2 =	sld [smem:$0x3FFC];
	_ =	sdelay $0x3  }
0x94: {  	_ =	strace s2  }
0x95: {  	s2 =	sld [smem:$0x3FFD];
	_ =	sdelay $0x3  }
0x96: {  	_ =	strace s2  }
0x97: {  	_ =	strace $0x8FFFFFFF  }
0x98: {  	s18 =	sld [smem:$0x3FDB];
	_ =	sdelay $0x1  }
0x99: {  	s19 =	simm.s32 $_scs_section_size  }
0x9a: {  	s4 =	simm.s32 $_size__tile_overlayer_lowered;
	s5 =	simm.s32 $_tile_overlayer_lowered  }
0x9b: {  	s22 =	simm.s32 $0x1BFF;
	s21 =	sshll.u32 s5, $0x1;
	s2 =	sadd.s32 s19, s18  }
0x9c: {  	s6 =	simm.s32 $0x0;
	s20 =	sshll.u32 s4, $0x1;
	s4 =	sadd.s32 s21, s2  }
0x9d: {  	[timem:s6], [sflag:s22] =	dma.local [hbm:s4], s20  }
0x9e: {  	_ =	swait.ge [sflag:s22], s20  }
0x9f: {  	s3 =	ssub.s32 $0x0, s20;
	[sflag:s22] =	ssyncset.done $0x0  }
0xa0: {  	[sflag:s22] =	ssyncadd.s32 s3;
	_ =	sdelay $0x1  }
0xa1: {  	s23 =	simm.s32 $0x1B8B  }
0xa2: {  	_ =	swait.ge [sflag:s23], $0x1  }
0xa3: {  	[sflag:s23] =	ssyncset.done $0x0  }
0xa4: {  	s25 =	simm.s32 $0x1B8E;
	s24 =	sld [smem:$0x3FFE];
	[sflag:s23] =	ssyncadd.s32 $0xFFFFFFFF  }
0xa5: {  	s26 =	simm.s32 $execute0_lowered;
	[smem:$0x3FD2] =	sst s25  }
0xa6: {  	s4 =	sshll.u32 s26, $0x1;
	_ =	strace $0x80000046;
	[dreg:$0x1] =	wrdreg $0xFFFFFFFF  }
0xa7: {  	s28 =	simm.s32 $_size_execute0_lowered;
	s2 =	sadd.s32 s2, s4;
	[dreg:$0x0] =	wrdreg $0x0  }
0xa8: {  	s4 =	sshll.u32 s28, $0x1;
	[dreg:$0x2] =	wrdreg s2  }
0xa9: {  	[dreg:$0x3] =	wrdreg s4  }
0xaa: {  	[dreg:$0x4] =	wrdreg $0xC0  }
0xab: {  	_ =	task [dreg:s6], $0x5FFFF  }
0xac: {  	[dreg:$0x1] =	wrdreg $0xFFFFFFFF  }
0xad: {  	[dreg:$0x0] =	wrdreg $0x60  }
0xae: {  	[dreg:$0x2] =	wrdreg s24  }
0xaf: {  	[dreg:$0x3] =	wrdreg $0x78700  }
0xb0: {  	[dreg:$0x4] =	wrdreg $0x9  }
0xb1: {  	_ =	task.clear_ibuf [dreg:s6], $0x5FFFF;
	_ =	strace $0x90000046  }
0xb2: {  	s29 =	simm.s32 $0x9;
	_ =	strace $0x80000048  }
0xb3: {  	_ =	swait.ge [sflag:s29], $0x1  }
0xb4: {  	[sflag:s29] =	ssyncadd.s32 $0xFFFFFFFF  }
0xb5: {  	_ =	strace $0x90000048  }
0xb6: {  	_ =	sfence  }
0xb7: {  	s30 =	sld [smem:$0x0];
	_ =	sdelay $0x2  }
0xb8: {  	s31 =	sshll.u32 s1, $0xD;
	s1 =	sshrl.u32 s1, $0x2  }
0xb9: {  	s3 =	sand.u32 $0x4000, s31;
	s1 =	sadd.s32 s1, s30  }
0xba: {  	s0 =	sor.u32 s3, s0;
	s1 =	sshll.u32 s1, $0x11  }
0xbb: {  	s0 =	sor.u32 s1, s0  }
0xbc: {  	s0 =	sadd.s32 $0x8F2B, s0  }
0xbd: {  	[sflag:s0] =	ssyncadd.remote.s32 $0x1  }
0xbe: {  	_ =	sfence.sel $0xFFFF  }
0xbf: {  	[dreg:$0x0] =	wrdreg $0xFFFFFFFF;
	(pc) =	sbr.abs _section_cstart, $3  }
0xc0: {  	[dreg:$0x1] =	wrdreg $0xFFFFFFFF  }
0xc1: {  	_ =	task.clear_ibuf [dreg:s6], $0x2FFFF;
	_ =	strace $0x9FFFFFFF  }
0xc2: {  	(tm) =	ssettm $0x7FFFFFFF  }
0xc3: {  	_ =	shalt  }
tec
execute0_lowered:
.L_overlay_start_1:
0x0: {  	(tag) =	ssettag $0x1  }
0x1: {  	s5 =	rddreg [dreg:$0x0];
	s0 =	srdreg.scid  }
0x2: {  	s2 =	rddreg [dreg:$0x1];
	s1 =	stileid.u32  }
0x3: {  	s3 =	simm.s32 $0x0;
	s12 =	simm.s32 $0x2710;
	s14 =	simm.s32 $0x4F10  }
0x4: {  	s17 =	simm.s32 $0x4F60;
	s18 =	simm.s32 $0x5160;
	s19 =	simm.s32 $0x0  }
0x5: {  	s4 =	sand.u32 $0x1, s0;
	s0 =	rddreg [dreg:$0x2];
	s8 =	smul.u32 $0x280, s1  }
0x6: {  	[smem:$0x7FF] =	sst s3;
	s15 =	sshll.u32 s1, $0x6;
	s6 =	sshll.u32 s4, $0x4  }
0x7: {  	s30 =	smul.u32 $0x2800, s4;
	_ =	strace $0x80000047;
	s9 =	ssub.s32 $0x2, s4  }
0x8: {  	s4 =	sadd.s32 $0xBC00, s5;
	s15 =	sor.u32 $0x1C01, s15;
	s13 =	sor.u32 s1, s6  }
0x9: {  	s31 =	sshrl.u32 s9, $0x1;
	s7 =	smul.u32 $0x4E2, s13;
	s6 =	sadd.s32 s8, s30  }
.Ltmp0:
0xa: {  	s11 =	ssub.s32 s9, s31;
	p0 =	sne.s32 s13, $0x0;
	(pc) =	sbr.rel .LBB2_1-.Ltmp0, $4  }
0xb: {  	s13 =	simm.s32 $0x50;
	s6 =	sshrl.u32 s6, $0x3;
	s7 =	sadd.s32 s7, s5  }
0xc: {  	v0 =	vlaneseq.u32;
	s10 =	sadd.s32 s6, s5;
	s5 =	sadd.s32 $0xC800, s5;
	s6 =	sadd.s32 $0x1C00, s7  }
0xd: {  	v1 =	vimm.f32 $0.0e+00;
	v6 =	vimm.f32 $1.000000000e+00;
	v2 =	vor.u32 $0x10, v0;
	s7 =	sadd.s32 s8, s2;
	s8 =	sadd.s32 $0x2710, s8;
	s9 =	sadd.s32 $0xBE00, s10  }
0xe: {  	v3 =	vor.u32 $0x20, v0;
	v4 =	vor.u32 $0x30, v0;
	v5 =	vor.u32 $0x40, v0;
	s10 =	smax.u32 s11, $0x1;
	s11 =	simm.s32 $0x1;
	s16 =	sshrl.u32 s7, $0x3  }
.LBB2_8:
0xf: {  	[tilespmem:s21+$0x5160] =	vst v1  }
0x10: {  	v7 =	vld [tilespmem:$0x4F60];
	_ =	sdelay $0x7  }
0x11: {  	[tilespmem:v7+s18+$0x0] =	vst.idx.msk $0xffff, v6  }
0x12: {  	v7 =	vld [tilespmem:$0x4F70];
	_ =	sdelay $0x7  }
0x13: {  	[tilespmem:v7+s18+$0x0] =	vst.idx.msk $0xffff, v6  }
0x14: {  	v7 =	vld [tilespmem:$0x4F80];
	_ =	sdelay $0x7  }
0x15: {  	[tilespmem:v7+s18+$0x0] =	vst.idx.msk $0xffff, v6  }
0x16: {  	v7 =	vld [tilespmem:$0x4F90];
	_ =	sdelay $0x7  }
0x17: {  	[tilespmem:v7+s18+$0x0] =	vst.idx.msk $0xffff, v6  }
0x18: {  	v7 =	vld [tilespmem:$0x4FA0];
	_ =	sdelay $0x7  }
0x19: {  	[tilespmem:v7+s18+$0x0] =	vst.idx.msk $0xffff, v6  }
0x1a: {  	v7 =	vld [tilespmem:$0x4FB0];
	_ =	sdelay $0x7  }
0x1b: {  	[tilespmem:v7+s18+$0x0] =	vst.idx.msk $0xffff, v6  }
0x1c: {  	v7 =	vld [tilespmem:$0x4FC0];
	_ =	sdelay $0x7  }
0x1d: {  	[tilespmem:v7+s18+$0x0] =	vst.idx.msk $0xffff, v6  }
0x1e: {  	v7 =	vld [tilespmem:$0x4FD0];
	_ =	sdelay $0x7  }
0x1f: {  	[tilespmem:v7+s18+$0x0] =	vst.idx.msk $0xffff, v6  }
0x20: {  	v7 =	vld [tilespmem:$0x4FE0];
	_ =	sdelay $0x7  }
0x21: {  	[tilespmem:v7+s18+$0x0] =	vst.idx.msk $0xffff, v6  }
0x22: {  	v7 =	vld [tilespmem:$0x4FF0];
	_ =	sdelay $0x7  }
0x23: {  	[tilespmem:v7+s18+$0x0] =	vst.idx.msk $0xffff, v6  }
0x24: {  	v7 =	vld [tilespmem:$0x5000];
	_ =	sdelay $0x7  }
0x25: {  	[tilespmem:v7+s18+$0x0] =	vst.idx.msk $0xffff, v6  }
0x26: {  	v7 =	vld [tilespmem:$0x5010];
	_ =	sdelay $0x7  }
0x27: {  	[tilespmem:v7+s18+$0x0] =	vst.idx.msk $0xffff, v6  }
0x28: {  	v7 =	vld [tilespmem:$0x5020];
	_ =	sdelay $0x7  }
0x29: {  	[tilespmem:v7+s18+$0x0] =	vst.idx.msk $0xffff, v6  }
0x2a: {  	v7 =	vld [tilespmem:$0x5030];
	_ =	sdelay $0x7  }
0x2b: {  	[tilespmem:v7+s18+$0x0] =	vst.idx.msk $0xffff, v6  }
0x2c: {  	v7 =	vld [tilespmem:$0x5040];
	_ =	sdelay $0x7  }
0x2d: {  	[tilespmem:v7+s18+$0x0] =	vst.idx.msk $0xffff, v6  }
0x2e: {  	v7 =	vld [tilespmem:$0x5050];
	_ =	sdelay $0x7  }
0x2f: {  	[tilespmem:v7+s18+$0x0] =	vst.idx.msk $0xffff, v6  }
0x30: {  	v7 =	vld [tilespmem:$0x5060];
	_ =	sdelay $0x7  }
0x31: {  	[tilespmem:v7+s18+$0x0] =	vst.idx.msk $0xffff, v6  }
0x32: {  	v7 =	vld [tilespmem:$0x5070];
	_ =	sdelay $0x7  }
0x33: {  	[tilespmem:v7+s18+$0x0] =	vst.idx.msk $0xffff, v6  }
0x34: {  	v7 =	vld [tilespmem:$0x5080];
	_ =	sdelay $0x7  }
0x35: {  	[tilespmem:v7+s18+$0x0] =	vst.idx.msk $0xffff, v6  }
0x36: {  	v7 =	vld [tilespmem:$0x5090];
	_ =	sdelay $0x7  }
0x37: {  	[tilespmem:v7+s18+$0x0] =	vst.idx.msk $0xffff, v6  }
0x38: {  	v7 =	vld [tilespmem:$0x50A0];
	_ =	sdelay $0x7  }
0x39: {  	[tilespmem:v7+s18+$0x0] =	vst.idx.msk $0xffff, v6  }
0x3a: {  	v7 =	vld [tilespmem:$0x50B0];
	_ =	sdelay $0x7  }
0x3b: {  	[tilespmem:v7+s18+$0x0] =	vst.idx.msk $0xffff, v6  }
0x3c: {  	v7 =	vld [tilespmem:$0x50C0];
	_ =	sdelay $0x7  }
0x3d: {  	[tilespmem:v7+s18+$0x0] =	vst.idx.msk $0xffff, v6  }
0x3e: {  	v7 =	vld [tilespmem:$0x50D0];
	_ =	sdelay $0x7  }
0x3f: {  	[tilespmem:v7+s18+$0x0] =	vst.idx.msk $0xffff, v6  }
0x40: {  	v7 =	vld [tilespmem:$0x50E0];
	_ =	sdelay $0x7  }
0x41: {  	[tilespmem:v7+s18+$0x0] =	vst.idx.msk $0xffff, v6  }
0x42: {  	v7 =	vld [tilespmem:$0x50F0];
	_ =	sdelay $0x7  }
0x43: {  	[tilespmem:v7+s18+$0x0] =	vst.idx.msk $0xffff, v6  }
0x44: {  	v7 =	vld [tilespmem:$0x5100];
	_ =	sdelay $0x7  }
0x45: {  	[tilespmem:v7+s18+$0x0] =	vst.idx.msk $0xffff, v6  }
0x46: {  	v7 =	vld [tilespmem:$0x5110];
	_ =	sdelay $0x7  }
0x47: {  	[tilespmem:v7+s18+$0x0] =	vst.idx.msk $0xffff, v6  }
0x48: {  	v7 =	vld [tilespmem:$0x5120];
	_ =	sdelay $0x7  }
0x49: {  	[tilespmem:v7+s18+$0x0] =	vst.idx.msk $0xffff, v6  }
0x4a: {  	v7 =	vld [tilespmem:$0x5130];
	_ =	sdelay $0x7  }
0x4b: {  	[tilespmem:v7+s18+$0x0] =	vst.idx.msk $0xffff, v6  }
0x4c: {  	v7 =	vld [tilespmem:$0x5140];
	_ =	sdelay $0x7  }
0x4d: {  	[tilespmem:v7+s18+$0x0] =	vst.idx.msk $0xffff, v6  }
0x4e: {  	v7 =	vld [tilespmem:$0x5150];
	_ =	sdelay $0x7  }
0x4f: {  	[tilespmem:v7+s18+$0x0] =	vst.idx.msk $0xffff, v6  }
0x50: {  	[hbm4b:s5+s3] =	stream.linear.scatter [tilespmem:s18], [sflag:$0x1], $0x2710, $0x38;
	[tilespmem:$0x7AF0] =	vst v63  }
0x51: {  	_ =	swait.ge [sflag:s11], $0x2710  }
0x52: {  	[sflag:s11] =	ssyncset.done $0x0  }
0x53: {  	[sflag:s11] =	ssyncadd.s32 $0xFFFFD8F0  }
.LBB2_9:
0x54: {  	s19 =	sadd.s32 $0x1, s19  }
0x55: {  	p1 =	sne.s32 s19, s10  }
.Ltmp1:
0x56: {  	_ = 	snop;
	(pc) =	sbr.rel @!p1 .LBB2_10-.Ltmp1, $1  }
0x57: {  	_ =	sdelay $0x3  }
.LBB2_1:
0x58: {  	[tilespmem:s3], [sflag:$0x1] =	stream.linear.gather [hbm4b:s6+s3], $0x2710, $0x38;
	[tilespmem:$0x7AF0] =	vst v63  }
0x59: {  	_ =	swait.ge [sflag:s11], $0x2710  }
0x5a: {  	[sflag:s11] =	ssyncset.done $0x0  }
0x5b: {  	s20 =	simm.s32 $0x70;
	s21 =	simm.s32 $0x3C0;
	[sflag:s11] =	ssyncadd.s32 $0xFFFFD8F0  }
.LBB2_2:
0x5c: {  	p1 =	sne.s32 s21, $0x9FC0;
	[tilespmem:s20+$0x2710] =	vst v1  }
0x5d: {  	[tilespmem:s20+$0x26A0] =	vst v1  }
0x5e: {  	[tilespmem:s20+$0x26B0] =	vst v1  }
.Ltmp2:
0x5f: {  	[tilespmem:s20+$0x26C0] =	vst v1;
	(pc) =	sbr.rel @p1 .LBB2_2-.Ltmp2, $4  }
0x60: {  	[tilespmem:s20+$0x26D0] =	vst v1  }
0x61: {  	[tilespmem:s20+$0x26E0] =	vst v1  }
0x62: {  	[tilespmem:s20+$0x26F0] =	vst v1  }
0x63: {  	[tilespmem:s20+$0x2700] =	vst v1;
	s20 =	sshra.s32 s21, $0x2;
	s21 =	sadd.s32 $0x200, s21  }
0x64: {  	[tilespmem:s20+$0x2710] =	vst v1  }
0x65: {  	[tilespmem:s20+$0x26A0] =	vst v1  }
0x66: {  	[tilespmem:s20+$0x26B0] =	vst v1  }
0x67: {  	[tilespmem:s20+$0x26C0] =	vst v1  }
0x68: {  	[tilespmem:s20+$0x26D0] =	vst v1  }
0x69: {  	[tilespmem:s20+$0x26E0] =	vst v1  }
0x6a: {  	[tilespmem:s20+$0x26F0] =	vst v1  }
0x6b: {  	[tilespmem:s20+$0x2700] =	vst v1  }
0x6c: {  	[tilespmem:$0x4F10] =	vst v0  }
0x6d: {  	[tilespmem:$0x4F20] =	vst v2  }
0x6e: {  	[tilespmem:$0x4F30] =	vst v3  }
0x6f: {  	[tilespmem:$0x4F40] =	vst v4  }
0x70: {  	[tilespmem:$0x4F50] =	vst v5  }
0x71: {  	[spmem:s7] =	stream.linear.scatter [tilespmem:s8], [sflag:$0x1], $0x280, $0x38;
	[tilespmem:$0x7AF0] =	vst v63  }
0x72: {  	_ =	swait.ge [sflag:s11], $0x280  }
0x73: {  	[sflag:s11] =	ssyncset.done $0x0  }
0x74: {  	s21 =	simm.s32 $0x0;
	s20 =	simm.s32 $0x40;
	[sflag:s11] =	ssyncadd.s32 $0xFFFFFD80  }
.LBB2_4:
0x75: {  	p1 =	sne.s32 s20, $0x9C00;
	v7 =	vld [tilespmem:s21+$0x0];
	_ =	sdelay $0x3  }
.Ltmp3:
0x76: {  	(pc) =	sbr.rel @p1 .LBB2_4-.Ltmp3, $2  }
0x77: {  	_ =	sdelay $0x2  }
0x78: {  	s21 =	sshra.s32 s20, $0x2;
	s20 =	sadd.s32 $0x40, s20;
	[tilespmem:v7+s12+$0x0] =	vst.idx.add.f32.msk $0xffff, v6  }
0x79: {  	v7 =	vld [tilespmem:s21+$0x0];
	_ =	sdelay $0x7  }
0x7a: {  	[tilespmem:v7+s12+$0x0] =	vst.idx.add.f32.msk $0xffff, v6  }
0x7b: {  	[bflag:$0x0] =	sbarrier.arrive $0xFFFF  }
0x7c: {  	[spmem:s2] =	stream.indirect.scatter.add.f32 [tilespmem:s12], [sflag:$0x1], $0x80, s14, s13, $0xb8;
	[tilespmem:$0x7AF0] =	vst v63  }
0x7d: {  	_ =	swait.ge [sflag:s11], $0x2800  }
0x7e: {  	[sflag:s11] =	ssyncset.done $0x0  }
0x7f: {  	[sflag:s11] =	ssyncadd.s32 $0xFFFFD800  }
.Ltmp4:
0x80: {  	[bflag:$0x0] =	sbarrier.arrive $0xFFFF;
	(pc) =	sbr.rel @p0 .LBB2_9-.Ltmp4, $4  }
0x81: {  	[hbm:s9], [sflag:s15] =	dma.local [spmem:s16], $0x50  }
0x82: {  	_ =	swait.ge [sflag:s11], $0x50  }
0x83: {  	[sflag:s11] =	ssyncset.done $0x0  }
0x84: {  	[sflag:s11] =	ssyncadd.s32 $0xFFFFFFB0  }
0x85: {  	s20 =	simm.s32 $0x0  }
0x86: {  	[tilespmem:s17], [sflag:$0x1] =	stream.linear.gather [hbm4b:s4+s20], $0x200, $0x38;
	[tilespmem:$0x7AF0] =	vst v63  }
0x87: {  	_ =	swait.ge [sflag:s11], $0x200  }
0x88: {  	[sflag:s11] =	ssyncset.done $0x0  }
0x89: {  	s21 =	simm.s32 $0x0;
	s20 =	simm.s32 $0x40;
	[sflag:s11] =	ssyncadd.s32 $0xFFFFFE00  }
.LBB2_7:
0x8a: {  	p1 =	sne.s32 s20, $0x9C00;
	[tilespmem:s21+$0x5160] =	vst v1;
	s21 =	smov.u32 s20;
	s20 =	sadd.s32 $0x40, s20  }
.Ltmp5:
0x8b: {  	(pc) =	sbr.rel @p1 .LBB2_7-.Ltmp5, $2  }
0x8c: {  	_ =	sdelay $0x2  }
0x8d: {  	s21 =	sshra.s32 s21, $0x2  }
.Ltmp6:
0x8e: {  	_ = 	snop;
	(pc) =	sbr.rel .LBB2_8-.Ltmp6, $1  }
0x8f: {  	_ =	sdelay $0x3  }
.LBB2_10:
0x90: {  	_ =	sfence.sel $0x180000  }
0x91: {  	[bflag:$0x0] =	sbarrier.arrive $0xFFFF  }
0x92: {  	p0 =	sne.s32 s1, $0x0;
	_ =	strace $0x90000047  }
0x93: {  	s0 =	sadd.s32 @!p0 $0x100000, s0;
	[bflag:$0x2] =	sbarrier.arrive $0xFFFF  }
0x94: {  	[sflag:s0] =	ssyncadd.tile.s32 @!p0 $0x1;
	_ =	shalt  }
.Lfunc_end2:
_tile_overlayer_lowered:
.L_overlay_start_2:
0x95: {  	(tag) =	ssettag $0x2  }
0x96: {  	s0 =	rddreg [dreg:$0x0];
	s2 =	stileid.u32  }
0x97: {  	s1 =	rddreg [dreg:$0x1];
	p0 =	sne.s32 s2, $0x0  }
0x98: {  	s3 =	rddreg [dreg:$0x2];
	[bflag:$0x3] =	sbarrier.arrive $0xFFFF;
	s2 =	simm.s32 @!p0 $0x1C01  }
0x99: {  	[timem:s3], [sflag:s2] =	dma.local @!p0 [hbm:s0], s1  }
0x9a: {  	s0 =	simm.s32 @!p0 $0x1  }
0x9b: {  	_ =	swait.ge @!p0 [sflag:s0], s1  }
0x9c: {  	s1 =	ssub.s32 @!p0 $0x0, s1;
	[sflag:s0] =	ssyncset.done @!p0 $0x0  }
0x9d: {  	[sflag:s0] =	ssyncadd.s32 @!p0 s1  }
0x9e: {  	[bflag:$0x3] =	sbarrier.arrive $0xFFFF  }
0x9f: {  	_ =	shalt  }

</sc_bundles>
